<compile_context>
chip_gen: v7x
topology: tpu7x:2x2x1
jax: 0.10.2.dev20260603
libtpu: 0.0.44.dev20260713+nightly
codegen_flags: <defaults>
</compile_context>

<pallas_src>
import functools

import jax
import jax.numpy as jnp
import numpy as np
from jax import lax
from jax.experimental import pallas as pl
from jax.experimental.pallas import tpu as pltpu
from jax.experimental.pallas import tpu_sc as plsc

NUM_LEVELS = 16
FEATS = 2
HSIZE = 2 ** 19
MASK = HSIZE - 1
BASE_RES = 16
FINEST_RES = 512
_B_GROWTH = np.exp((np.log(FINEST_RES) - np.log(BASE_RES)) / (NUM_LEVELS - 1))
RES = [int(np.floor(BASE_RES * (_B_GROWTH ** l))) for l in range(NUM_LEVELS)]

C2 = 73856093
C3 = 19349663
PAIRS = [(0, 0), (0, 1), (1, 0), (1, 1)]
OFFQ = [dy * C2 + dz * C3 for (dy, dz) in PAIRS]

NC, NS = 2, 16
NW = NC * NS
CH = 1024
NPAIR = CH * 4
GB = 128
G = NPAIR // GB

_MESH = dict(core_axis_name="c", subcore_axis_name="s",
             num_cores=NC, num_subcores=NS)
_PARAMS = pltpu.CompilerParams(
    needs_layout_passes=False, use_tc_tiling_on_sc=False)


def _sc_encode(px, py, pz, tq, resm1, n_points):
    pts_w = n_points // NW
    nch = pts_w // CH

    @functools.partial(
        pl.kernel,
        mesh=plsc.VectorSubcoreMesh(**_MESH),
        compiler_params=_PARAMS,
        out_type=jax.ShapeDtypeStruct((n_points * 2 * NUM_LEVELS,), jnp.float32),
        scratch_types=[
            pltpu.VMEM((CH,), jnp.float32),
            pltpu.VMEM((CH,), jnp.float32),
            pltpu.VMEM((CH,), jnp.float32),
            pltpu.VMEM((G, GB), jnp.int32),
            pltpu.VMEM((G, GB, 8), jnp.float32),
            pltpu.VMEM((CH * 2 * NUM_LEVELS,), jnp.float32),
            pltpu.VMEM((NUM_LEVELS,), jnp.float32),
            pltpu.SemaphoreType.DMA,
        ],
    )
    def body(px_hbm, py_hbm, pz_hbm, tq_hbm, resm1_hbm, out_hbm,
             px_v, py_v, pz_v, idx_v, rows_v, out_v, res_v, sem):
        wid = lax.axis_index("c") * NS + lax.axis_index("s")
        iota = lax.iota(jnp.int32, 16)
        dup8 = iota >> 1
        lane_f = iota & 1
        rowpat4 = dup8 * 4
        col_a = lane_f
        col_b = lane_f + 2
        colq = iota * 4
        outpat0 = dup8 * (2 * NUM_LEVELS) + lane_f
        pltpu.sync_copy(resm1_hbm, res_v)

        @pl.loop(0, nch)
        def _chunk(ci):
            base = wid * pts_w + ci * CH
            pltpu.sync_copy(px_hbm.at[pl.ds(base, CH)], px_v)
            pltpu.sync_copy(py_hbm.at[pl.ds(base, CH)], py_v)
            pltpu.sync_copy(pz_hbm.at[pl.ds(base, CH)], pz_v)

            @pl.loop(0, NUM_LEVELS)
            def _level(level):
                lsplat = jnp.full((16,), level, jnp.int32)
                rm1 = plsc.load_gather(res_v, [lsplat])
                loff = level * HSIZE
                outpat = outpat0 + 2 * level

                @pl.loop(0, G)
                def _ia(g):
                    for h16 in range(2):
                        p0 = g * 32 + h16 * 16
                        xx = px_v[pl.ds(p0, 16)]
                        yy = py_v[pl.ds(p0, 16)]
                        zz = pz_v[pl.ds(p0, 16)]
                        xb = (((xx + 1.0) * 0.5) * rm1).astype(jnp.int32)
                        yb = (((yy + 1.0) * 0.5) * rm1).astype(jnp.int32)
                        zb = (((zz + 1.0) * 0.5) * rm1).astype(jnp.int32)
                        h = xb + yb * jnp.int32(C2) + zb * jnp.int32(C3)
                        grow = jnp.full((16,), g, jnp.int32)
                        for q in range(4):
                            v = ((h + jnp.int32(OFFQ[q])) & jnp.int32(MASK)) + loff
                            plsc.store_scatter(
                                idx_v, [grow, colq + (h16 * 64 + q)], v)

                @pl.loop(0, G)
                def _fire(g):
                    pltpu.make_async_copy(
                        tq_hbm.at[idx_v.at[g]], rows_v.at[g], sem).start()

                @pl.loop(0, G)
                def _drain(g):
                    pltpu.make_async_copy(
                        tq_hbm.at[idx_v.at[g]], rows_v.at[g], sem).wait()

                @pl.loop(0, G)
                def _ib(g):
                    rows_g = rows_v.at[g]
                    for s in range(4):
                        pid = dup8 + (g * 32 + s * 8)
                        xx = plsc.load_gather(px_v, [pid])
                        yy = plsc.load_gather(py_v, [pid])
                        zz = plsc.load_gather(pz_v, [pid])
                        xs = ((xx + 1.0) * 0.5) * rm1
                        ys = ((yy + 1.0) * 0.5) * rm1
                        zs = ((zz + 1.0) * 0.5) * rm1
                        fx = xs - xs.astype(jnp.int32).astype(jnp.float32)
                        fy = ys - ys.astype(jnp.int32).astype(jnp.float32)
                        fz = zs - zs.astype(jnp.int32).astype(jnp.float32)
                        gx = 1.0 - fx
                        gy = 1.0 - fy
                        gz = 1.0 - fz
                        wyz = [gy * gz, gy * fz, fy * gz, fy * fz]
                        acc = jnp.zeros((16,), jnp.float32)
                        for q in range(4):
                            rowq = rowpat4 + (s * 32 + q)
                            a = plsc.load_gather(rows_g, [rowq, col_a])
                            b = plsc.load_gather(rows_g, [rowq, col_b])
                            acc = acc + (wyz[q] * gx) * a + (wyz[q] * fx) * b
                        oidx = outpat + (g * 1024 + s * 256)
                        plsc.store_scatter(out_v, [oidx], acc)

            pltpu.sync_copy(
                out_v, out_hbm.at[pl.ds(base * (2 * NUM_LEVELS),
                                        CH * 2 * NUM_LEVELS)])

    return body(px, py, pz, tq, resm1)


def kernel(positions, hash_tables):
    bsz, ns, _ = positions.shape
    n = bsz * ns
    pos = positions.reshape(n, 3)
    px = pos[:, 0]
    py = pos[:, 1]
    pz = pos[:, 2]
    tpad = jnp.concatenate([hash_tables, hash_tables[:, :3]], axis=1)
    tq = jnp.concatenate(
        [tpad[:, 0:HSIZE], tpad[:, 1:HSIZE + 1],
         tpad[:, 2:HSIZE + 2], tpad[:, 3:HSIZE + 3]], axis=2)
    tq = tq.reshape(NUM_LEVELS * HSIZE, 4 * FEATS)
    resm1 = jnp.asarray(np.asarray(RES, np.float32) - 1.0)
    out = _sc_encode(px, py, pz, tq, resm1, n)
    return out.reshape(bsz, ns, 2 * NUM_LEVELS)

# --- scband reference (transcript-rebuilt; emitter-appended) ---
"""Pipeline reference for scband-hash-grid-encoder-26027501814303 (READ-ONLY COPY).

The authoritative reference and input builder live on the scoring server;
editing this copy changes nothing except your own understanding.
"""

import jax, jax.numpy as jnp
import numpy as np

NUM_LEVELS = 16
FEATS = 2
HSIZE = 2 ** 19
BASE_RES = 16
FINEST_RES = 512
B_GROWTH = np.exp((np.log(FINEST_RES) - np.log(BASE_RES)) / (NUM_LEVELS - 1))


def _hash_fn(coords):
    # coords: int32 [N, 3]; int32 arithmetic wraps like torch .int()
    x = coords[:, 0].astype(jnp.int32)
    y = coords[:, 1].astype(jnp.int32)
    z = coords[:, 2].astype(jnp.int32)
    hashed = x * jnp.int32(1) + y * jnp.int32(73856093) + z * jnp.int32(19349663)
    # floored mod with positive divisor -> nonnegative, matches torch semantics
    return jnp.mod(hashed, jnp.int32(HSIZE))


def _encode(positions, hash_tables):
    pos = (positions + 1.0) / 2.0
    bsz, ns, _ = pos.shape
    encoded = []
    for level in range(NUM_LEVELS):
        resolution = int(np.floor(BASE_RES * (B_GROWTH ** level)))
        scaled = pos * (resolution - 1)
        base = jnp.floor(scaled).astype(jnp.int32)
        frac = scaled - base.astype(jnp.float32)
        base_flat = base.reshape(-1, 3)
        frac_flat = frac.reshape(-1, 3)
        acc = jnp.zeros((bsz * ns, FEATS), dtype=jnp.float32)
        for dx in (0, 1):
            for dy in (0, 1):
                for dz in (0, 1):
                    corner = base_flat + jnp.array([dx, dy, dz], dtype=jnp.int32)
                    idx = _hash_fn(corner)
                    corner_feats = jnp.take(hash_tables[level], idx, axis=0)
                    wx = frac_flat[:, 0] if dx == 1 else 1.0 - frac_flat[:, 0]
                    wy = frac_flat[:, 1] if dy == 1 else 1.0 - frac_flat[:, 1]
                    wz = frac_flat[:, 2] if dz == 1 else 1.0 - frac_flat[:, 2]
                    w = wx * wy * wz
                    acc = acc + corner_feats * w[:, None]
        encoded.append(acc.reshape(bsz, ns, FEATS))
    return jnp.concatenate(encoded, axis=-1)


def setup_inputs(seed: int = 0) -> dict:
    key = jax.random.key(seed)
    k1, k2 = jax.random.split(key)
    positions = jax.random.uniform(k1, (4096, 128, 3), dtype=jnp.float32)
    hash_tables = jax.random.normal(k2, (NUM_LEVELS, HSIZE, FEATS), dtype=jnp.float32) * 0.01
    return {"positions": positions, "hash_tables": hash_tables}


def reference(positions, hash_tables):
    return _encode(positions, hash_tables)

if __name__ == "__main__":
    import jax
    _d = setup_inputs()
    print(jax.jit(kernel)(*tuple(_d.values())))

</pallas_src>

<mosaic_0001>
#map = affine_map<(d0, d1) -> (0)>
#map1 = affine_map<(d0, d1) -> (0, 0)>
module attributes {stable_mosaic.version = 14 : i64} {
  func.func @body(%arg0: i32, %arg1: i32, %arg2: memref<524288xf32, #tpu.memory_space<hbm>>, %arg3: memref<524288xf32, #tpu.memory_space<hbm>>, %arg4: memref<524288xf32, #tpu.memory_space<hbm>>, %arg5: memref<8388608x8xf32, #tpu.memory_space<hbm>>, %arg6: memref<16xf32, #tpu.memory_space<hbm>>, %arg7: memref<16777216xf32, #tpu.memory_space<hbm>>, %arg8: memref<1024xf32, #tpu.memory_space<vmem>>, %arg9: memref<1024xf32, #tpu.memory_space<vmem>>, %arg10: memref<1024xf32, #tpu.memory_space<vmem>>, %arg11: memref<32x128xi32, #tpu.memory_space<vmem>>, %arg12: memref<32x128x8xf32, #tpu.memory_space<vmem>>, %arg13: memref<32768xf32, #tpu.memory_space<vmem>>, %arg14: memref<16xf32, #tpu.memory_space<vmem>>, %arg15: memref<!tpu.dma_semaphore, #tpu.memory_space<semaphore_mem>>) attributes {dimension_semantics = [#tpu.dimension_semantics<core_parallel>, #tpu.dimension_semantics<subcore_parallel>], iteration_bounds = array<i64: 2, 16>, scalar_prefetch = 0 : i64, scratch_operands = 8 : i64, tpu.core_type = #tpu.core_type<sc_vector_subcore>, window_params = [{transform_indices = #map}, {transform_indices = #map}, {transform_indices = #map}, {transform_indices = #map1}, {transform_indices = #map}, {transform_indices = #map}]} {
    %mul3A = arith.constant 16 : i32
    %mul3A_0 = arith.muli %arg0, %mul3A : i32
    %add3A = arith.addi %mul3A_0, %arg1 : i32
    %iota3A = tpu.iota {dimensions = array<i32: 0>} : vector<16xi32>
    %shift_right_arithmetic3A = arith.constant 1 : i32
    %shift_right_arithmetic3A_1 = vector.broadcast %shift_right_arithmetic3A : i32 to vector<16xi32>
    %shift_right_arithmetic3A_2 = arith.shrsi %iota3A, %shift_right_arithmetic3A_1 : vector<16xi32>
    %and3A = arith.constant 1 : i32
    %and3A_3 = vector.broadcast %and3A : i32 to vector<16xi32>
    %and3A_4 = arith.andi %iota3A, %and3A_3 : vector<16xi32>
    %mul3A_5 = arith.constant 4 : i32
    %mul3A_6 = vector.broadcast %mul3A_5 : i32 to vector<16xi32>
    %mul3A_7 = arith.muli %shift_right_arithmetic3A_2, %mul3A_6 : vector<16xi32>
    %add3A_8 = arith.constant 2 : i32
    %add3A_9 = vector.broadcast %add3A_8 : i32 to vector<16xi32>
    %add3A_10 = arith.addi %and3A_4, %add3A_9 : vector<16xi32>
    %mul3A_11 = arith.constant 4 : i32
    %mul3A_12 = vector.broadcast %mul3A_11 : i32 to vector<16xi32>
    %mul3A_13 = arith.muli %iota3A, %mul3A_12 : vector<16xi32>
    %mul3A_14 = arith.constant 32 : i32
    %mul3A_15 = vector.broadcast %mul3A_14 : i32 to vector<16xi32>
    %mul3A_16 = arith.muli %shift_right_arithmetic3A_2, %mul3A_15 : vector<16xi32>
    %add3A_17 = arith.addi %mul3A_16, %and3A_4 : vector<16xi32>
    "tpu.region"() ({
      %run_scoped3A = tpu.sem_alloc : memref<!tpu.dma_semaphore, #tpu.memory_space<semaphore_mem>>
      tpu.enqueue_dma source(%arg6 : memref<16xf32, #tpu.memory_space<hbm>>) target(%arg14 : memref<16xf32, #tpu.memory_space<vmem>>) target_semaphore(%run_scoped3A : memref<!tpu.dma_semaphore, #tpu.memory_space<semaphore_mem>>)
      tpu.wait_dma2 semaphore(%run_scoped3A : memref<!tpu.dma_semaphore, #tpu.memory_space<semaphore_mem>>) src(%arg6 : memref<16xf32, #tpu.memory_space<hbm>>) dst(%arg14 : memref<16xf32, #tpu.memory_space<vmem>>)
      tpu.yield
    }) : () -> ()
    %scan3A = arith.constant 0 : i32
    %scan3A_18 = arith.constant 16 : i32
    %scan3A_19 = arith.addi %scan3A, %scan3A_18 : i32
    %scan3A_20 = arith.constant 1 : i32
    scf.for %scan3A_22 = %scan3A to %scan3A_19 step %scan3A_20  : i32 {
      %mul3A_23 = arith.constant 1 : i32
      %mul3A_24 = arith.muli %scan3A_22, %mul3A_23 : i32
      %add3A_25 = arith.constant 0 : i32
      %add3A_26 = arith.addi %add3A_25, %mul3A_24 : i32
      %mul3A_27 = arith.constant 16384 : i32
      %mul3A_28 = arith.muli %add3A, %mul3A_27 : i32
      %mul3A_29 = arith.constant 1024 : i32
      %mul3A_30 = arith.muli %add3A_26, %mul3A_29 : i32
      %add3A_31 = arith.addi %mul3A_28, %mul3A_30 : i32
      "tpu.region"() ({
        %run_scoped3A = tpu.sem_alloc : memref<!tpu.dma_semaphore, #tpu.memory_space<semaphore_mem>>
        %dma_start3A = tpu.memref_slice %arg2[%add3A_31] : memref<524288xf32, #tpu.memory_space<hbm>> -> memref<1024xf32, #tpu.memory_space<hbm>>
        %dma_start3A_39 = tpu.memref_slice %arg2[%add3A_31] : memref<524288xf32, #tpu.memory_space<hbm>> -> memref<1024xf32, #tpu.memory_space<hbm>>
        tpu.enqueue_dma source(%dma_start3A_39 : memref<1024xf32, #tpu.memory_space<hbm>>) target(%arg8 : memref<1024xf32, #tpu.memory_space<vmem>>) target_semaphore(%run_scoped3A : memref<!tpu.dma_semaphore, #tpu.memory_space<semaphore_mem>>)
        %dma_wait3A = tpu.memref_slice %arg2[%add3A_31] : memref<524288xf32, #tpu.memory_space<hbm>> -> memref<1024xf32, #tpu.memory_space<hbm>>
        %dma_wait3A_40 = tpu.memref_slice %arg2[%add3A_31] : memref<524288xf32, #tpu.memory_space<hbm>> -> memref<1024xf32, #tpu.memory_space<hbm>>
        tpu.wait_dma2 semaphore(%run_scoped3A : memref<!tpu.dma_semaphore, #tpu.memory_space<semaphore_mem>>) src(%dma_wait3A_40 : memref<1024xf32, #tpu.memory_space<hbm>>) dst(%arg8 : memref<1024xf32, #tpu.memory_space<vmem>>)
        tpu.yield
      }) : () -> ()
      "tpu.region"() ({
        %run_scoped3A = tpu.sem_alloc : memref<!tpu.dma_semaphore, #tpu.memory_space<semaphore_mem>>
        %dma_start3A = tpu.memref_slice %arg3[%add3A_31] : memref<524288xf32, #tpu.memory_space<hbm>> -> memref<1024xf32, #tpu.memory_space<hbm>>
        %dma_start3A_39 = tpu.memref_slice %arg3[%add3A_31] : memref<524288xf32, #tpu.memory_space<hbm>> -> memref<1024xf32, #tpu.memory_space<hbm>>
        tpu.enqueue_dma source(%dma_start3A_39 : memref<1024xf32, #tpu.memory_space<hbm>>) target(%arg9 : memref<1024xf32, #tpu.memory_space<vmem>>) target_semaphore(%run_scoped3A : memref<!tpu.dma_semaphore, #tpu.memory_space<semaphore_mem>>)
        %dma_wait3A = tpu.memref_slice %arg3[%add3A_31] : memref<524288xf32, #tpu.memory_space<hbm>> -> memref<1024xf32, #tpu.memory_space<hbm>>
        %dma_wait3A_40 = tpu.memref_slice %arg3[%add3A_31] : memref<524288xf32, #tpu.memory_space<hbm>> -> memref<1024xf32, #tpu.memory_space<hbm>>
        tpu.wait_dma2 semaphore(%run_scoped3A : memref<!tpu.dma_semaphore, #tpu.memory_space<semaphore_mem>>) src(%dma_wait3A_40 : memref<1024xf32, #tpu.memory_space<hbm>>) dst(%arg9 : memref<1024xf32, #tpu.memory_space<vmem>>)
        tpu.yield
      }) : () -> ()
      "tpu.region"() ({
        %run_scoped3A = tpu.sem_alloc : memref<!tpu.dma_semaphore, #tpu.memory_space<semaphore_mem>>
        %dma_start3A = tpu.memref_slice %arg4[%add3A_31] : memref<524288xf32, #tpu.memory_space<hbm>> -> memref<1024xf32, #tpu.memory_space<hbm>>
        %dma_start3A_39 = tpu.memref_slice %arg4[%add3A_31] : memref<524288xf32, #tpu.memory_space<hbm>> -> memref<1024xf32, #tpu.memory_space<hbm>>
        tpu.enqueue_dma source(%dma_start3A_39 : memref<1024xf32, #tpu.memory_space<hbm>>) target(%arg10 : memref<1024xf32, #tpu.memory_space<vmem>>) target_semaphore(%run_scoped3A : memref<!tpu.dma_semaphore, #tpu.memory_space<semaphore_mem>>)
        %dma_wait3A = tpu.memref_slice %arg4[%add3A_31] : memref<524288xf32, #tpu.memory_space<hbm>> -> memref<1024xf32, #tpu.memory_space<hbm>>
        %dma_wait3A_40 = tpu.memref_slice %arg4[%add3A_31] : memref<524288xf32, #tpu.memory_space<hbm>> -> memref<1024xf32, #tpu.memory_space<hbm>>
        tpu.wait_dma2 semaphore(%run_scoped3A : memref<!tpu.dma_semaphore, #tpu.memory_space<semaphore_mem>>) src(%dma_wait3A_40 : memref<1024xf32, #tpu.memory_space<hbm>>) dst(%arg10 : memref<1024xf32, #tpu.memory_space<vmem>>)
        tpu.yield
      }) : () -> ()
      %scan3A_32 = arith.constant 0 : i32
      %scan3A_33 = arith.constant 16 : i32
      %scan3A_34 = arith.addi %scan3A_32, %scan3A_33 : i32
      %scan3A_35 = arith.constant 1 : i32
      scf.for %scan3A_39 = %scan3A_32 to %scan3A_34 step %scan3A_35  : i32 {
        %mul3A_40 = arith.constant 1 : i32
        %mul3A_41 = arith.muli %scan3A_39, %mul3A_40 : i32
        %add3A_42 = arith.constant 0 : i32
        %add3A_43 = arith.addi %add3A_42, %mul3A_41 : i32
        %broadcast_in_dim3A = vector.broadcast %add3A_43 : i32 to vector<16xi32>
        %gather3A = tpu.vector_load_idx %arg14[%broadcast_in_dim3A] : memref<16xf32, #tpu.memory_space<vmem>>[vector<16xi32>], vector<16xf32>,
        %mul3A_44 = arith.constant 524288 : i32
        %mul3A_45 = arith.muli %add3A_43, %mul3A_44 : i32
        %mul3A_46 = arith.constant 2 : i32
        %mul3A_47 = arith.muli %mul3A_46, %add3A_43 : i32
        %add3A_48 = vector.broadcast %mul3A_47 : i32 to vector<16xi32>
        %add3A_49 = arith.addi %add3A_17, %add3A_48 : vector<16xi32>
        %scan3A_50 = arith.constant 0 : i32
        %scan3A_51 = arith.constant 32 : i32
        %scan3A_52 = arith.addi %scan3A_50, %scan3A_51 : i32
        %scan3A_53 = arith.constant 1 : i32
        scf.for %scan3A_70 = %scan3A_50 to %scan3A_52 step %scan3A_53  : i32 {
          %mul3A_71 = arith.constant 1 : i32
          %mul3A_72 = arith.muli %scan3A_70, %mul3A_71 : i32
          %add3A_73 = arith.constant 0 : i32
          %add3A_74 = arith.addi %add3A_73, %mul3A_72 : i32
          %mul3A_75 = arith.constant 32 : i32
          %mul3A_76 = arith.muli %add3A_74, %mul3A_75 : i32
          %add3A_77 = arith.constant 0 : i32
          %add3A_78 = arith.addi %mul3A_76, %add3A_77 : i32
          %get3A = arith.index_cast %add3A_78 : i32 to index
          %get3A_79 = tpu.vector_load %arg8[%get3A] {strides = array<i32>} : memref<1024xf32, #tpu.memory_space<vmem>>, vector<16xf32>,
          %get3A_80 = arith.index_cast %add3A_78 : i32 to index
          %get3A_81 = tpu.vector_load %arg9[%get3A_80] {strides = array<i32>} : memref<1024xf32, #tpu.memory_space<vmem>>, vector<16xf32>,
          %get3A_82 = arith.index_cast %add3A_78 : i32 to index
          %get3A_83 = tpu.vector_load %arg10[%get3A_82] {strides = array<i32>} : memref<1024xf32, #tpu.memory_space<vmem>>, vector<16xf32>,
          %add3A_84 = arith.constant 1.000000e+00 : f32
          %add3A_85 = vector.broadcast %add3A_84 : f32 to vector<16xf32>
          %add3A_86 = arith.addf %get3A_79, %add3A_85 : vector<16xf32>
          %mul3A_87 = arith.constant 5.000000e-01 : f32
          %mul3A_88 = vector.broadcast %mul3A_87 : f32 to vector<16xf32>
          %mul3A_89 = arith.mulf %add3A_86, %mul3A_88 : vector<16xf32>
          %mul3A_90 = arith.mulf %mul3A_89, %gather3A : vector<16xf32>
          %convert_element_type3A = arith.fptosi %mul3A_90 : vector<16xf32> to vector<16xi32>
          %add3A_91 = arith.constant 1.000000e+00 : f32
          %add3A_92 = vector.broadcast %add3A_91 : f32 to vector<16xf32>
          %add3A_93 = arith.addf %get3A_81, %add3A_92 : vector<16xf32>
          %mul3A_94 = arith.constant 5.000000e-01 : f32
          %mul3A_95 = vector.broadcast %mul3A_94 : f32 to vector<16xf32>
          %mul3A_96 = arith.mulf %add3A_93, %mul3A_95 : vector<16xf32>
          %mul3A_97 = arith.mulf %mul3A_96, %gather3A : vector<16xf32>
          %convert_element_type3A_98 = arith.fptosi %mul3A_97 : vector<16xf32> to vector<16xi32>
          %add3A_99 = arith.constant 1.000000e+00 : f32
          %add3A_100 = vector.broadcast %add3A_99 : f32 to vector<16xf32>
          %add3A_101 = arith.addf %get3A_83, %add3A_100 : vector<16xf32>
          %mul3A_102 = arith.constant 5.000000e-01 : f32
          %mul3A_103 = vector.broadcast %mul3A_102 : f32 to vector<16xf32>
          %mul3A_104 = arith.mulf %add3A_101, %mul3A_103 : vector<16xf32>
          %mul3A_105 = arith.mulf %mul3A_104, %gather3A : vector<16xf32>
          %convert_element_type3A_106 = arith.fptosi %mul3A_105 : vector<16xf32> to vector<16xi32>
          %mul3A_107 = arith.constant 73856093 : i32
          %mul3A_108 = vector.broadcast %mul3A_107 : i32 to vector<16xi32>
          %mul3A_109 = arith.muli %convert_element_type3A_98, %mul3A_108 : vector<16xi32>
          %add3A_110 = arith.addi %convert_element_type3A, %mul3A_109 : vector<16xi32>
          %mul3A_111 = arith.constant 19349663 : i32
          %mul3A_112 = vector.broadcast %mul3A_111 : i32 to vector<16xi32>
          %mul3A_113 = arith.muli %convert_element_type3A_106, %mul3A_112 : vector<16xi32>
          %add3A_114 = arith.addi %add3A_110, %mul3A_113 : vector<16xi32>
          %broadcast_in_dim3A_115 = vector.broadcast %add3A_74 : i32 to vector<16xi32>
          %add3A_116 = arith.constant 0 : i32
          %add3A_117 = vector.broadcast %add3A_116 : i32 to vector<16xi32>
          %add3A_118 = arith.addi %add3A_114, %add3A_117 : vector<16xi32>
          %and3A_119 = arith.constant 524287 : i32
          %and3A_120 = vector.broadcast %and3A_119 : i32 to vector<16xi32>
          %and3A_121 = arith.andi %add3A_118, %and3A_120 : vector<16xi32>
          %add3A_122 = vector.broadcast %mul3A_45 : i32 to vector<16xi32>
          %add3A_123 = arith.addi %and3A_121, %add3A_122 : vector<16xi32>
          %add3A_124 = arith.constant 0 : i32
          %add3A_125 = vector.broadcast %add3A_124 : i32 to vector<16xi32>
          %add3A_126 = arith.addi %mul3A_13, %add3A_125 : vector<16xi32>
          tpu.vector_store_idx %arg11[%broadcast_in_dim3A_115, %add3A_126], %add3A_123 : memref<32x128xi32, #tpu.memory_space<vmem>>[vector<16xi32>, vector<16xi32>], vector<16xi32>,
          %add3A_127 = arith.constant 19349663 : i32
          %add3A_128 = vector.broadcast %add3A_127 : i32 to vector<16xi32>
          %add3A_129 = arith.addi %add3A_114, %add3A_128 : vector<16xi32>
          %and3A_130 = arith.constant 524287 : i32
          %and3A_131 = vector.broadcast %and3A_130 : i32 to vector<16xi32>
          %and3A_132 = arith.andi %add3A_129, %and3A_131 : vector<16xi32>
          %add3A_133 = vector.broadcast %mul3A_45 : i32 to vector<16xi32>
          %add3A_134 = arith.addi %and3A_132, %add3A_133 : vector<16xi32>
          %add3A_135 = arith.constant 1 : i32
          %add3A_136 = vector.broadcast %add3A_135 : i32 to vector<16xi32>
          %add3A_137 = arith.addi %mul3A_13, %add3A_136 : vector<16xi32>
          tpu.vector_store_idx %arg11[%broadcast_in_dim3A_115, %add3A_137], %add3A_134 : memref<32x128xi32, #tpu.memory_space<vmem>>[vector<16xi32>, vector<16xi32>], vector<16xi32>,
          %add3A_138 = arith.constant 73856093 : i32
          %add3A_139 = vector.broadcast %add3A_138 : i32 to vector<16xi32>
          %add3A_140 = arith.addi %add3A_114, %add3A_139 : vector<16xi32>
          %and3A_141 = arith.constant 524287 : i32
          %and3A_142 = vector.broadcast %and3A_141 : i32 to vector<16xi32>
          %and3A_143 = arith.andi %add3A_140, %and3A_142 : vector<16xi32>
          %add3A_144 = vector.broadcast %mul3A_45 : i32 to vector<16xi32>
          %add3A_145 = arith.addi %and3A_143, %add3A_144 : vector<16xi32>
          %add3A_146 = arith.constant 2 : i32
          %add3A_147 = vector.broadcast %add3A_146 : i32 to vector<16xi32>
          %add3A_148 = arith.addi %mul3A_13, %add3A_147 : vector<16xi32>
          tpu.vector_store_idx %arg11[%broadcast_in_dim3A_115, %add3A_148], %add3A_145 : memref<32x128xi32, #tpu.memory_space<vmem>>[vector<16xi32>, vector<16xi32>], vector<16xi32>,
          %add3A_149 = arith.constant 93205756 : i32
          %add3A_150 = vector.broadcast %add3A_149 : i32 to vector<16xi32>
          %add3A_151 = arith.addi %add3A_114, %add3A_150 : vector<16xi32>
          %and3A_152 = arith.constant 524287 : i32
          %and3A_153 = vector.broadcast %and3A_152 : i32 to vector<16xi32>
          %and3A_154 = arith.andi %add3A_151, %and3A_153 : vector<16xi32>
          %add3A_155 = vector.broadcast %mul3A_45 : i32 to vector<16xi32>
          %add3A_156 = arith.addi %and3A_154, %add3A_155 : vector<16xi32>
          %add3A_157 = arith.constant 3 : i32
          %add3A_158 = vector.broadcast %add3A_157 : i32 to vector<16xi32>
          %add3A_159 = arith.addi %mul3A_13, %add3A_158 : vector<16xi32>
          tpu.vector_store_idx %arg11[%broadcast_in_dim3A_115, %add3A_159], %add3A_156 : memref<32x128xi32, #tpu.memory_space<vmem>>[vector<16xi32>, vector<16xi32>], vector<16xi32>,
          %mul3A_160 = arith.constant 32 : i32
          %mul3A_161 = arith.muli %add3A_74, %mul3A_160 : i32
          %add3A_162 = arith.constant 16 : i32
          %add3A_163 = arith.addi %mul3A_161, %add3A_162 : i32
          %get3A_164 = arith.index_cast %add3A_163 : i32 to index
          %get3A_165 = tpu.vector_load %arg8[%get3A_164] {strides = array<i32>} : memref<1024xf32, #tpu.memory_space<vmem>>, vector<16xf32>,
          %get3A_166 = arith.index_cast %add3A_163 : i32 to index
          %get3A_167 = tpu.vector_load %arg9[%get3A_166] {strides = array<i32>} : memref<1024xf32, #tpu.memory_space<vmem>>, vector<16xf32>,
          %get3A_168 = arith.index_cast %add3A_163 : i32 to index
          %get3A_169 = tpu.vector_load %arg10[%get3A_168] {strides = array<i32>} : memref<1024xf32, #tpu.memory_space<vmem>>, vector<16xf32>,
          %add3A_170 = arith.constant 1.000000e+00 : f32
          %add3A_171 = vector.broadcast %add3A_170 : f32 to vector<16xf32>
          %add3A_172 = arith.addf %get3A_165, %add3A_171 : vector<16xf32>
          %mul3A_173 = arith.constant 5.000000e-01 : f32
          %mul3A_174 = vector.broadcast %mul3A_173 : f32 to vector<16xf32>
          %mul3A_175 = arith.mulf %add3A_172, %mul3A_174 : vector<16xf32>
          %mul3A_176 = arith.mulf %mul3A_175, %gather3A : vector<16xf32>
          %convert_element_type3A_177 = arith.fptosi %mul3A_176 : vector<16xf32> to vector<16xi32>
          %add3A_178 = arith.constant 1.000000e+00 : f32
          %add3A_179 = vector.broadcast %add3A_178 : f32 to vector<16xf32>
          %add3A_180 = arith.addf %get3A_167, %add3A_179 : vector<16xf32>
          %mul3A_181 = arith.constant 5.000000e-01 : f32
          %mul3A_182 = vector.broadcast %mul3A_181 : f32 to vector<16xf32>
          %mul3A_183 = arith.mulf %add3A_180, %mul3A_182 : vector<16xf32>
          %mul3A_184 = arith.mulf %mul3A_183, %gather3A : vector<16xf32>
          %convert_element_type3A_185 = arith.fptosi %mul3A_184 : vector<16xf32> to vector<16xi32>
          %add3A_186 = arith.constant 1.000000e+00 : f32
          %add3A_187 = vector.broadcast %add3A_186 : f32 to vector<16xf32>
          %add3A_188 = arith.addf %get3A_169, %add3A_187 : vector<16xf32>
          %mul3A_189 = arith.constant 5.000000e-01 : f32
          %mul3A_190 = vector.broadcast %mul3A_189 : f32 to vector<16xf32>
          %mul3A_191 = arith.mulf %add3A_188, %mul3A_190 : vector<16xf32>
          %mul3A_192 = arith.mulf %mul3A_191, %gather3A : vector<16xf32>
          %convert_element_type3A_193 = arith.fptosi %mul3A_192 : vector<16xf32> to vector<16xi32>
          %mul3A_194 = arith.constant 73856093 : i32
          %mul3A_195 = vector.broadcast %mul3A_194 : i32 to vector<16xi32>
          %mul3A_196 = arith.muli %convert_element_type3A_185, %mul3A_195 : vector<16xi32>
          %add3A_197 = arith.addi %convert_element_type3A_177, %mul3A_196 : vector<16xi32>
          %mul3A_198 = arith.constant 19349663 : i32
          %mul3A_199 = vector.broadcast %mul3A_198 : i32 to vector<16xi32>
          %mul3A_200 = arith.muli %convert_element_type3A_193, %mul3A_199 : vector<16xi32>
          %add3A_201 = arith.addi %add3A_197, %mul3A_200 : vector<16xi32>
          %broadcast_in_dim3A_202 = vector.broadcast %add3A_74 : i32 to vector<16xi32>
          %add3A_203 = arith.constant 0 : i32
          %add3A_204 = vector.broadcast %add3A_203 : i32 to vector<16xi32>
          %add3A_205 = arith.addi %add3A_201, %add3A_204 : vector<16xi32>
          %and3A_206 = arith.constant 524287 : i32
          %and3A_207 = vector.broadcast %and3A_206 : i32 to vector<16xi32>
          %and3A_208 = arith.andi %add3A_205, %and3A_207 : vector<16xi32>
          %add3A_209 = vector.broadcast %mul3A_45 : i32 to vector<16xi32>
          %add3A_210 = arith.addi %and3A_208, %add3A_209 : vector<16xi32>
          %add3A_211 = arith.constant 64 : i32
          %add3A_212 = vector.broadcast %add3A_211 : i32 to vector<16xi32>
          %add3A_213 = arith.addi %mul3A_13, %add3A_212 : vector<16xi32>
          tpu.vector_store_idx %arg11[%broadcast_in_dim3A_202, %add3A_213], %add3A_210 : memref<32x128xi32, #tpu.memory_space<vmem>>[vector<16xi32>, vector<16xi32>], vector<16xi32>,
          %add3A_214 = arith.constant 19349663 : i32
          %add3A_215 = vector.broadcast %add3A_214 : i32 to vector<16xi32>
          %add3A_216 = arith.addi %add3A_201, %add3A_215 : vector<16xi32>
          %and3A_217 = arith.constant 524287 : i32
          %and3A_218 = vector.broadcast %and3A_217 : i32 to vector<16xi32>
          %and3A_219 = arith.andi %add3A_216, %and3A_218 : vector<16xi32>
          %add3A_220 = vector.broadcast %mul3A_45 : i32 to vector<16xi32>
          %add3A_221 = arith.addi %and3A_219, %add3A_220 : vector<16xi32>
          %add3A_222 = arith.constant 65 : i32
          %add3A_223 = vector.broadcast %add3A_222 : i32 to vector<16xi32>
          %add3A_224 = arith.addi %mul3A_13, %add3A_223 : vector<16xi32>
          tpu.vector_store_idx %arg11[%broadcast_in_dim3A_202, %add3A_224], %add3A_221 : memref<32x128xi32, #tpu.memory_space<vmem>>[vector<16xi32>, vector<16xi32>], vector<16xi32>,
          %add3A_225 = arith.constant 73856093 : i32
          %add3A_226 = vector.broadcast %add3A_225 : i32 to vector<16xi32>
          %add3A_227 = arith.addi %add3A_201, %add3A_226 : vector<16xi32>
          %and3A_228 = arith.constant 524287 : i32
          %and3A_229 = vector.broadcast %and3A_228 : i32 to vector<16xi32>
          %and3A_230 = arith.andi %add3A_227, %and3A_229 : vector<16xi32>
          %add3A_231 = vector.broadcast %mul3A_45 : i32 to vector<16xi32>
          %add3A_232 = arith.addi %and3A_230, %add3A_231 : vector<16xi32>
          %add3A_233 = arith.constant 66 : i32
          %add3A_234 = vector.broadcast %add3A_233 : i32 to vector<16xi32>
          %add3A_235 = arith.addi %mul3A_13, %add3A_234 : vector<16xi32>
          tpu.vector_store_idx %arg11[%broadcast_in_dim3A_202, %add3A_235], %add3A_232 : memref<32x128xi32, #tpu.memory_space<vmem>>[vector<16xi32>, vector<16xi32>], vector<16xi32>,
          %add3A_236 = arith.constant 93205756 : i32
          %add3A_237 = vector.broadcast %add3A_236 : i32 to vector<16xi32>
          %add3A_238 = arith.addi %add3A_201, %add3A_237 : vector<16xi32>
          %and3A_239 = arith.constant 524287 : i32
          %and3A_240 = vector.broadcast %and3A_239 : i32 to vector<16xi32>
          %and3A_241 = arith.andi %add3A_238, %and3A_240 : vector<16xi32>
          %add3A_242 = vector.broadcast %mul3A_45 : i32 to vector<16xi32>
          %add3A_243 = arith.addi %and3A_241, %add3A_242 : vector<16xi32>
          %add3A_244 = arith.constant 67 : i32
          %add3A_245 = vector.broadcast %add3A_244 : i32 to vector<16xi32>
          %add3A_246 = arith.addi %mul3A_13, %add3A_245 : vector<16xi32>
          tpu.vector_store_idx %arg11[%broadcast_in_dim3A_202, %add3A_246], %add3A_243 : memref<32x128xi32, #tpu.memory_space<vmem>>[vector<16xi32>, vector<16xi32>], vector<16xi32>,
        }
        %scan3A_54 = arith.constant 32 : i32
        %scan3A_55 = arith.constant 0 : i32
        %scan3A_56 = arith.constant 32 : i32
        %scan3A_57 = arith.addi %scan3A_55, %scan3A_56 : i32
        %scan3A_58 = arith.constant 1 : i32
        scf.for %scan3A_70 = %scan3A_55 to %scan3A_57 step %scan3A_58  : i32 {
          %mul3A_71 = arith.constant 1 : i32
          %mul3A_72 = arith.muli %scan3A_70, %mul3A_71 : i32
          %add3A_73 = arith.constant 0 : i32
          %add3A_74 = arith.addi %add3A_73, %mul3A_72 : i32
          %dma_start3A = arith.constant 0 : i32
          %dma_start3A_75 = arith.constant 0 : i32
          %dma_start3A_76 = tpu.memref_slice %arg12[%add3A_74, %dma_start3A, %dma_start3A_75] : memref<32x128x8xf32, #tpu.memory_space<vmem>> -> memref<1x128x8xf32, #tpu.memory_space<vmem>>
          %dma_start3A_77 = tpu.memref_squeeze %dma_start3A_76 : memref<1x128x8xf32, #tpu.memory_space<vmem>> -> memref<128x8xf32, #tpu.memory_space<vmem>>
          %dma_start3A_78 = arith.constant 0 : i32
          %dma_start3A_79 = tpu.memref_slice %arg11[%add3A_74, %dma_start3A_78] : memref<32x128xi32, #tpu.memory_space<vmem>> -> memref<1x128xi32, #tpu.memory_space<vmem>>
          %dma_start3A_80 = tpu.memref_squeeze %dma_start3A_79 : memref<1x128xi32, #tpu.memory_space<vmem>> -> memref<128xi32, #tpu.memory_space<vmem>>
          %dma_start3A_81 = arith.constant 0 : i32
          %dma_start3A_82 = arith.constant 0 : i32
          %dma_start3A_83 = tpu.memref_slice %arg5[%dma_start3A_81, %dma_start3A_82] : memref<8388608x8xf32, #tpu.memory_space<hbm>> -> memref<8388608x8xf32, #tpu.memory_space<hbm>>
          tpu.enqueue_indirect_dma source(%dma_start3A_83 : memref<8388608x8xf32, #tpu.memory_space<hbm>>) target(%dma_start3A_77 : memref<128x8xf32, #tpu.memory_space<vmem>>) offsets(%dma_start3A_80 : memref<128xi32, #tpu.memory_space<vmem>>) semaphore(%arg15 : memref<!tpu.dma_semaphore, #tpu.memory_space<semaphore_mem>>)
        }
        %scan3A_59 = arith.constant 32 : i32
        %scan3A_60 = arith.constant 0 : i32
        %scan3A_61 = arith.constant 32 : i32
        %scan3A_62 = arith.addi %scan3A_60, %scan3A_61 : i32
        %scan3A_63 = arith.constant 1 : i32
        scf.for %scan3A_70 = %scan3A_60 to %scan3A_62 step %scan3A_63  : i32 {
          %mul3A_71 = arith.constant 1 : i32
          %mul3A_72 = arith.muli %scan3A_70, %mul3A_71 : i32
          %add3A_73 = arith.constant 0 : i32
          %add3A_74 = arith.addi %add3A_73, %mul3A_72 : i32
          %dma_wait3A = arith.constant 0 : i32
          %dma_wait3A_75 = arith.constant 0 : i32
          %dma_wait3A_76 = tpu.memref_slice %arg12[%add3A_74, %dma_wait3A, %dma_wait3A_75] : memref<32x128x8xf32, #tpu.memory_space<vmem>> -> memref<1x128x8xf32, #tpu.memory_space<vmem>>
          %dma_wait3A_77 = tpu.memref_squeeze %dma_wait3A_76 : memref<1x128x8xf32, #tpu.memory_space<vmem>> -> memref<128x8xf32, #tpu.memory_space<vmem>>
          %dma_wait3A_78 = arith.constant 0 : i32
          %dma_wait3A_79 = tpu.memref_slice %arg11[%add3A_74, %dma_wait3A_78] : memref<32x128xi32, #tpu.memory_space<vmem>> -> memref<1x128xi32, #tpu.memory_space<vmem>>
          %dma_wait3A_80 = tpu.memref_squeeze %dma_wait3A_79 : memref<1x128xi32, #tpu.memory_space<vmem>> -> memref<128xi32, #tpu.memory_space<vmem>>
          %dma_wait3A_81 = arith.constant 0 : i32
          %dma_wait3A_82 = arith.constant 0 : i32
          %dma_wait3A_83 = tpu.memref_slice %arg5[%dma_wait3A_81, %dma_wait3A_82] : memref<8388608x8xf32, #tpu.memory_space<hbm>> -> memref<8388608x8xf32, #tpu.memory_space<hbm>>
          tpu.wait_indirect_dma semaphore(%arg15 : memref<!tpu.dma_semaphore, #tpu.memory_space<semaphore_mem>>) src(%dma_wait3A_83 : memref<8388608x8xf32, #tpu.memory_space<hbm>>) dst(%dma_wait3A_77 : memref<128x8xf32, #tpu.memory_space<vmem>>)
        }
        %scan3A_64 = arith.constant 32 : i32
        %scan3A_65 = arith.constant 0 : i32
        %scan3A_66 = arith.constant 32 : i32
        %scan3A_67 = arith.addi %scan3A_65, %scan3A_66 : i32
        %scan3A_68 = arith.constant 1 : i32
        scf.for %scan3A_70 = %scan3A_65 to %scan3A_67 step %scan3A_68  : i32 {
          %mul3A_71 = arith.constant 1 : i32
          %mul3A_72 = arith.muli %scan3A_70, %mul3A_71 : i32
          %add3A_73 = arith.constant 0 : i32
          %add3A_74 = arith.addi %add3A_73, %mul3A_72 : i32
          %mul3A_75 = arith.constant 32 : i32
          %mul3A_76 = arith.muli %add3A_74, %mul3A_75 : i32
          %add3A_77 = arith.constant 0 : i32
          %add3A_78 = arith.addi %mul3A_76, %add3A_77 : i32
          %add3A_79 = vector.broadcast %add3A_78 : i32 to vector<16xi32>
          %add3A_80 = arith.addi %shift_right_arithmetic3A_2, %add3A_79 : vector<16xi32>
          %gather3A_81 = tpu.vector_load_idx %arg8[%add3A_80] : memref<1024xf32, #tpu.memory_space<vmem>>[vector<16xi32>], vector<16xf32>,
          %gather3A_82 = tpu.vector_load_idx %arg9[%add3A_80] : memref<1024xf32, #tpu.memory_space<vmem>>[vector<16xi32>], vector<16xf32>,
          %gather3A_83 = tpu.vector_load_idx %arg10[%add3A_80] : memref<1024xf32, #tpu.memory_space<vmem>>[vector<16xi32>], vector<16xf32>,
          %add3A_84 = arith.constant 1.000000e+00 : f32
          %add3A_85 = vector.broadcast %add3A_84 : f32 to vector<16xf32>
          %add3A_86 = arith.addf %gather3A_81, %add3A_85 : vector<16xf32>
          %mul3A_87 = arith.constant 5.000000e-01 : f32
          %mul3A_88 = vector.broadcast %mul3A_87 : f32 to vector<16xf32>
          %mul3A_89 = arith.mulf %add3A_86, %mul3A_88 : vector<16xf32>
          %mul3A_90 = arith.mulf %mul3A_89, %gather3A : vector<16xf32>
          %add3A_91 = arith.constant 1.000000e+00 : f32
          %add3A_92 = vector.broadcast %add3A_91 : f32 to vector<16xf32>
          %add3A_93 = arith.addf %gather3A_82, %add3A_92 : vector<16xf32>
          %mul3A_94 = arith.constant 5.000000e-01 : f32
          %mul3A_95 = vector.broadcast %mul3A_94 : f32 to vector<16xf32>
          %mul3A_96 = arith.mulf %add3A_93, %mul3A_95 : vector<16xf32>
          %mul3A_97 = arith.mulf %mul3A_96, %gather3A : vector<16xf32>
          %add3A_98 = arith.constant 1.000000e+00 : f32
          %add3A_99 = vector.broadcast %add3A_98 : f32 to vector<16xf32>
          %add3A_100 = arith.addf %gather3A_83, %add3A_99 : vector<16xf32>
          %mul3A_101 = arith.constant 5.000000e-01 : f32
          %mul3A_102 = vector.broadcast %mul3A_101 : f32 to vector<16xf32>
          %mul3A_103 = arith.mulf %add3A_100, %mul3A_102 : vector<16xf32>
          %mul3A_104 = arith.mulf %mul3A_103, %gather3A : vector<16xf32>
          %convert_element_type3A = arith.fptosi %mul3A_90 : vector<16xf32> to vector<16xi32>
          %convert_element_type3A_105 = arith.sitofp %convert_element_type3A : vector<16xi32> to vector<16xf32>
          %sub3A = arith.subf %mul3A_90, %convert_element_type3A_105 : vector<16xf32>
          %convert_element_type3A_106 = arith.fptosi %mul3A_97 : vector<16xf32> to vector<16xi32>
          %convert_element_type3A_107 = arith.sitofp %convert_element_type3A_106 : vector<16xi32> to vector<16xf32>
          %sub3A_108 = arith.subf %mul3A_97, %convert_element_type3A_107 : vector<16xf32>
          %convert_element_type3A_109 = arith.fptosi %mul3A_104 : vector<16xf32> to vector<16xi32>
          %convert_element_type3A_110 = arith.sitofp %convert_element_type3A_109 : vector<16xi32> to vector<16xf32>
          %sub3A_111 = arith.subf %mul3A_104, %convert_element_type3A_110 : vector<16xf32>
          %sub3A_112 = arith.constant 1.000000e+00 : f32
          %sub3A_113 = vector.broadcast %sub3A_112 : f32 to vector<16xf32>
          %sub3A_114 = arith.subf %sub3A_113, %sub3A : vector<16xf32>
          %sub3A_115 = arith.constant 1.000000e+00 : f32
          %sub3A_116 = vector.broadcast %sub3A_115 : f32 to vector<16xf32>
          %sub3A_117 = arith.subf %sub3A_116, %sub3A_108 : vector<16xf32>
          %sub3A_118 = arith.constant 1.000000e+00 : f32
          %sub3A_119 = vector.broadcast %sub3A_118 : f32 to vector<16xf32>
          %sub3A_120 = arith.subf %sub3A_119, %sub3A_111 : vector<16xf32>
          %mul3A_121 = arith.mulf %sub3A_117, %sub3A_120 : vector<16xf32>
          %mul3A_122 = arith.mulf %sub3A_117, %sub3A_111 : vector<16xf32>
          %mul3A_123 = arith.mulf %sub3A_108, %sub3A_120 : vector<16xf32>
          %mul3A_124 = arith.mulf %sub3A_108, %sub3A_111 : vector<16xf32>
          %broadcast_in_dim3A_125 = arith.constant 0.000000e+00 : f32
          %broadcast_in_dim3A_126 = vector.broadcast %broadcast_in_dim3A_125 : f32 to vector<16xf32>
          %add3A_127 = arith.constant 0 : i32
          %add3A_128 = vector.broadcast %add3A_127 : i32 to vector<16xi32>
          %add3A_129 = arith.addi %mul3A_7, %add3A_128 : vector<16xi32>
          %gather3A_130 = arith.constant 0 : i32
          %gather3A_131 = arith.constant 0 : i32
          %gather3A_132 = tpu.memref_slice %arg12[%add3A_74, %gather3A_130, %gather3A_131] : memref<32x128x8xf32, #tpu.memory_space<vmem>> -> memref<1x128x8xf32, #tpu.memory_space<vmem>>
          %gather3A_133 = tpu.memref_squeeze %gather3A_132 : memref<1x128x8xf32, #tpu.memory_space<vmem>> -> memref<128x8xf32, #tpu.memory_space<vmem>>
          %gather3A_134 = tpu.vector_load_idx %gather3A_133[%add3A_129, %and3A_4] : memref<128x8xf32, #tpu.memory_space<vmem>>[vector<16xi32>, vector<16xi32>], vector<16xf32>,
          %gather3A_135 = arith.constant 0 : i32
          %gather3A_136 = arith.constant 0 : i32
          %gather3A_137 = tpu.memref_slice %arg12[%add3A_74, %gather3A_135, %gather3A_136] : memref<32x128x8xf32, #tpu.memory_space<vmem>> -> memref<1x128x8xf32, #tpu.memory_space<vmem>>
          %gather3A_138 = tpu.memref_squeeze %gather3A_137 : memref<1x128x8xf32, #tpu.memory_space<vmem>> -> memref<128x8xf32, #tpu.memory_space<vmem>>
          %gather3A_139 = tpu.vector_load_idx %gather3A_138[%add3A_129, %add3A_10] : memref<128x8xf32, #tpu.memory_space<vmem>>[vector<16xi32>, vector<16xi32>], vector<16xf32>,
          %mul3A_140 = arith.mulf %mul3A_121, %sub3A_114 : vector<16xf32>
          %mul3A_141 = arith.mulf %mul3A_140, %gather3A_134 : vector<16xf32>
          %add3A_142 = arith.addf %broadcast_in_dim3A_126, %mul3A_141 : vector<16xf32>
          %mul3A_143 = arith.mulf %mul3A_121, %sub3A : vector<16xf32>
          %mul3A_144 = arith.mulf %mul3A_143, %gather3A_139 : vector<16xf32>
          %add3A_145 = arith.addf %add3A_142, %mul3A_144 : vector<16xf32>
          %add3A_146 = arith.constant 1 : i32
          %add3A_147 = vector.broadcast %add3A_146 : i32 to vector<16xi32>
          %add3A_148 = arith.addi %mul3A_7, %add3A_147 : vector<16xi32>
          %gather3A_149 = arith.constant 0 : i32
          %gather3A_150 = arith.constant 0 : i32
          %gather3A_151 = tpu.memref_slice %arg12[%add3A_74, %gather3A_149, %gather3A_150] : memref<32x128x8xf32, #tpu.memory_space<vmem>> -> memref<1x128x8xf32, #tpu.memory_space<vmem>>
          %gather3A_152 = tpu.memref_squeeze %gather3A_151 : memref<1x128x8xf32, #tpu.memory_space<vmem>> -> memref<128x8xf32, #tpu.memory_space<vmem>>
          %gather3A_153 = tpu.vector_load_idx %gather3A_152[%add3A_148, %and3A_4] : memref<128x8xf32, #tpu.memory_space<vmem>>[vector<16xi32>, vector<16xi32>], vector<16xf32>,
          %gather3A_154 = arith.constant 0 : i32
          %gather3A_155 = arith.constant 0 : i32
          %gather3A_156 = tpu.memref_slice %arg12[%add3A_74, %gather3A_154, %gather3A_155] : memref<32x128x8xf32, #tpu.memory_space<vmem>> -> memref<1x128x8xf32, #tpu.memory_space<vmem>>
          %gather3A_157 = tpu.memref_squeeze %gather3A_156 : memref<1x128x8xf32, #tpu.memory_space<vmem>> -> memref<128x8xf32, #tpu.memory_space<vmem>>
          %gather3A_158 = tpu.vector_load_idx %gather3A_157[%add3A_148, %add3A_10] : memref<128x8xf32, #tpu.memory_space<vmem>>[vector<16xi32>, vector<16xi32>], vector<16xf32>,
          %mul3A_159 = arith.mulf %mul3A_122, %sub3A_114 : vector<16xf32>
          %mul3A_160 = arith.mulf %mul3A_159, %gather3A_153 : vector<16xf32>
          %add3A_161 = arith.addf %add3A_145, %mul3A_160 : vector<16xf32>
          %mul3A_162 = arith.mulf %mul3A_122, %sub3A : vector<16xf32>
          %mul3A_163 = arith.mulf %mul3A_162, %gather3A_158 : vector<16xf32>
          %add3A_164 = arith.addf %add3A_161, %mul3A_163 : vector<16xf32>
          %add3A_165 = arith.constant 2 : i32
          %add3A_166 = vector.broadcast %add3A_165 : i32 to vector<16xi32>
          %add3A_167 = arith.addi %mul3A_7, %add3A_166 : vector<16xi32>
          %gather3A_168 = arith.constant 0 : i32
          %gather3A_169 = arith.constant 0 : i32
          %gather3A_170 = tpu.memref_slice %arg12[%add3A_74, %gather3A_168, %gather3A_169] : memref<32x128x8xf32, #tpu.memory_space<vmem>> -> memref<1x128x8xf32, #tpu.memory_space<vmem>>
          %gather3A_171 = tpu.memref_squeeze %gather3A_170 : memref<1x128x8xf32, #tpu.memory_space<vmem>> -> memref<128x8xf32, #tpu.memory_space<vmem>>
          %gather3A_172 = tpu.vector_load_idx %gather3A_171[%add3A_167, %and3A_4] : memref<128x8xf32, #tpu.memory_space<vmem>>[vector<16xi32>, vector<16xi32>], vector<16xf32>,
          %gather3A_173 = arith.constant 0 : i32
          %gather3A_174 = arith.constant 0 : i32
          %gather3A_175 = tpu.memref_slice %arg12[%add3A_74, %gather3A_173, %gather3A_174] : memref<32x128x8xf32, #tpu.memory_space<vmem>> -> memref<1x128x8xf32, #tpu.memory_space<vmem>>
          %gather3A_176 = tpu.memref_squeeze %gather3A_175 : memref<1x128x8xf32, #tpu.memory_space<vmem>> -> memref<128x8xf32, #tpu.memory_space<vmem>>
          %gather3A_177 = tpu.vector_load_idx %gather3A_176[%add3A_167, %add3A_10] : memref<128x8xf32, #tpu.memory_space<vmem>>[vector<16xi32>, vector<16xi32>], vector<16xf32>,
          %mul3A_178 = arith.mulf %mul3A_123, %sub3A_114 : vector<16xf32>
          %mul3A_179 = arith.mulf %mul3A_178, %gather3A_172 : vector<16xf32>
          %add3A_180 = arith.addf %add3A_164, %mul3A_179 : vector<16xf32>
          %mul3A_181 = arith.mulf %mul3A_123, %sub3A : vector<16xf32>
          %mul3A_182 = arith.mulf %mul3A_181, %gather3A_177 : vector<16xf32>
          %add3A_183 = arith.addf %add3A_180, %mul3A_182 : vector<16xf32>
          %add3A_184 = arith.constant 3 : i32
          %add3A_185 = vector.broadcast %add3A_184 : i32 to vector<16xi32>
          %add3A_186 = arith.addi %mul3A_7, %add3A_185 : vector<16xi32>
          %gather3A_187 = arith.constant 0 : i32
          %gather3A_188 = arith.constant 0 : i32
          %gather3A_189 = tpu.memref_slice %arg12[%add3A_74, %gather3A_187, %gather3A_188] : memref<32x128x8xf32, #tpu.memory_space<vmem>> -> memref<1x128x8xf32, #tpu.memory_space<vmem>>
          %gather3A_190 = tpu.memref_squeeze %gather3A_189 : memref<1x128x8xf32, #tpu.memory_space<vmem>> -> memref<128x8xf32, #tpu.memory_space<vmem>>
          %gather3A_191 = tpu.vector_load_idx %gather3A_190[%add3A_186, %and3A_4] : memref<128x8xf32, #tpu.memory_space<vmem>>[vector<16xi32>, vector<16xi32>], vector<16xf32>,
          %gather3A_192 = arith.constant 0 : i32
          %gather3A_193 = arith.constant 0 : i32
          %gather3A_194 = tpu.memref_slice %arg12[%add3A_74, %gather3A_192, %gather3A_193] : memref<32x128x8xf32, #tpu.memory_space<vmem>> -> memref<1x128x8xf32, #tpu.memory_space<vmem>>
          %gather3A_195 = tpu.memref_squeeze %gather3A_194 : memref<1x128x8xf32, #tpu.memory_space<vmem>> -> memref<128x8xf32, #tpu.memory_space<vmem>>
          %gather3A_196 = tpu.vector_load_idx %gather3A_195[%add3A_186, %add3A_10] : memref<128x8xf32, #tpu.memory_space<vmem>>[vector<16xi32>, vector<16xi32>], vector<16xf32>,
          %mul3A_197 = arith.mulf %mul3A_124, %sub3A_114 : vector<16xf32>
          %mul3A_198 = arith.mulf %mul3A_197, %gather3A_191 : vector<16xf32>
          %add3A_199 = arith.addf %add3A_183, %mul3A_198 : vector<16xf32>
          %mul3A_200 = arith.mulf %mul3A_124, %sub3A : vector<16xf32>
          %mul3A_201 = arith.mulf %mul3A_200, %gather3A_196 : vector<16xf32>
          %add3A_202 = arith.addf %add3A_199, %mul3A_201 : vector<16xf32>
          %mul3A_203 = arith.constant 1024 : i32
          %mul3A_204 = arith.muli %add3A_74, %mul3A_203 : i32
          %add3A_205 = arith.constant 0 : i32
          %add3A_206 = arith.addi %mul3A_204, %add3A_205 : i32
          %add3A_207 = vector.broadcast %add3A_206 : i32 to vector<16xi32>
          %add3A_208 = arith.addi %add3A_49, %add3A_207 : vector<16xi32>
          tpu.vector_store_idx %arg13[%add3A_208], %add3A_202 : memref<32768xf32, #tpu.memory_space<vmem>>[vector<16xi32>], vector<16xf32>,
          %mul3A_209 = arith.constant 32 : i32
          %mul3A_210 = arith.muli %add3A_74, %mul3A_209 : i32
          %add3A_211 = arith.constant 8 : i32
          %add3A_212 = arith.addi %mul3A_210, %add3A_211 : i32
          %add3A_213 = vector.broadcast %add3A_212 : i32 to vector<16xi32>
          %add3A_214 = arith.addi %shift_right_arithmetic3A_2, %add3A_213 : vector<16xi32>
          %gather3A_215 = tpu.vector_load_idx %arg8[%add3A_214] : memref<1024xf32, #tpu.memory_space<vmem>>[vector<16xi32>], vector<16xf32>,
          %gather3A_216 = tpu.vector_load_idx %arg9[%add3A_214] : memref<1024xf32, #tpu.memory_space<vmem>>[vector<16xi32>], vector<16xf32>,
          %gather3A_217 = tpu.vector_load_idx %arg10[%add3A_214] : memref<1024xf32, #tpu.memory_space<vmem>>[vector<16xi32>], vector<16xf32>,
          %add3A_218 = arith.constant 1.000000e+00 : f32
          %add3A_219 = vector.broadcast %add3A_218 : f32 to vector<16xf32>
          %add3A_220 = arith.addf %gather3A_215, %add3A_219 : vector<16xf32>
          %mul3A_221 = arith.constant 5.000000e-01 : f32
          %mul3A_222 = vector.broadcast %mul3A_221 : f32 to vector<16xf32>
          %mul3A_223 = arith.mulf %add3A_220, %mul3A_222 : vector<16xf32>
          %mul3A_224 = arith.mulf %mul3A_223, %gather3A : vector<16xf32>
          %add3A_225 = arith.constant 1.000000e+00 : f32
          %add3A_226 = vector.broadcast %add3A_225 : f32 to vector<16xf32>
          %add3A_227 = arith.addf %gather3A_216, %add3A_226 : vector<16xf32>
          %mul3A_228 = arith.constant 5.000000e-01 : f32
          %mul3A_229 = vector.broadcast %mul3A_228 : f32 to vector<16xf32>
          %mul3A_230 = arith.mulf %add3A_227, %mul3A_229 : vector<16xf32>
          %mul3A_231 = arith.mulf %mul3A_230, %gather3A : vector<16xf32>
          %add3A_232 = arith.constant 1.000000e+00 : f32
          %add3A_233 = vector.broadcast %add3A_232 : f32 to vector<16xf32>
          %add3A_234 = arith.addf %gather3A_217, %add3A_233 : vector<16xf32>
          %mul3A_235 = arith.constant 5.000000e-01 : f32
          %mul3A_236 = vector.broadcast %mul3A_235 : f32 to vector<16xf32>
          %mul3A_237 = arith.mulf %add3A_234, %mul3A_236 : vector<16xf32>
          %mul3A_238 = arith.mulf %mul3A_237, %gather3A : vector<16xf32>
          %convert_element_type3A_239 = arith.fptosi %mul3A_224 : vector<16xf32> to vector<16xi32>
          %convert_element_type3A_240 = arith.sitofp %convert_element_type3A_239 : vector<16xi32> to vector<16xf32>
          %sub3A_241 = arith.subf %mul3A_224, %convert_element_type3A_240 : vector<16xf32>
          %convert_element_type3A_242 = arith.fptosi %mul3A_231 : vector<16xf32> to vector<16xi32>
          %convert_element_type3A_243 = arith.sitofp %convert_element_type3A_242 : vector<16xi32> to vector<16xf32>
          %sub3A_244 = arith.subf %mul3A_231, %convert_element_type3A_243 : vector<16xf32>
          %convert_element_type3A_245 = arith.fptosi %mul3A_238 : vector<16xf32> to vector<16xi32>
          %convert_element_type3A_246 = arith.sitofp %convert_element_type3A_245 : vector<16xi32> to vector<16xf32>
          %sub3A_247 = arith.subf %mul3A_238, %convert_element_type3A_246 : vector<16xf32>
          %sub3A_248 = arith.constant 1.000000e+00 : f32
          %sub3A_249 = vector.broadcast %sub3A_248 : f32 to vector<16xf32>
          %sub3A_250 = arith.subf %sub3A_249, %sub3A_241 : vector<16xf32>
          %sub3A_251 = arith.constant 1.000000e+00 : f32
          %sub3A_252 = vector.broadcast %sub3A_251 : f32 to vector<16xf32>
          %sub3A_253 = arith.subf %sub3A_252, %sub3A_244 : vector<16xf32>
          %sub3A_254 = arith.constant 1.000000e+00 : f32
          %sub3A_255 = vector.broadcast %sub3A_254 : f32 to vector<16xf32>
          %sub3A_256 = arith.subf %sub3A_255, %sub3A_247 : vector<16xf32>
          %mul3A_257 = arith.mulf %sub3A_253, %sub3A_256 : vector<16xf32>
          %mul3A_258 = arith.mulf %sub3A_253, %sub3A_247 : vector<16xf32>
          %mul3A_259 = arith.mulf %sub3A_244, %sub3A_256 : vector<16xf32>
          %mul3A_260 = arith.mulf %sub3A_244, %sub3A_247 : vector<16xf32>
          %broadcast_in_dim3A_261 = arith.constant 0.000000e+00 : f32
          %broadcast_in_dim3A_262 = vector.broadcast %broadcast_in_dim3A_261 : f32 to vector<16xf32>
          %add3A_263 = arith.constant 32 : i32
          %add3A_264 = vector.broadcast %add3A_263 : i32 to vector<16xi32>
          %add3A_265 = arith.addi %mul3A_7, %add3A_264 : vector<16xi32>
          %gather3A_266 = arith.constant 0 : i32
          %gather3A_267 = arith.constant 0 : i32
          %gather3A_268 = tpu.memref_slice %arg12[%add3A_74, %gather3A_266, %gather3A_267] : memref<32x128x8xf32, #tpu.memory_space<vmem>> -> memref<1x128x8xf32, #tpu.memory_space<vmem>>
          %gather3A_269 = tpu.memref_squeeze %gather3A_268 : memref<1x128x8xf32, #tpu.memory_space<vmem>> -> memref<128x8xf32, #tpu.memory_space<vmem>>
          %gather3A_270 = tpu.vector_load_idx %gather3A_269[%add3A_265, %and3A_4] : memref<128x8xf32, #tpu.memory_space<vmem>>[vector<16xi32>, vector<16xi32>], vector<16xf32>,
          %gather3A_271 = arith.constant 0 : i32
          %gather3A_272 = arith.constant 0 : i32
          %gather3A_273 = tpu.memref_slice %arg12[%add3A_74, %gather3A_271, %gather3A_272] : memref<32x128x8xf32, #tpu.memory_space<vmem>> -> memref<1x128x8xf32, #tpu.memory_space<vmem>>
          %gather3A_274 = tpu.memref_squeeze %gather3A_273 : memref<1x128x8xf32, #tpu.memory_space<vmem>> -> memref<128x8xf32, #tpu.memory_space<vmem>>
          %gather3A_275 = tpu.vector_load_idx %gather3A_274[%add3A_265, %add3A_10] : memref<128x8xf32, #tpu.memory_space<vmem>>[vector<16xi32>, vector<16xi32>], vector<16xf32>,
          %mul3A_276 = arith.mulf %mul3A_257, %sub3A_250 : vector<16xf32>
          %mul3A_277 = arith.mulf %mul3A_276, %gather3A_270 : vector<16xf32>
          %add3A_278 = arith.addf %broadcast_in_dim3A_262, %mul3A_277 : vector<16xf32>
          %mul3A_279 = arith.mulf %mul3A_257, %sub3A_241 : vector<16xf32>
          %mul3A_280 = arith.mulf %mul3A_279, %gather3A_275 : vector<16xf32>
          %add3A_281 = arith.addf %add3A_278, %mul3A_280 : vector<16xf32>
          %add3A_282 = arith.constant 33 : i32
          %add3A_283 = vector.broadcast %add3A_282 : i32 to vector<16xi32>
          %add3A_284 = arith.addi %mul3A_7, %add3A_283 : vector<16xi32>
          %gather3A_285 = arith.constant 0 : i32
          %gather3A_286 = arith.constant 0 : i32
          %gather3A_287 = tpu.memref_slice %arg12[%add3A_74, %gather3A_285, %gather3A_286] : memref<32x128x8xf32, #tpu.memory_space<vmem>> -> memref<1x128x8xf32, #tpu.memory_space<vmem>>
          %gather3A_288 = tpu.memref_squeeze %gather3A_287 : memref<1x128x8xf32, #tpu.memory_space<vmem>> -> memref<128x8xf32, #tpu.memory_space<vmem>>
          %gather3A_289 = tpu.vector_load_idx %gather3A_288[%add3A_284, %and3A_4] : memref<128x8xf32, #tpu.memory_space<vmem>>[vector<16xi32>, vector<16xi32>], vector<16xf32>,
          %gather3A_290 = arith.constant 0 : i32
          %gather3A_291 = arith.constant 0 : i32
          %gather3A_292 = tpu.memref_slice %arg12[%add3A_74, %gather3A_290, %gather3A_291] : memref<32x128x8xf32, #tpu.memory_space<vmem>> -> memref<1x128x8xf32, #tpu.memory_space<vmem>>
          %gather3A_293 = tpu.memref_squeeze %gather3A_292 : memref<1x128x8xf32, #tpu.memory_space<vmem>> -> memref<128x8xf32, #tpu.memory_space<vmem>>
          %gather3A_294 = tpu.vector_load_idx %gather3A_293[%add3A_284, %add3A_10] : memref<128x8xf32, #tpu.memory_space<vmem>>[vector<16xi32>, vector<16xi32>], vector<16xf32>,
          %mul3A_295 = arith.mulf %mul3A_258, %sub3A_250 : vector<16xf32>
          %mul3A_296 = arith.mulf %mul3A_295, %gather3A_289 : vector<16xf32>
          %add3A_297 = arith.addf %add3A_281, %mul3A_296 : vector<16xf32>
          %mul3A_298 = arith.mulf %mul3A_258, %sub3A_241 : vector<16xf32>
          %mul3A_299 = arith.mulf %mul3A_298, %gather3A_294 : vector<16xf32>
          %add3A_300 = arith.addf %add3A_297, %mul3A_299 : vector<16xf32>
          %add3A_301 = arith.constant 34 : i32
          %add3A_302 = vector.broadcast %add3A_301 : i32 to vector<16xi32>
          %add3A_303 = arith.addi %mul3A_7, %add3A_302 : vector<16xi32>
          %gather3A_304 = arith.constant 0 : i32
          %gather3A_305 = arith.constant 0 : i32
          %gather3A_306 = tpu.memref_slice %arg12[%add3A_74, %gather3A_304, %gather3A_305] : memref<32x128x8xf32, #tpu.memory_space<vmem>> -> memref<1x128x8xf32, #tpu.memory_space<vmem>>
          %gather3A_307 = tpu.memref_squeeze %gather3A_306 : memref<1x128x8xf32, #tpu.memory_space<vmem>> -> memref<128x8xf32, #tpu.memory_space<vmem>>
          %gather3A_308 = tpu.vector_load_idx %gather3A_307[%add3A_303, %and3A_4] : memref<128x8xf32, #tpu.memory_space<vmem>>[vector<16xi32>, vector<16xi32>], vector<16xf32>,
          %gather3A_309 = arith.constant 0 : i32
          %gather3A_310 = arith.constant 0 : i32
          %gather3A_311 = tpu.memref_slice %arg12[%add3A_74, %gather3A_309, %gather3A_310] : memref<32x128x8xf32, #tpu.memory_space<vmem>> -> memref<1x128x8xf32, #tpu.memory_space<vmem>>
          %gather3A_312 = tpu.memref_squeeze %gather3A_311 : memref<1x128x8xf32, #tpu.memory_space<vmem>> -> memref<128x8xf32, #tpu.memory_space<vmem>>
          %gather3A_313 = tpu.vector_load_idx %gather3A_312[%add3A_303, %add3A_10] : memref<128x8xf32, #tpu.memory_space<vmem>>[vector<16xi32>, vector<16xi32>], vector<16xf32>,
          %mul3A_314 = arith.mulf %mul3A_259, %sub3A_250 : vector<16xf32>
          %mul3A_315 = arith.mulf %mul3A_314, %gather3A_308 : vector<16xf32>
          %add3A_316 = arith.addf %add3A_300, %mul3A_315 : vector<16xf32>
          %mul3A_317 = arith.mulf %mul3A_259, %sub3A_241 : vector<16xf32>
          %mul3A_318 = arith.mulf %mul3A_317, %gather3A_313 : vector<16xf32>
          %add3A_319 = arith.addf %add3A_316, %mul3A_318 : vector<16xf32>
          %add3A_320 = arith.constant 35 : i32
          %add3A_321 = vector.broadcast %add3A_320 : i32 to vector<16xi32>
          %add3A_322 = arith.addi %mul3A_7, %add3A_321 : vector<16xi32>
          %gather3A_323 = arith.constant 0 : i32
          %gather3A_324 = arith.constant 0 : i32
          %gather3A_325 = tpu.memref_slice %arg12[%add3A_74, %gather3A_323, %gather3A_324] : memref<32x128x8xf32, #tpu.memory_space<vmem>> -> memref<1x128x8xf32, #tpu.memory_space<vmem>>
          %gather3A_326 = tpu.memref_squeeze %gather3A_325 : memref<1x128x8xf32, #tpu.memory_space<vmem>> -> memref<128x8xf32, #tpu.memory_space<vmem>>
          %gather3A_327 = tpu.vector_load_idx %gather3A_326[%add3A_322, %and3A_4] : memref<128x8xf32, #tpu.memory_space<vmem>>[vector<16xi32>, vector<16xi32>], vector<16xf32>,
          %gather3A_328 = arith.constant 0 : i32
          %gather3A_329 = arith.constant 0 : i32
          %gather3A_330 = tpu.memref_slice %arg12[%add3A_74, %gather3A_328, %gather3A_329] : memref<32x128x8xf32, #tpu.memory_space<vmem>> -> memref<1x128x8xf32, #tpu.memory_space<vmem>>
          %gather3A_331 = tpu.memref_squeeze %gather3A_330 : memref<1x128x8xf32, #tpu.memory_space<vmem>> -> memref<128x8xf32, #tpu.memory_space<vmem>>
          %gather3A_332 = tpu.vector_load_idx %gather3A_331[%add3A_322, %add3A_10] : memref<128x8xf32, #tpu.memory_space<vmem>>[vector<16xi32>, vector<16xi32>], vector<16xf32>,
          %mul3A_333 = arith.mulf %mul3A_260, %sub3A_250 : vector<16xf32>
          %mul3A_334 = arith.mulf %mul3A_333, %gather3A_327 : vector<16xf32>
          %add3A_335 = arith.addf %add3A_319, %mul3A_334 : vector<16xf32>
          %mul3A_336 = arith.mulf %mul3A_260, %sub3A_241 : vector<16xf32>
          %mul3A_337 = arith.mulf %mul3A_336, %gather3A_332 : vector<16xf32>
          %add3A_338 = arith.addf %add3A_335, %mul3A_337 : vector<16xf32>
          %mul3A_339 = arith.constant 1024 : i32
          %mul3A_340 = arith.muli %add3A_74, %mul3A_339 : i32
          %add3A_341 = arith.constant 256 : i32
          %add3A_342 = arith.addi %mul3A_340, %add3A_341 : i32
          %add3A_343 = vector.broadcast %add3A_342 : i32 to vector<16xi32>
          %add3A_344 = arith.addi %add3A_49, %add3A_343 : vector<16xi32>
          tpu.vector_store_idx %arg13[%add3A_344], %add3A_338 : memref<32768xf32, #tpu.memory_space<vmem>>[vector<16xi32>], vector<16xf32>,
          %mul3A_345 = arith.constant 32 : i32
          %mul3A_346 = arith.muli %add3A_74, %mul3A_345 : i32
          %add3A_347 = arith.constant 16 : i32
          %add3A_348 = arith.addi %mul3A_346, %add3A_347 : i32
          %add3A_349 = vector.broadcast %add3A_348 : i32 to vector<16xi32>
          %add3A_350 = arith.addi %shift_right_arithmetic3A_2, %add3A_349 : vector<16xi32>
          %gather3A_351 = tpu.vector_load_idx %arg8[%add3A_350] : memref<1024xf32, #tpu.memory_space<vmem>>[vector<16xi32>], vector<16xf32>,
          %gather3A_352 = tpu.vector_load_idx %arg9[%add3A_350] : memref<1024xf32, #tpu.memory_space<vmem>>[vector<16xi32>], vector<16xf32>,
          %gather3A_353 = tpu.vector_load_idx %arg10[%add3A_350] : memref<1024xf32, #tpu.memory_space<vmem>>[vector<16xi32>], vector<16xf32>,
          %add3A_354 = arith.constant 1.000000e+00 : f32
          %add3A_355 = vector.broadcast %add3A_354 : f32 to vector<16xf32>
          %add3A_356 = arith.addf %gather3A_351, %add3A_355 : vector<16xf32>
          %mul3A_357 = arith.constant 5.000000e-01 : f32
          %mul3A_358 = vector.broadcast %mul3A_357 : f32 to vector<16xf32>
          %mul3A_359 = arith.mulf %add3A_356, %mul3A_358 : vector<16xf32>
          %mul3A_360 = arith.mulf %mul3A_359, %gather3A : vector<16xf32>
          %add3A_361 = arith.constant 1.000000e+00 : f32
          %add3A_362 = vector.broadcast %add3A_361 : f32 to vector<16xf32>
          %add3A_363 = arith.addf %gather3A_352, %add3A_362 : vector<16xf32>
          %mul3A_364 = arith.constant 5.000000e-01 : f32
          %mul3A_365 = vector.broadcast %mul3A_364 : f32 to vector<16xf32>
          %mul3A_366 = arith.mulf %add3A_363, %mul3A_365 : vector<16xf32>
          %mul3A_367 = arith.mulf %mul3A_366, %gather3A : vector<16xf32>
          %add3A_368 = arith.constant 1.000000e+00 : f32
          %add3A_369 = vector.broadcast %add3A_368 : f32 to vector<16xf32>
          %add3A_370 = arith.addf %gather3A_353, %add3A_369 : vector<16xf32>
          %mul3A_371 = arith.constant 5.000000e-01 : f32
          %mul3A_372 = vector.broadcast %mul3A_371 : f32 to vector<16xf32>
          %mul3A_373 = arith.mulf %add3A_370, %mul3A_372 : vector<16xf32>
          %mul3A_374 = arith.mulf %mul3A_373, %gather3A : vector<16xf32>
          %convert_element_type3A_375 = arith.fptosi %mul3A_360 : vector<16xf32> to vector<16xi32>
          %convert_element_type3A_376 = arith.sitofp %convert_element_type3A_375 : vector<16xi32> to vector<16xf32>
          %sub3A_377 = arith.subf %mul3A_360, %convert_element_type3A_376 : vector<16xf32>
          %convert_element_type3A_378 = arith.fptosi %mul3A_367 : vector<16xf32> to vector<16xi32>
          %convert_element_type3A_379 = arith.sitofp %convert_element_type3A_378 : vector<16xi32> to vector<16xf32>
          %sub3A_380 = arith.subf %mul3A_367, %convert_element_type3A_379 : vector<16xf32>
          %convert_element_type3A_381 = arith.fptosi %mul3A_374 : vector<16xf32> to vector<16xi32>
          %convert_element_type3A_382 = arith.sitofp %convert_element_type3A_381 : vector<16xi32> to vector<16xf32>
          %sub3A_383 = arith.subf %mul3A_374, %convert_element_type3A_382 : vector<16xf32>
          %sub3A_384 = arith.constant 1.000000e+00 : f32
          %sub3A_385 = vector.broadcast %sub3A_384 : f32 to vector<16xf32>
          %sub3A_386 = arith.subf %sub3A_385, %sub3A_377 : vector<16xf32>
          %sub3A_387 = arith.constant 1.000000e+00 : f32
          %sub3A_388 = vector.broadcast %sub3A_387 : f32 to vector<16xf32>
          %sub3A_389 = arith.subf %sub3A_388, %sub3A_380 : vector<16xf32>
          %sub3A_390 = arith.constant 1.000000e+00 : f32
          %sub3A_391 = vector.broadcast %sub3A_390 : f32 to vector<16xf32>
          %sub3A_392 = arith.subf %sub3A_391, %sub3A_383 : vector<16xf32>
          %mul3A_393 = arith.mulf %sub3A_389, %sub3A_392 : vector<16xf32>
          %mul3A_394 = arith.mulf %sub3A_389, %sub3A_383 : vector<16xf32>
          %mul3A_395 = arith.mulf %sub3A_380, %sub3A_392 : vector<16xf32>
          %mul3A_396 = arith.mulf %sub3A_380, %sub3A_383 : vector<16xf32>
          %broadcast_in_dim3A_397 = arith.constant 0.000000e+00 : f32
          %broadcast_in_dim3A_398 = vector.broadcast %broadcast_in_dim3A_397 : f32 to vector<16xf32>
          %add3A_399 = arith.constant 64 : i32
          %add3A_400 = vector.broadcast %add3A_399 : i32 to vector<16xi32>
          %add3A_401 = arith.addi %mul3A_7, %add3A_400 : vector<16xi32>
          %gather3A_402 = arith.constant 0 : i32
          %gather3A_403 = arith.constant 0 : i32
          %gather3A_404 = tpu.memref_slice %arg12[%add3A_74, %gather3A_402, %gather3A_403] : memref<32x128x8xf32, #tpu.memory_space<vmem>> -> memref<1x128x8xf32, #tpu.memory_space<vmem>>
          %gather3A_405 = tpu.memref_squeeze %gather3A_404 : memref<1x128x8xf32, #tpu.memory_space<vmem>> -> memref<128x8xf32, #tpu.memory_space<vmem>>
          %gather3A_406 = tpu.vector_load_idx %gather3A_405[%add3A_401, %and3A_4] : memref<128x8xf32, #tpu.memory_space<vmem>>[vector<16xi32>, vector<16xi32>], vector<16xf32>,
          %gather3A_407 = arith.constant 0 : i32
          %gather3A_408 = arith.constant 0 : i32
          %gather3A_409 = tpu.memref_slice %arg12[%add3A_74, %gather3A_407, %gather3A_408] : memref<32x128x8xf32, #tpu.memory_space<vmem>> -> memref<1x128x8xf32, #tpu.memory_space<vmem>>
          %gather3A_410 = tpu.memref_squeeze %gather3A_409 : memref<1x128x8xf32, #tpu.memory_space<vmem>> -> memref<128x8xf32, #tpu.memory_space<vmem>>
          %gather3A_411 = tpu.vector_load_idx %gather3A_410[%add3A_401, %add3A_10] : memref<128x8xf32, #tpu.memory_space<vmem>>[vector<16xi32>, vector<16xi32>], vector<16xf32>,
          %mul3A_412 = arith.mulf %mul3A_393, %sub3A_386 : vector<16xf32>
          %mul3A_413 = arith.mulf %mul3A_412, %gather3A_406 : vector<16xf32>
          %add3A_414 = arith.addf %broadcast_in_dim3A_398, %mul3A_413 : vector<16xf32>
          %mul3A_415 = arith.mulf %mul3A_393, %sub3A_377 : vector<16xf32>
          %mul3A_416 = arith.mulf %mul3A_415, %gather3A_411 : vector<16xf32>
          %add3A_417 = arith.addf %add3A_414, %mul3A_416 : vector<16xf32>
          %add3A_418 = arith.constant 65 : i32
          %add3A_419 = vector.broadcast %add3A_418 : i32 to vector<16xi32>
          %add3A_420 = arith.addi %mul3A_7, %add3A_419 : vector<16xi32>
          %gather3A_421 = arith.constant 0 : i32
          %gather3A_422 = arith.constant 0 : i32
          %gather3A_423 = tpu.memref_slice %arg12[%add3A_74, %gather3A_421, %gather3A_422] : memref<32x128x8xf32, #tpu.memory_space<vmem>> -> memref<1x128x8xf32, #tpu.memory_space<vmem>>
          %gather3A_424 = tpu.memref_squeeze %gather3A_423 : memref<1x128x8xf32, #tpu.memory_space<vmem>> -> memref<128x8xf32, #tpu.memory_space<vmem>>
          %gather3A_425 = tpu.vector_load_idx %gather3A_424[%add3A_420, %and3A_4] : memref<128x8xf32, #tpu.memory_space<vmem>>[vector<16xi32>, vector<16xi32>], vector<16xf32>,
          %gather3A_426 = arith.constant 0 : i32
          %gather3A_427 = arith.constant 0 : i32
          %gather3A_428 = tpu.memref_slice %arg12[%add3A_74, %gather3A_426, %gather3A_427] : memref<32x128x8xf32, #tpu.memory_space<vmem>> -> memref<1x128x8xf32, #tpu.memory_space<vmem>>
          %gather3A_429 = tpu.memref_squeeze %gather3A_428 : memref<1x128x8xf32, #tpu.memory_space<vmem>> -> memref<128x8xf32, #tpu.memory_space<vmem>>
          %gather3A_430 = tpu.vector_load_idx %gather3A_429[%add3A_420, %add3A_10] : memref<128x8xf32, #tpu.memory_space<vmem>>[vector<16xi32>, vector<16xi32>], vector<16xf32>,
          %mul3A_431 = arith.mulf %mul3A_394, %sub3A_386 : vector<16xf32>
          %mul3A_432 = arith.mulf %mul3A_431, %gather3A_425 : vector<16xf32>
          %add3A_433 = arith.addf %add3A_417, %mul3A_432 : vector<16xf32>
          %mul3A_434 = arith.mulf %mul3A_394, %sub3A_377 : vector<16xf32>
          %mul3A_435 = arith.mulf %mul3A_434, %gather3A_430 : vector<16xf32>
          %add3A_436 = arith.addf %add3A_433, %mul3A_435 : vector<16xf32>
          %add3A_437 = arith.constant 66 : i32
          %add3A_438 = vector.broadcast %add3A_437 : i32 to vector<16xi32>
          %add3A_439 = arith.addi %mul3A_7, %add3A_438 : vector<16xi32>
          %gather3A_440 = arith.constant 0 : i32
          %gather3A_441 = arith.constant 0 : i32
          %gather3A_442 = tpu.memref_slice %arg12[%add3A_74, %gather3A_440, %gather3A_441] : memref<32x128x8xf32, #tpu.memory_space<vmem>> -> memref<1x128x8xf32, #tpu.memory_space<vmem>>
          %gather3A_443 = tpu.memref_squeeze %gather3A_442 : memref<1x128x8xf32, #tpu.memory_space<vmem>> -> memref<128x8xf32, #tpu.memory_space<vmem>>
          %gather3A_444 = tpu.vector_load_idx %gather3A_443[%add3A_439, %and3A_4] : memref<128x8xf32, #tpu.memory_space<vmem>>[vector<16xi32>, vector<16xi32>], vector<16xf32>,
          %gather3A_445 = arith.constant 0 : i32
          %gather3A_446 = arith.constant 0 : i32
          %gather3A_447 = tpu.memref_slice %arg12[%add3A_74, %gather3A_445, %gather3A_446] : memref<32x128x8xf32, #tpu.memory_space<vmem>> -> memref<1x128x8xf32, #tpu.memory_space<vmem>>
          %gather3A_448 = tpu.memref_squeeze %gather3A_447 : memref<1x128x8xf32, #tpu.memory_space<vmem>> -> memref<128x8xf32, #tpu.memory_space<vmem>>
          %gather3A_449 = tpu.vector_load_idx %gather3A_448[%add3A_439, %add3A_10] : memref<128x8xf32, #tpu.memory_space<vmem>>[vector<16xi32>, vector<16xi32>], vector<16xf32>,
          %mul3A_450 = arith.mulf %mul3A_395, %sub3A_386 : vector<16xf32>
          %mul3A_451 = arith.mulf %mul3A_450, %gather3A_444 : vector<16xf32>
          %add3A_452 = arith.addf %add3A_436, %mul3A_451 : vector<16xf32>
          %mul3A_453 = arith.mulf %mul3A_395, %sub3A_377 : vector<16xf32>
          %mul3A_454 = arith.mulf %mul3A_453, %gather3A_449 : vector<16xf32>
          %add3A_455 = arith.addf %add3A_452, %mul3A_454 : vector<16xf32>
          %add3A_456 = arith.constant 67 : i32
          %add3A_457 = vector.broadcast %add3A_456 : i32 to vector<16xi32>
          %add3A_458 = arith.addi %mul3A_7, %add3A_457 : vector<16xi32>
          %gather3A_459 = arith.constant 0 : i32
          %gather3A_460 = arith.constant 0 : i32
          %gather3A_461 = tpu.memref_slice %arg12[%add3A_74, %gather3A_459, %gather3A_460] : memref<32x128x8xf32, #tpu.memory_space<vmem>> -> memref<1x128x8xf32, #tpu.memory_space<vmem>>
          %gather3A_462 = tpu.memref_squeeze %gather3A_461 : memref<1x128x8xf32, #tpu.memory_space<vmem>> -> memref<128x8xf32, #tpu.memory_space<vmem>>
          %gather3A_463 = tpu.vector_load_idx %gather3A_462[%add3A_458, %and3A_4] : memref<128x8xf32, #tpu.memory_space<vmem>>[vector<16xi32>, vector<16xi32>], vector<16xf32>,
          %gather3A_464 = arith.constant 0 : i32
          %gather3A_465 = arith.constant 0 : i32
          %gather3A_466 = tpu.memref_slice %arg12[%add3A_74, %gather3A_464, %gather3A_465] : memref<32x128x8xf32, #tpu.memory_space<vmem>> -> memref<1x128x8xf32, #tpu.memory_space<vmem>>
          %gather3A_467 = tpu.memref_squeeze %gather3A_466 : memref<1x128x8xf32, #tpu.memory_space<vmem>> -> memref<128x8xf32, #tpu.memory_space<vmem>>
          %gather3A_468 = tpu.vector_load_idx %gather3A_467[%add3A_458, %add3A_10] : memref<128x8xf32, #tpu.memory_space<vmem>>[vector<16xi32>, vector<16xi32>], vector<16xf32>,
          %mul3A_469 = arith.mulf %mul3A_396, %sub3A_386 : vector<16xf32>
          %mul3A_470 = arith.mulf %mul3A_469, %gather3A_463 : vector<16xf32>
          %add3A_471 = arith.addf %add3A_455, %mul3A_470 : vector<16xf32>
          %mul3A_472 = arith.mulf %mul3A_396, %sub3A_377 : vector<16xf32>
          %mul3A_473 = arith.mulf %mul3A_472, %gather3A_468 : vector<16xf32>
          %add3A_474 = arith.addf %add3A_471, %mul3A_473 : vector<16xf32>
          %mul3A_475 = arith.constant 1024 : i32
          %mul3A_476 = arith.muli %add3A_74, %mul3A_475 : i32
          %add3A_477 = arith.constant 512 : i32
          %add3A_478 = arith.addi %mul3A_476, %add3A_477 : i32
          %add3A_479 = vector.broadcast %add3A_478 : i32 to vector<16xi32>
          %add3A_480 = arith.addi %add3A_49, %add3A_479 : vector<16xi32>
          tpu.vector_store_idx %arg13[%add3A_480], %add3A_474 : memref<32768xf32, #tpu.memory_space<vmem>>[vector<16xi32>], vector<16xf32>,
          %mul3A_481 = arith.constant 32 : i32
          %mul3A_482 = arith.muli %add3A_74, %mul3A_481 : i32
          %add3A_483 = arith.constant 24 : i32
          %add3A_484 = arith.addi %mul3A_482, %add3A_483 : i32
          %add3A_485 = vector.broadcast %add3A_484 : i32 to vector<16xi32>
          %add3A_486 = arith.addi %shift_right_arithmetic3A_2, %add3A_485 : vector<16xi32>
          %gather3A_487 = tpu.vector_load_idx %arg8[%add3A_486] : memref<1024xf32, #tpu.memory_space<vmem>>[vector<16xi32>], vector<16xf32>,
          %gather3A_488 = tpu.vector_load_idx %arg9[%add3A_486] : memref<1024xf32, #tpu.memory_space<vmem>>[vector<16xi32>], vector<16xf32>,
          %gather3A_489 = tpu.vector_load_idx %arg10[%add3A_486] : memref<1024xf32, #tpu.memory_space<vmem>>[vector<16xi32>], vector<16xf32>,
          %add3A_490 = arith.constant 1.000000e+00 : f32
          %add3A_491 = vector.broadcast %add3A_490 : f32 to vector<16xf32>
          %add3A_492 = arith.addf %gather3A_487, %add3A_491 : vector<16xf32>
          %mul3A_493 = arith.constant 5.000000e-01 : f32
          %mul3A_494 = vector.broadcast %mul3A_493 : f32 to vector<16xf32>
          %mul3A_495 = arith.mulf %add3A_492, %mul3A_494 : vector<16xf32>
          %mul3A_496 = arith.mulf %mul3A_495, %gather3A : vector<16xf32>
          %add3A_497 = arith.constant 1.000000e+00 : f32
          %add3A_498 = vector.broadcast %add3A_497 : f32 to vector<16xf32>
          %add3A_499 = arith.addf %gather3A_488, %add3A_498 : vector<16xf32>
          %mul3A_500 = arith.constant 5.000000e-01 : f32
          %mul3A_501 = vector.broadcast %mul3A_500 : f32 to vector<16xf32>
          %mul3A_502 = arith.mulf %add3A_499, %mul3A_501 : vector<16xf32>
          %mul3A_503 = arith.mulf %mul3A_502, %gather3A : vector<16xf32>
          %add3A_504 = arith.constant 1.000000e+00 : f32
          %add3A_505 = vector.broadcast %add3A_504 : f32 to vector<16xf32>
          %add3A_506 = arith.addf %gather3A_489, %add3A_505 : vector<16xf32>
          %mul3A_507 = arith.constant 5.000000e-01 : f32
          %mul3A_508 = vector.broadcast %mul3A_507 : f32 to vector<16xf32>
          %mul3A_509 = arith.mulf %add3A_506, %mul3A_508 : vector<16xf32>
          %mul3A_510 = arith.mulf %mul3A_509, %gather3A : vector<16xf32>
          %convert_element_type3A_511 = arith.fptosi %mul3A_496 : vector<16xf32> to vector<16xi32>
          %convert_element_type3A_512 = arith.sitofp %convert_element_type3A_511 : vector<16xi32> to vector<16xf32>
          %sub3A_513 = arith.subf %mul3A_496, %convert_element_type3A_512 : vector<16xf32>
          %convert_element_type3A_514 = arith.fptosi %mul3A_503 : vector<16xf32> to vector<16xi32>
          %convert_element_type3A_515 = arith.sitofp %convert_element_type3A_514 : vector<16xi32> to vector<16xf32>
          %sub3A_516 = arith.subf %mul3A_503, %convert_element_type3A_515 : vector<16xf32>
          %convert_element_type3A_517 = arith.fptosi %mul3A_510 : vector<16xf32> to vector<16xi32>
          %convert_element_type3A_518 = arith.sitofp %convert_element_type3A_517 : vector<16xi32> to vector<16xf32>
          %sub3A_519 = arith.subf %mul3A_510, %convert_element_type3A_518 : vector<16xf32>
          %sub3A_520 = arith.constant 1.000000e+00 : f32
          %sub3A_521 = vector.broadcast %sub3A_520 : f32 to vector<16xf32>
          %sub3A_522 = arith.subf %sub3A_521, %sub3A_513 : vector<16xf32>
          %sub3A_523 = arith.constant 1.000000e+00 : f32
          %sub3A_524 = vector.broadcast %sub3A_523 : f32 to vector<16xf32>
          %sub3A_525 = arith.subf %sub3A_524, %sub3A_516 : vector<16xf32>
          %sub3A_526 = arith.constant 1.000000e+00 : f32
          %sub3A_527 = vector.broadcast %sub3A_526 : f32 to vector<16xf32>
          %sub3A_528 = arith.subf %sub3A_527, %sub3A_519 : vector<16xf32>
          %mul3A_529 = arith.mulf %sub3A_525, %sub3A_528 : vector<16xf32>
          %mul3A_530 = arith.mulf %sub3A_525, %sub3A_519 : vector<16xf32>
          %mul3A_531 = arith.mulf %sub3A_516, %sub3A_528 : vector<16xf32>
          %mul3A_532 = arith.mulf %sub3A_516, %sub3A_519 : vector<16xf32>
          %broadcast_in_dim3A_533 = arith.constant 0.000000e+00 : f32
          %broadcast_in_dim3A_534 = vector.broadcast %broadcast_in_dim3A_533 : f32 to vector<16xf32>
          %add3A_535 = arith.constant 96 : i32
          %add3A_536 = vector.broadcast %add3A_535 : i32 to vector<16xi32>
          %add3A_537 = arith.addi %mul3A_7, %add3A_536 : vector<16xi32>
          %gather3A_538 = arith.constant 0 : i32
          %gather3A_539 = arith.constant 0 : i32
          %gather3A_540 = tpu.memref_slice %arg12[%add3A_74, %gather3A_538, %gather3A_539] : memref<32x128x8xf32, #tpu.memory_space<vmem>> -> memref<1x128x8xf32, #tpu.memory_space<vmem>>
          %gather3A_541 = tpu.memref_squeeze %gather3A_540 : memref<1x128x8xf32, #tpu.memory_space<vmem>> -> memref<128x8xf32, #tpu.memory_space<vmem>>
          %gather3A_542 = tpu.vector_load_idx %gather3A_541[%add3A_537, %and3A_4] : memref<128x8xf32, #tpu.memory_space<vmem>>[vector<16xi32>, vector<16xi32>], vector<16xf32>,
          %gather3A_543 = arith.constant 0 : i32
          %gather3A_544 = arith.constant 0 : i32
          %gather3A_545 = tpu.memref_slice %arg12[%add3A_74, %gather3A_543, %gather3A_544] : memref<32x128x8xf32, #tpu.memory_space<vmem>> -> memref<1x128x8xf32, #tpu.memory_space<vmem>>
          %gather3A_546 = tpu.memref_squeeze %gather3A_545 : memref<1x128x8xf32, #tpu.memory_space<vmem>> -> memref<128x8xf32, #tpu.memory_space<vmem>>
          %gather3A_547 = tpu.vector_load_idx %gather3A_546[%add3A_537, %add3A_10] : memref<128x8xf32, #tpu.memory_space<vmem>>[vector<16xi32>, vector<16xi32>], vector<16xf32>,
          %mul3A_548 = arith.mulf %mul3A_529, %sub3A_522 : vector<16xf32>
          %mul3A_549 = arith.mulf %mul3A_548, %gather3A_542 : vector<16xf32>
          %add3A_550 = arith.addf %broadcast_in_dim3A_534, %mul3A_549 : vector<16xf32>
          %mul3A_551 = arith.mulf %mul3A_529, %sub3A_513 : vector<16xf32>
          %mul3A_552 = arith.mulf %mul3A_551, %gather3A_547 : vector<16xf32>
          %add3A_553 = arith.addf %add3A_550, %mul3A_552 : vector<16xf32>
          %add3A_554 = arith.constant 97 : i32
          %add3A_555 = vector.broadcast %add3A_554 : i32 to vector<16xi32>
          %add3A_556 = arith.addi %mul3A_7, %add3A_555 : vector<16xi32>
          %gather3A_557 = arith.constant 0 : i32
          %gather3A_558 = arith.constant 0 : i32
          %gather3A_559 = tpu.memref_slice %arg12[%add3A_74, %gather3A_557, %gather3A_558] : memref<32x128x8xf32, #tpu.memory_space<vmem>> -> memref<1x128x8xf32, #tpu.memory_space<vmem>>
          %gather3A_560 = tpu.memref_squeeze %gather3A_559 : memref<1x128x8xf32, #tpu.memory_space<vmem>> -> memref<128x8xf32, #tpu.memory_space<vmem>>
          %gather3A_561 = tpu.vector_load_idx %gather3A_560[%add3A_556, %and3A_4] : memref<128x8xf32, #tpu.memory_space<vmem>>[vector<16xi32>, vector<16xi32>], vector<16xf32>,
          %gather3A_562 = arith.constant 0 : i32
          %gather3A_563 = arith.constant 0 : i32
          %gather3A_564 = tpu.memref_slice %arg12[%add3A_74, %gather3A_562, %gather3A_563] : memref<32x128x8xf32, #tpu.memory_space<vmem>> -> memref<1x128x8xf32, #tpu.memory_space<vmem>>
          %gather3A_565 = tpu.memref_squeeze %gather3A_564 : memref<1x128x8xf32, #tpu.memory_space<vmem>> -> memref<128x8xf32, #tpu.memory_space<vmem>>
          %gather3A_566 = tpu.vector_load_idx %gather3A_565[%add3A_556, %add3A_10] : memref<128x8xf32, #tpu.memory_space<vmem>>[vector<16xi32>, vector<16xi32>], vector<16xf32>,
          %mul3A_567 = arith.mulf %mul3A_530, %sub3A_522 : vector<16xf32>
          %mul3A_568 = arith.mulf %mul3A_567, %gather3A_561 : vector<16xf32>
          %add3A_569 = arith.addf %add3A_553, %mul3A_568 : vector<16xf32>
          %mul3A_570 = arith.mulf %mul3A_530, %sub3A_513 : vector<16xf32>
          %mul3A_571 = arith.mulf %mul3A_570, %gather3A_566 : vector<16xf32>
          %add3A_572 = arith.addf %add3A_569, %mul3A_571 : vector<16xf32>
          %add3A_573 = arith.constant 98 : i32
          %add3A_574 = vector.broadcast %add3A_573 : i32 to vector<16xi32>
          %add3A_575 = arith.addi %mul3A_7, %add3A_574 : vector<16xi32>
          %gather3A_576 = arith.constant 0 : i32
          %gather3A_577 = arith.constant 0 : i32
          %gather3A_578 = tpu.memref_slice %arg12[%add3A_74, %gather3A_576, %gather3A_577] : memref<32x128x8xf32, #tpu.memory_space<vmem>> -> memref<1x128x8xf32, #tpu.memory_space<vmem>>
          %gather3A_579 = tpu.memref_squeeze %gather3A_578 : memref<1x128x8xf32, #tpu.memory_space<vmem>> -> memref<128x8xf32, #tpu.memory_space<vmem>>
          %gather3A_580 = tpu.vector_load_idx %gather3A_579[%add3A_575, %and3A_4] : memref<128x8xf32, #tpu.memory_space<vmem>>[vector<16xi32>, vector<16xi32>], vector<16xf32>,
          %gather3A_581 = arith.constant 0 : i32
          %gather3A_582 = arith.constant 0 : i32
          %gather3A_583 = tpu.memref_slice %arg12[%add3A_74, %gather3A_581, %gather3A_582] : memref<32x128x8xf32, #tpu.memory_space<vmem>> -> memref<1x128x8xf32, #tpu.memory_space<vmem>>
          %gather3A_584 = tpu.memref_squeeze %gather3A_583 : memref<1x128x8xf32, #tpu.memory_space<vmem>> -> memref<128x8xf32, #tpu.memory_space<vmem>>
          %gather3A_585 = tpu.vector_load_idx %gather3A_584[%add3A_575, %add3A_10] : memref<128x8xf32, #tpu.memory_space<vmem>>[vector<16xi32>, vector<16xi32>], vector<16xf32>,
          %mul3A_586 = arith.mulf %mul3A_531, %sub3A_522 : vector<16xf32>
          %mul3A_587 = arith.mulf %mul3A_586, %gather3A_580 : vector<16xf32>
          %add3A_588 = arith.addf %add3A_572, %mul3A_587 : vector<16xf32>
          %mul3A_589 = arith.mulf %mul3A_531, %sub3A_513 : vector<16xf32>
          %mul3A_590 = arith.mulf %mul3A_589, %gather3A_585 : vector<16xf32>
          %add3A_591 = arith.addf %add3A_588, %mul3A_590 : vector<16xf32>
          %add3A_592 = arith.constant 99 : i32
          %add3A_593 = vector.broadcast %add3A_592 : i32 to vector<16xi32>
          %add3A_594 = arith.addi %mul3A_7, %add3A_593 : vector<16xi32>
          %gather3A_595 = arith.constant 0 : i32
          %gather3A_596 = arith.constant 0 : i32
          %gather3A_597 = tpu.memref_slice %arg12[%add3A_74, %gather3A_595, %gather3A_596] : memref<32x128x8xf32, #tpu.memory_space<vmem>> -> memref<1x128x8xf32, #tpu.memory_space<vmem>>
          %gather3A_598 = tpu.memref_squeeze %gather3A_597 : memref<1x128x8xf32, #tpu.memory_space<vmem>> -> memref<128x8xf32, #tpu.memory_space<vmem>>
          %gather3A_599 = tpu.vector_load_idx %gather3A_598[%add3A_594, %and3A_4] : memref<128x8xf32, #tpu.memory_space<vmem>>[vector<16xi32>, vector<16xi32>], vector<16xf32>,
          %gather3A_600 = arith.constant 0 : i32
          %gather3A_601 = arith.constant 0 : i32
          %gather3A_602 = tpu.memref_slice %arg12[%add3A_74, %gather3A_600, %gather3A_601] : memref<32x128x8xf32, #tpu.memory_space<vmem>> -> memref<1x128x8xf32, #tpu.memory_space<vmem>>
          %gather3A_603 = tpu.memref_squeeze %gather3A_602 : memref<1x128x8xf32, #tpu.memory_space<vmem>> -> memref<128x8xf32, #tpu.memory_space<vmem>>
          %gather3A_604 = tpu.vector_load_idx %gather3A_603[%add3A_594, %add3A_10] : memref<128x8xf32, #tpu.memory_space<vmem>>[vector<16xi32>, vector<16xi32>], vector<16xf32>,
          %mul3A_605 = arith.mulf %mul3A_532, %sub3A_522 : vector<16xf32>
          %mul3A_606 = arith.mulf %mul3A_605, %gather3A_599 : vector<16xf32>
          %add3A_607 = arith.addf %add3A_591, %mul3A_606 : vector<16xf32>
          %mul3A_608 = arith.mulf %mul3A_532, %sub3A_513 : vector<16xf32>
          %mul3A_609 = arith.mulf %mul3A_608, %gather3A_604 : vector<16xf32>
          %add3A_610 = arith.addf %add3A_607, %mul3A_609 : vector<16xf32>
          %mul3A_611 = arith.constant 1024 : i32
          %mul3A_612 = arith.muli %add3A_74, %mul3A_611 : i32
          %add3A_613 = arith.constant 768 : i32
          %add3A_614 = arith.addi %mul3A_612, %add3A_613 : i32
          %add3A_615 = vector.broadcast %add3A_614 : i32 to vector<16xi32>
          %add3A_616 = arith.addi %add3A_49, %add3A_615 : vector<16xi32>
          tpu.vector_store_idx %arg13[%add3A_616], %add3A_610 : memref<32768xf32, #tpu.memory_space<vmem>>[vector<16xi32>], vector<16xf32>,
        }
        %scan3A_69 = arith.constant 32 : i32
      }
      %scan3A_36 = arith.constant 16 : i32
      %mul3A_37 = arith.constant 32 : i32
      %mul3A_38 = arith.muli %add3A_31, %mul3A_37 : i32
      "tpu.region"() ({
        %run_scoped3A = tpu.sem_alloc : memref<!tpu.dma_semaphore, #tpu.memory_space<semaphore_mem>>
        %dma_start3A = tpu.memref_slice %arg7[%mul3A_38] : memref<16777216xf32, #tpu.memory_space<hbm>> -> memref<32768xf32, #tpu.memory_space<hbm>>
        %dma_start3A_39 = tpu.memref_slice %arg7[%mul3A_38] : memref<16777216xf32, #tpu.memory_space<hbm>> -> memref<32768xf32, #tpu.memory_space<hbm>>
        tpu.enqueue_dma source(%arg13 : memref<32768xf32, #tpu.memory_space<vmem>>) target(%dma_start3A_39 : memref<32768xf32, #tpu.memory_space<hbm>>) target_semaphore(%run_scoped3A : memref<!tpu.dma_semaphore, #tpu.memory_space<semaphore_mem>>)
        %dma_wait3A = tpu.memref_slice %arg7[%mul3A_38] : memref<16777216xf32, #tpu.memory_space<hbm>> -> memref<32768xf32, #tpu.memory_space<hbm>>
        %dma_wait3A_40 = tpu.memref_slice %arg7[%mul3A_38] : memref<16777216xf32, #tpu.memory_space<hbm>> -> memref<32768xf32, #tpu.memory_space<hbm>>
        tpu.wait_dma2 semaphore(%run_scoped3A : memref<!tpu.dma_semaphore, #tpu.memory_space<semaphore_mem>>) src(%arg13 : memref<32768xf32, #tpu.memory_space<vmem>>) dst(%dma_wait3A_40 : memref<32768xf32, #tpu.memory_space<hbm>>)
        tpu.yield
      }) : () -> ()
    }
    %scan3A_21 = arith.constant 16 : i32
    return
  }
}

</mosaic_0001>

<sc_bundles>
// kernel: kernel.3.cloned.1.call-start
scs
__scs_entry_jumppad:
0x0: {  	(pc) =	sbr.rel $0x88, $3  }
0x1: {  	(tag) =	ssettag $0x0;
	lr =	simm.s32 $0x1  }
0x2: {  	[smem:$0x3F9F] =	sst lr;
	_ =	strace $0xD0000000  }
0x3: {  	_ = 	snop  }
0x4: {  	_ = 	snop  }
0x5: {  	_ = 	snop  }
0x6: {  	_ = 	snop  }
0x7: {  	_ = 	snop  }
__scs_overlays_trampoline_lowered:
0x8: {  	[smem:$0x3FAE] =	sst s0  }
0x9: {  	[smem:$0x3FAF] =	sst s1  }
0xa: {  	[smem:$0x3FB0] =	sst s2  }
0xb: {  	[smem:$0x3FB1] =	sst s3  }
0xc: {  	[smem:$0x3FB2] =	sst s4  }
0xd: {  	[smem:$0x3FB3] =	sst s5  }
0xe: {  	[smem:$0x3FB4] =	sst s6  }
0xf: {  	[smem:$0x3FB5] =	sst s7  }
0x10: {  	[smem:$0x3FB6] =	sst s8  }
0x11: {  	[smem:$0x3FB7] =	sst s9;
	s0 =	simm.s32 @!p0 $0x0  }
0x12: {  	s1 =	sld [smem:$0x3F9D];
	s0 =	simm.s32 @p0 $0x1  }
0x13: {  	[smem:$0x3FB8] =	sst s0;
	s0 =	simm.s32 @!p1 $0x0  }
0x14: {  	s2 =	sld [smem:$0x3F9C];
	s0 =	simm.s32 @p1 $0x1  }
0x15: {  	[smem:$0x3FB9] =	sst s0;
	s0 =	simm.s32 @!p2 $0x0  }
0x16: {  	s3 =	sld [smem:$0x3FDB];
	s0 =	simm.s32 @p2 $0x1  }
0x17: {  	s4 =	simm.s32 $0x1BF5;
	[smem:$0x3FBB] =	sst s0  }
0x18: {  	s0 =	sld [smem:$0x3F9E];
	_ =	swait.ge [sflag:s4], $0x0  }
0x19: {  	s7 =	sld [smem:$0x3F9F]  }
0x1a: {  	s8 =	sadd.s32 $0xFFFFE003, lr  }
0x1b: {  	s9 =	sadd.s32 $0xFFFFFEF7, lr;
	s5 =	simm.s32 $0xFFFFFFFF;
	p2 =	slt.u32 s8, $0xFFFFF086  }
0x1c: {  	p1 =	slt.u32 s9, $0xF7A;
	s5 =	simm.s32 @!p2 $0x0  }
0x1d: {  	s5 =	simm.s32 @p1 $0x1;
	p0 =	seq.s32 s7, s2  }
0x1e: {  	s7 =	smul.u32 @!p0 $0xF7A, s2;
	p2 =	seq.s32 @!p0 s5, $0x0  }
0x1f: {  	s9 =	smul.u32 $0xF7A, s1;
	s8 =	simm.s32 @!p0 $0x1BF5;
	p2 =	por !p2, p0  }
0x20: {  	[sflag:s8] =	ssyncset.s32 @!p0 $0xFFFFF086;
	s6 =	sadd.s32 @!p0 s3, s7;
	s7 =	simm.s32 @!p0 $0x108  }
0x21: {  	s3 =	sadd.s32 s3, s9;
	s6 =	sadd.s32 @!p0 $0x88, s6;
	s7 =	simm.s32 @p2 $0x1082  }
0x22: {  	[simem:s7], [sflag:s8] =	dma.local @!p0 [hbm:s6], $0xF7A  }
0x23: {  	s9 =	sor.u32 $0xD0000000, s2;
	s6 =	simm.s32 $0x108;
	_ =	swait.ge @!p0 [sflag:s8], $0x0  }
0x24: {  	s3 =	sadd.s32 $0x88, s3;
	s6 =	simm.s32 @!p1 $0x1082;
	[sflag:s4] =	ssyncset.s32 $0xFFFFF086  }
0x25: {  	[simem:s6], [sflag:s4] =	dma.local [hbm:s3], $0xF7A  }
0x26: {  	[smem:$0x3F9F] =	sst s1;
	(tag) =	ssettag s2;
	_ =	strace s9  }
0x27: {  	s1 =	sld [smem:$0x3FAF]  }
0x28: {  	s2 =	sld [smem:$0x3FB0]  }
0x29: {  	s4 =	sld [smem:$0x3FB2]  }
0x2a: {  	p0 =	seq.s32 s5, $0x0;
	s5 =	sld [smem:$0x3FB3]  }
0x2b: {  	s6 =	sld [smem:$0x3FB4]  }
0x2c: {  	s7 =	sld [smem:$0x3FB5]  }
0x2d: {  	s3 =	simm.s32 $0x108;
	s8 =	sld [smem:$0x3FB6]  }
0x2e: {  	s3 =	simm.s32 @!p0 $0x1082;
	s9 =	sld [smem:$0x3FB7]  }
0x2f: {  	lr =	sadd.s32 s0, s3;
	s0 =	sld [smem:$0x3FAE]  }
0x30: {  	s3 =	sld [smem:$0x3FB1]  }
0x31: {  	[smem:$0x3FBA] =	sst s10  }
0x32: {  	s10 =	sld [smem:$0x3FB8];
	_ =	sdelay $0x3  }
0x33: {  	p0 =	seq.s32 s10, $0x1;
	s10 =	sld [smem:$0x3FBA];
	_ =	sdelay $0x3  }
0x34: {  	[smem:$0x3FBA] =	sst s10  }
0x35: {  	s10 =	sld [smem:$0x3FB9];
	_ =	sdelay $0x3  }
0x36: {  	p1 =	seq.s32 s10, $0x1;
	s10 =	sld [smem:$0x3FBA];
	_ =	sdelay $0x3  }
0x37: {  	[smem:$0x3FBA] =	sst s10  }
0x38: {  	s10 =	sld [smem:$0x3FBB]  }
0x39: {  	_ = 	snop;
	(pc) =	sbr.ind lr, $3  }
0x3a: {  	_ = 	snop  }
0x3b: {  	_ = 	snop  }
0x3c: {  	p2 =	seq.s32 s10, $0x1;
	s10 =	sld [smem:$0x3FBA]  }
0x3d: {  	_ =	shalt  }
0x3e: {  	_ =	shalt  }
0x3f: {  	_ =	shalt  }
0x40: {  	_ =	shalt  }
0x41: {  	_ =	shalt  }
0x42: {  	_ =	shalt  }
0x43: {  	_ =	shalt  }
0x44: {  	_ =	shalt  }
0x45: {  	_ =	shalt  }
0x46: {  	_ =	shalt  }
0x47: {  	_ =	shalt  }
0x48: {  	_ =	shalt  }
0x49: {  	_ =	shalt  }
0x4a: {  	_ =	shalt  }
0x4b: {  	_ =	shalt  }
0x4c: {  	_ =	shalt  }
0x4d: {  	_ =	shalt  }
0x4e: {  	_ =	shalt  }
0x4f: {  	_ =	shalt  }
0x50: {  	_ =	shalt  }
0x51: {  	_ =	shalt  }
0x52: {  	_ =	shalt  }
0x53: {  	_ =	shalt  }
0x54: {  	_ =	shalt  }
0x55: {  	_ =	shalt  }
0x56: {  	_ =	shalt  }
0x57: {  	_ =	shalt  }
0x58: {  	_ =	shalt  }
0x59: {  	_ =	shalt  }
0x5a: {  	_ =	shalt  }
0x5b: {  	_ =	shalt  }
0x5c: {  	_ =	shalt  }
0x5d: {  	_ =	shalt  }
0x5e: {  	_ =	shalt  }
0x5f: {  	_ =	shalt  }
0x60: {  	_ =	shalt  }
0x61: {  	_ =	shalt  }
0x62: {  	_ =	shalt  }
0x63: {  	_ =	shalt  }
0x64: {  	_ =	shalt  }
0x65: {  	_ =	shalt  }
0x66: {  	_ =	shalt  }
0x67: {  	_ =	shalt  }
0x68: {  	_ =	shalt  }
0x69: {  	_ =	shalt  }
0x6a: {  	_ =	shalt  }
0x6b: {  	_ =	shalt  }
0x6c: {  	_ =	shalt  }
0x6d: {  	_ =	shalt  }
0x6e: {  	_ =	shalt  }
0x6f: {  	_ =	shalt  }
0x70: {  	_ =	shalt  }
0x71: {  	_ =	shalt  }
0x72: {  	_ =	shalt  }
0x73: {  	_ =	shalt  }
0x74: {  	_ =	shalt  }
0x75: {  	_ =	shalt  }
0x76: {  	_ =	shalt  }
0x77: {  	_ =	shalt  }
0x78: {  	_ =	shalt  }
0x79: {  	_ =	shalt  }
0x7a: {  	_ =	shalt  }
0x7b: {  	_ =	shalt  }
0x7c: {  	_ =	shalt  }
0x7d: {  	_ =	shalt  }
0x7e: {  	_ =	shalt  }
0x7f: {  	_ =	shalt  }
0x80: {  	_ =	shalt  }
0x81: {  	_ =	shalt  }
0x82: {  	_ =	shalt  }
0x83: {  	_ =	shalt  }
0x84: {  	_ =	shalt  }
0x85: {  	_ =	shalt  }
0x86: {  	_ =	shalt  }
0x87: {  	_ =	shalt  }
.Lfunc_end0:
.L_simem_size_0:
called_computation.2_lowered:
.L_overlay_start_0:
0x88: {  	s2 =	sld [smem:$0x3FD9]  }
0x89: {  	s3 =	sld [smem:$0x3FFE];
	_ =	sdelay $0x1  }
0x8a: {  	s1 =	srdreg.scid  }
0x8b: {  	s0 =	sand.u32 $0x1, s1  }
0x8c: {  	s17 =	sshll.u32 s0, $0xA;
	s2 =	sadd.s32 s3, s2  }
0x8d: {  	s2 =	sadd.s32 s2, s17  }
0x8e: {  	[smem:$0x3FC6] =	sst s2  }
0x8f: {  	_ = 	snop  }
0x90: {  	s2 =	sld [smem:$0x3FD0];
	(tm) =	ssettm $0x1  }
0x91: {  	s18 =	sld [smem:$0x3FFB];
	_ =	sdelay $0x3  }
0x92: {  	_ =	strace s18  }
0x93: {  	s3 =	sld [smem:$0x3FFC];
	_ =	sdelay $0x3  }
0x94: {  	_ =	strace s3  }
0x95: {  	s3 =	sld [smem:$0x3FFD];
	_ =	sdelay $0x3  }
0x96: {  	_ =	strace s3  }
0x97: {  	_ =	strace $0x8FFFFFFF  }
0x98: {  	s19 =	sld [smem:$0x3FDB];
	_ =	sdelay $0x1  }
0x99: {  	s4 =	simm.s32 $_scs_section_size  }
0x9a: {  	s5 =	simm.s32 $_size__tile_overlayer_lowered;
	s6 =	simm.s32 $_tile_overlayer_lowered  }
0x9b: {  	s22 =	simm.s32 $0x1BFF;
	s21 =	sshll.u32 s6, $0x1;
	s3 =	sadd.s32 s4, s19  }
0x9c: {  	s7 =	simm.s32 $0x0;
	s20 =	sshll.u32 s5, $0x1;
	s5 =	sadd.s32 s21, s3  }
0x9d: {  	[timem:s7], [sflag:s22] =	dma.local [hbm:s5], s20  }
0x9e: {  	_ =	swait.ge [sflag:s22], s20  }
0x9f: {  	s4 =	ssub.s32 $0x0, s20;
	[sflag:s22] =	ssyncset.done $0x0  }
0xa0: {  	[sflag:s22] =	ssyncadd.s32 s4;
	_ =	sdelay $0x1  }
0xa1: {  	s23 =	simm.s32 $0x1B8B  }
0xa2: {  	_ =	swait.ge [sflag:s23], $0x1  }
0xa3: {  	[sflag:s23] =	ssyncset.done $0x0  }
0xa4: {  	s25 =	simm.s32 $0x1B8E;
	s24 =	sld [smem:$0x3FFE];
	[sflag:s23] =	ssyncadd.s32 $0xFFFFFFFF  }
0xa5: {  	s26 =	simm.s32 $execute0_lowered;
	[smem:$0x3FD2] =	sst s25  }
0xa6: {  	s5 =	sshll.u32 s26, $0x1;
	_ =	strace $0x80000049;
	[dreg:$0x1] =	wrdreg $0xFFFFFFFF  }
0xa7: {  	s28 =	simm.s32 $_size_execute0_lowered;
	s3 =	sadd.s32 s3, s5;
	[dreg:$0x0] =	wrdreg $0x0  }
0xa8: {  	s5 =	sshll.u32 s28, $0x1;
	[dreg:$0x2] =	wrdreg s3  }
0xa9: {  	[dreg:$0x3] =	wrdreg s5  }
0xaa: {  	[dreg:$0x4] =	wrdreg $0xC0  }
0xab: {  	_ =	task [dreg:s7], $0x5FFFF  }
0xac: {  	[dreg:$0x1] =	wrdreg $0xFFFFFFFF  }
0xad: {  	[dreg:$0x0] =	wrdreg $0x60  }
0xae: {  	[dreg:$0x2] =	wrdreg s24  }
0xaf: {  	[dreg:$0x3] =	wrdreg s2  }
0xb0: {  	[dreg:$0x4] =	wrdreg $0x9  }
0xb1: {  	_ =	task.clear_ibuf [dreg:s7], $0x5FFFF;
	_ =	strace $0x90000049  }
0xb2: {  	s29 =	simm.s32 $0x9;
	_ =	strace $0x8000004B  }
0xb3: {  	_ =	swait.ge [sflag:s29], $0x1  }
0xb4: {  	[sflag:s29] =	ssyncadd.s32 $0xFFFFFFFF  }
0xb5: {  	_ =	strace $0x9000004B  }
0xb6: {  	_ =	sfence  }
0xb7: {  	s30 =	sld [smem:$0x0];
	_ =	sdelay $0x2  }
0xb8: {  	s31 =	sshll.u32 s1, $0xD;
	s1 =	sshrl.u32 s1, $0x2  }
0xb9: {  	s3 =	sand.u32 $0x4000, s31;
	s1 =	sadd.s32 s1, s30  }
0xba: {  	s0 =	sor.u32 s3, s0;
	s1 =	sshll.u32 s1, $0x11  }
0xbb: {  	s0 =	sor.u32 s1, s0  }
0xbc: {  	s0 =	sadd.s32 $0x8F2B, s0  }
0xbd: {  	[sflag:s0] =	ssyncadd.remote.s32 $0x1  }
0xbe: {  	_ =	sfence.sel $0xFFFF  }
0xbf: {  	[dreg:$0x0] =	wrdreg $0xFFFFFFFF;
	(pc) =	sbr.abs _section_cstart, $3  }
0xc0: {  	[dreg:$0x1] =	wrdreg $0xFFFFFFFF  }
0xc1: {  	_ =	task.clear_ibuf [dreg:s7], $0x2FFFF;
	_ =	strace $0x9FFFFFFF  }
0xc2: {  	(tm) =	ssettm $0x7FFFFFFF  }
0xc3: {  	_ =	shalt  }
tec
execute0_lowered:
.L_overlay_start_1:
0x0: {  	(tag) =	ssettag $0x1  }
0x1: {  	v10 =	vlaneseq.u32  }
0x2: {  	v4 =	vimm.s32 $0xA1A08180;
	v5 =	vimm.s32 $0x21200100;
	v7 =	vimm.s32 $0x61604140  }
0x3: {  	vm1 =	vcmask $0x1F10;
	v11 =	vimm.s32 $0x23220302;
	v12 =	vimm.s32 $0x63624342  }
0x4: {  	v14 =	vimm.s32 $0x0;
	vm0 =	vcmask $0x300;
	v15 =	vimm.s32 $0x69684948  }
0x5: {  	v16 =	vimm.s32 $0xABAA8B8A;
	v17 =	vimm.s32 $0xEBEACBCA;
	v18 =	vimm.s32 $0x31301110  }
0x6: {  	v19 =	vimm.s32 $0x71705150;
	v20 =	vimm.s32 $0xF9F8D9D8;
	v21 =	vimm.s32 $0x39381918  }
0x7: {  	v22 =	vimm.s32 $0x79785958;
	vm14 =	vcmask $0x704;
	vm13 =	vcmask $0xB08  }
0x8: {  	vm12 =	vcmask $0xF0C;
	vm11 =	vcmask $0x1310;
	vm10 =	vcmask $0x1714  }
0x9: {  	vm9 =	vcmask $0x1B18;
	vm15 =	vcmask $0x1F1C;
	vm2 =	vcmask $0x2320  }
0xa: {  	vm3 =	vcmask $0x2724;
	vm4 =	vcmask $0x2B28;
	vm5 =	vcmask $0x2F2C  }
0xb: {  	vm6 =	vcmask $0x3330;
	vm7 =	vcmask $0x3734;
	vm8 =	vcmask $0x3B38  }
0xc: {  	v23 =	vimm.s32 $0x1F3;
	v24 =	vimm.s32 $0x1F9;
	v25 =	vimm.s32 $0x1FB  }
0xd: {  	v26 =	vimm.s32 $0x2E1;
	v27 =	vimm.s32 $0x2E3;
	v28 =	vimm.s32 $0x2E9  }
0xe: {  	v29 =	vimm.s32 $0x2EB;
	v30 =	vimm.s32 $0x2F1;
	v31 =	vimm.s32 $0x2F3  }
0xf: {  	v32 =	vimm.s32 $0x2F9;
	v33 =	vimm.s32 $0x2FB;
	v34 =	vimm.s32 $0x3E1  }
0x10: {  	v35 =	vimm.s32 $0x3E3;
	v36 =	vimm.s32 $0x3E9;
	v37 =	vimm.s32 $0x3EB  }
0x11: {  	v38 =	vimm.s32 $0x3F1;
	v39 =	vimm.s32 $0x3F3;
	v40 =	vimm.s32 $0x3F9  }
0x12: {  	v41 =	vimm.s32 $0x3FB;
	v0 =	vmul.u32 $0x4, v10;
	v6 =	vunpack.c.0.s8.s32 v4  }
0x13: {  	v4 =	vimm.s32 $0xE1E0C1C0;
	v9 =	vunpack.c.0.s8.s32 v5;
	v7 =	vunpack.c.0.s8.s32 v7  }
0x14: {  	v11 =	vunpack.c.0.s8.s32 v11;
	v12 =	vunpack.c.0.s8.s32 v12;
	v15 =	vunpack.c.0.s8.s32 v15  }
0x15: {  	v10 =	vshrl.u32 v10, $0x1;
	v16 =	vunpack.c.0.s8.s32 v16;
	v17 =	vunpack.c.0.s8.s32 v17  }
0x16: {  	v20 =	vunpack.c.0.s8.s32 v20;
	v21 =	vunpack.c.0.s8.s32 v21;
	v22 =	vunpack.c.0.s8.s32 v22  }
0x17: {  	v23 =	vsel vm0, $0x112, v23;
	v24 =	vsel vm0, $0x118, v24;
	v25 =	vsel vm0, $0x11A, v25  }
0x18: {  	v26 =	vsel vm0, $0x200, v26;
	v27 =	vsel vm0, $0x202, v27;
	v28 =	vsel vm0, $0x208, v28  }
0x19: {  	v29 =	vsel vm0, $0x20A, v29;
	v30 =	vsel vm0, $0x210, v30;
	v31 =	vsel vm0, $0x212, v31  }
0x1a: {  	v32 =	vsel vm0, $0x218, v32;
	v33 =	vsel vm0, $0x21A, v33;
	v34 =	vsel vm0, $0x300, v34  }
0x1b: {  	v35 =	vsel vm0, $0x302, v35;
	v36 =	vsel vm0, $0x308, v36;
	v37 =	vsel vm0, $0x30A, v37  }
0x1c: {  	v38 =	vsel vm0, $0x310, v38;
	v39 =	vsel vm0, $0x312, v39;
	v40 =	vsel vm0, $0x318, v40  }
0x1d: {  	v41 =	vsel vm0, $0x31A, v41;
	v8 =	vunpack.c.0.s8.s32 v4;
	v23 =	vsel vm14, $0x113, v23  }
0x1e: {  	v24 =	vsel vm14, $0x119, v24;
	v25 =	vsel vm14, $0x11B, v25;
	v26 =	vsel vm14, $0x201, v26  }
0x1f: {  	v27 =	vsel vm14, $0x203, v27;
	v28 =	vsel vm14, $0x209, v28;
	v29 =	vsel vm14, $0x20B, v29  }
0x20: {  	v30 =	vsel vm14, $0x211, v30;
	v31 =	vsel vm14, $0x213, v31;
	v32 =	vsel vm14, $0x219, v32  }
0x21: {  	v33 =	vsel vm14, $0x21B, v33;
	v34 =	vsel vm14, $0x301, v34;
	v35 =	vsel vm14, $0x303, v35  }
0x22: {  	v36 =	vsel vm14, $0x309, v36;
	v37 =	vsel vm14, $0x30B, v37;
	v38 =	vsel vm14, $0x311, v38  }
0x23: {  	v39 =	vsel vm14, $0x313, v39;
	v40 =	vsel vm14, $0x319, v40;
	v41 =	vsel vm14, $0x31B, v41  }
0x24: {  	v1 =	vor.u32 $0x1, v0;
	v2 =	vor.u32 $0x2, v0;
	v3 =	vor.u32 $0x3, v0  }
0x25: {  	v4 =	vor.u32 $0x40, v0;
	v5 =	vor.u32 $0x41, v0;
	v7 =	vsel vm1, v7, v9  }
0x26: {  	v9 =	vimm.s32 $0xA3A28382;
	v11 =	vsel vm1, v12, v11;
	v12 =	vimm.s32 $0xA9A88988  }
0x27: {  	v23 =	vsel vm13, $0x132, v23;
	v24 =	vsel vm13, $0x138, v24;
	v25 =	vsel vm13, $0x13A, v25  }
0x28: {  	v26 =	vsel vm13, $0x220, v26;
	v27 =	vsel vm13, $0x222, v27;
	v28 =	vsel vm13, $0x228, v28  }
0x29: {  	v29 =	vsel vm13, $0x22A, v29;
	v30 =	vsel vm13, $0x230, v30;
	v31 =	vsel vm13, $0x232, v31  }
0x2a: {  	v32 =	vsel vm13, $0x238, v32;
	v33 =	vsel vm13, $0x23A, v33;
	v34 =	vsel vm13, $0x320, v34  }
0x2b: {  	v35 =	vsel vm13, $0x322, v35;
	v36 =	vsel vm13, $0x328, v36;
	v37 =	vsel vm13, $0x32A, v37  }
0x2c: {  	v38 =	vsel vm13, $0x330, v38;
	v39 =	vsel vm13, $0x332, v39;
	v40 =	vsel vm13, $0x338, v40  }
0x2d: {  	v41 =	vsel vm13, $0x33A, v41;
	v8 =	vsel vm1, v8, v6;
	v6 =	vor.u32 $0x42, v0  }
0x2e: {  	v9 =	vunpack.c.0.s8.s32 v9;
	v12 =	vunpack.c.0.s8.s32 v12;
	v23 =	vsel vm12, $0x133, v23  }
0x2f: {  	v24 =	vsel vm12, $0x139, v24;
	v25 =	vsel vm12, $0x13B, v25;
	v26 =	vsel vm12, $0x221, v26  }
0x30: {  	v27 =	vsel vm12, $0x223, v27;
	v28 =	vsel vm12, $0x229, v28;
	v29 =	vsel vm12, $0x22B, v29  }
0x31: {  	v30 =	vsel vm12, $0x231, v30;
	v31 =	vsel vm12, $0x233, v31;
	v32 =	vsel vm12, $0x239, v32  }
0x32: {  	v33 =	vsel vm12, $0x23B, v33;
	v34 =	vsel vm12, $0x321, v34;
	v35 =	vsel vm12, $0x323, v35  }
0x33: {  	v36 =	vsel vm12, $0x329, v36;
	v37 =	vsel vm12, $0x32B, v37;
	v38 =	vsel vm12, $0x331, v38  }
0x34: {  	v39 =	vsel vm12, $0x333, v39;
	v40 =	vsel vm12, $0x339, v40;
	v41 =	vsel vm12, $0x33B, v41  }
0x35: {  	v8 =	vcombine.low v7, v8;
	v7 =	vimm.s32 $0xE3E2C3C2;
	v23 =	vsel vm11, $0x152, v23  }
0x36: {  	v24 =	vsel vm11, $0x158, v24;
	v25 =	vsel vm11, $0x15A, v25;
	v26 =	vsel vm11, $0x240, v26  }
0x37: {  	v27 =	vsel vm11, $0x242, v27;
	v28 =	vsel vm11, $0x248, v28;
	v29 =	vsel vm11, $0x24A, v29  }
0x38: {  	v30 =	vsel vm11, $0x250, v30;
	v31 =	vsel vm11, $0x252, v31;
	v32 =	vsel vm11, $0x258, v32  }
0x39: {  	v33 =	vsel vm11, $0x25A, v33;
	v34 =	vsel vm11, $0x340, v34;
	v35 =	vsel vm11, $0x342, v35  }
0x3a: {  	v36 =	vsel vm11, $0x348, v36;
	v37 =	vsel vm11, $0x34A, v37;
	v38 =	vsel vm11, $0x350, v38  }
0x3b: {  	v39 =	vsel vm11, $0x352, v39;
	v40 =	vsel vm11, $0x358, v40;
	v41 =	vsel vm11, $0x35A, v41  }
0x3c: {  	v13 =	vunpack.c.0.s8.s32 v7;
	v7 =	vor.u32 $0x43, v0;
	v23 =	vsel vm10, $0x153, v23  }
0x3d: {  	v24 =	vsel vm10, $0x159, v24;
	v25 =	vsel vm10, $0x15B, v25;
	v26 =	vsel vm10, $0x241, v26  }
0x3e: {  	v27 =	vsel vm10, $0x243, v27;
	v28 =	vsel vm10, $0x249, v28;
	v29 =	vsel vm10, $0x24B, v29  }
0x3f: {  	v30 =	vsel vm10, $0x251, v30;
	v31 =	vsel vm10, $0x253, v31;
	v32 =	vsel vm10, $0x259, v32  }
0x40: {  	v33 =	vsel vm10, $0x25B, v33;
	v34 =	vsel vm10, $0x341, v34;
	v35 =	vsel vm10, $0x343, v35  }
0x41: {  	v36 =	vsel vm10, $0x349, v36;
	v37 =	vsel vm10, $0x34B, v37;
	v38 =	vsel vm10, $0x351, v38  }
0x42: {  	v39 =	vsel vm10, $0x353, v39;
	v40 =	vsel vm10, $0x359, v40;
	v41 =	vsel vm10, $0x35B, v41  }
0x43: {  	v8 =	vand.u32 $0xFF, v8;
	v23 =	vsel vm9, $0x172, v23;
	v24 =	vsel vm9, $0x178, v24  }
0x44: {  	v25 =	vsel vm9, $0x17A, v25;
	v26 =	vsel vm9, $0x260, v26;
	v27 =	vsel vm9, $0x262, v27  }
0x45: {  	v28 =	vsel vm9, $0x268, v28;
	v29 =	vsel vm9, $0x26A, v29;
	v30 =	vsel vm9, $0x270, v30  }
0x46: {  	v31 =	vsel vm9, $0x272, v31;
	v32 =	vsel vm9, $0x278, v32;
	v33 =	vsel vm9, $0x27A, v33  }
0x47: {  	v34 =	vsel vm9, $0x360, v34;
	v35 =	vsel vm9, $0x362, v35;
	v36 =	vsel vm9, $0x368, v36  }
0x48: {  	v37 =	vsel vm9, $0x36A, v37;
	v38 =	vsel vm9, $0x370, v38;
	v39 =	vsel vm9, $0x372, v39  }
0x49: {  	v40 =	vsel vm9, $0x378, v40;
	v41 =	vsel vm9, $0x37A, v41;
	v13 =	vsel vm1, v13, v9  }
0x4a: {  	v9 =	vsel vm0, $0x3, v14;
	v14 =	vimm.s32 $0x29280908;
	v23 =	vsel vm15, $0x173, v23  }
0x4b: {  	v24 =	vsel vm15, $0x179, v24;
	v25 =	vsel vm15, $0x17B, v25;
	v26 =	vsel vm15, $0x261, v26  }
0x4c: {  	v27 =	vsel vm15, $0x263, v27;
	v28 =	vsel vm15, $0x269, v28;
	v29 =	vsel vm15, $0x26B, v29  }
0x4d: {  	v30 =	vsel vm15, $0x271, v30;
	v31 =	vsel vm15, $0x273, v31;
	v32 =	vsel vm15, $0x279, v32  }
0x4e: {  	v33 =	vsel vm15, $0x27B, v33;
	v34 =	vsel vm15, $0x361, v34;
	v35 =	vsel vm15, $0x363, v35  }
0x4f: {  	v36 =	vsel vm15, $0x369, v36;
	v37 =	vsel vm15, $0x36B, v37;
	v38 =	vsel vm15, $0x371, v38  }
0x50: {  	v39 =	vsel vm15, $0x373, v39;
	v40 =	vsel vm15, $0x379, v40;
	v41 =	vsel vm15, $0x37B, v41  }
0x51: {  	v11 =	vcombine.low v11, v13;
	v13 =	vimm.s32 $0xE9E8C9C8;
	v14 =	vunpack.c.0.s8.s32 v14  }
0x52: {  	v23 =	vsel vm2, $0x192, v23;
	v24 =	vsel vm2, $0x198, v24;
	v25 =	vsel vm2, $0x19A, v25  }
0x53: {  	v26 =	vsel vm2, $0x280, v26;
	v27 =	vsel vm2, $0x282, v27;
	v28 =	vsel vm2, $0x288, v28  }
0x54: {  	v29 =	vsel vm2, $0x28A, v29;
	v30 =	vsel vm2, $0x290, v30;
	v31 =	vsel vm2, $0x292, v31  }
0x55: {  	v32 =	vsel vm2, $0x298, v32;
	v33 =	vsel vm2, $0x29A, v33;
	v34 =	vsel vm2, $0x380, v34  }
0x56: {  	v35 =	vsel vm2, $0x382, v35;
	v36 =	vsel vm2, $0x388, v36;
	v37 =	vsel vm2, $0x38A, v37  }
0x57: {  	v38 =	vsel vm2, $0x390, v38;
	v39 =	vsel vm2, $0x392, v39;
	v40 =	vsel vm2, $0x398, v40  }
0x58: {  	v41 =	vsel vm2, $0x39A, v41;
	v13 =	vunpack.c.0.s8.s32 v13;
	v23 =	vsel vm3, $0x193, v23  }
0x59: {  	v24 =	vsel vm3, $0x199, v24;
	v25 =	vsel vm3, $0x19B, v25;
	v26 =	vsel vm3, $0x281, v26  }
0x5a: {  	v27 =	vsel vm3, $0x283, v27;
	v28 =	vsel vm3, $0x289, v28;
	v29 =	vsel vm3, $0x28B, v29  }
0x5b: {  	v30 =	vsel vm3, $0x291, v30;
	v31 =	vsel vm3, $0x293, v31;
	v32 =	vsel vm3, $0x299, v32  }
0x5c: {  	v33 =	vsel vm3, $0x29B, v33;
	v34 =	vsel vm3, $0x381, v34;
	v35 =	vsel vm3, $0x383, v35  }
0x5d: {  	v36 =	vsel vm3, $0x389, v36;
	v37 =	vsel vm3, $0x38B, v37;
	v38 =	vsel vm3, $0x391, v38  }
0x5e: {  	v39 =	vsel vm3, $0x393, v39;
	v40 =	vsel vm3, $0x399, v40;
	v41 =	vsel vm3, $0x39B, v41  }
0x5f: {  	v11 =	vand.u32 $0xFF, v11;
	v23 =	vsel vm4, $0x1B2, v23;
	v24 =	vsel vm4, $0x1B8, v24  }
0x60: {  	v25 =	vsel vm4, $0x1BA, v25;
	v26 =	vsel vm4, $0x2A0, v26;
	v27 =	vsel vm4, $0x2A2, v27  }
0x61: {  	v28 =	vsel vm4, $0x2A8, v28;
	v29 =	vsel vm4, $0x2AA, v29;
	v30 =	vsel vm4, $0x2B0, v30  }
0x62: {  	v31 =	vsel vm4, $0x2B2, v31;
	v32 =	vsel vm4, $0x2B8, v32;
	v33 =	vsel vm4, $0x2BA, v33  }
0x63: {  	v34 =	vsel vm4, $0x3A0, v34;
	v35 =	vsel vm4, $0x3A2, v35;
	v36 =	vsel vm4, $0x3A8, v36  }
0x64: {  	v37 =	vsel vm4, $0x3AA, v37;
	v38 =	vsel vm4, $0x3B0, v38;
	v39 =	vsel vm4, $0x3B2, v39  }
0x65: {  	v40 =	vsel vm4, $0x3B8, v40;
	v41 =	vsel vm4, $0x3BA, v41;
	v12 =	vsel vm1, v13, v12  }
0x66: {  	v13 =	vsel vm1, v15, v14;
	v14 =	vimm.s32 $0x2B2A0B0A;
	v15 =	vimm.s32 $0x6B6A4B4A  }
0x67: {  	v23 =	vsel vm5, $0x1B3, v23;
	v24 =	vsel vm5, $0x1B9, v24;
	v25 =	vsel vm5, $0x1BB, v25  }
0x68: {  	v26 =	vsel vm5, $0x2A1, v26;
	v27 =	vsel vm5, $0x2A3, v27;
	v28 =	vsel vm5, $0x2A9, v28  }
0x69: {  	v29 =	vsel vm5, $0x2AB, v29;
	v30 =	vsel vm5, $0x2B1, v30;
	v31 =	vsel vm5, $0x2B3, v31  }
0x6a: {  	v32 =	vsel vm5, $0x2B9, v32;
	v33 =	vsel vm5, $0x2BB, v33;
	v34 =	vsel vm5, $0x3A1, v34  }
0x6b: {  	v35 =	vsel vm5, $0x3A3, v35;
	v36 =	vsel vm5, $0x3A9, v36;
	v37 =	vsel vm5, $0x3AB, v37  }
0x6c: {  	v38 =	vsel vm5, $0x3B1, v38;
	v39 =	vsel vm5, $0x3B3, v39;
	v40 =	vsel vm5, $0x3B9, v40  }
0x6d: {  	v41 =	vsel vm5, $0x3BB, v41;
	v12 =	vcombine.low v13, v12;
	v13 =	vsel vm1, v17, v16  }
0x6e: {  	v14 =	vunpack.c.0.s8.s32 v14;
	v16 =	vimm.s32 $0xB1B09190;
	v15 =	vunpack.c.0.s8.s32 v15  }
0x6f: {  	v17 =	vimm.s32 $0xF1F0D1D0;
	v23 =	vsel vm6, $0x1D2, v23;
	v24 =	vsel vm6, $0x1D8, v24  }
0x70: {  	v25 =	vsel vm6, $0x1DA, v25;
	v26 =	vsel vm6, $0x2C0, v26;
	v27 =	vsel vm6, $0x2C2, v27  }
0x71: {  	v28 =	vsel vm6, $0x2C8, v28;
	v29 =	vsel vm6, $0x2CA, v29;
	v30 =	vsel vm6, $0x2D0, v30  }
0x72: {  	v31 =	vsel vm6, $0x2D2, v31;
	v32 =	vsel vm6, $0x2D8, v32;
	v33 =	vsel vm6, $0x2DA, v33  }
0x73: {  	v34 =	vsel vm6, $0x3C0, v34;
	v35 =	vsel vm6, $0x3C2, v35;
	v36 =	vsel vm6, $0x3C8, v36  }
0x74: {  	v37 =	vsel vm6, $0x3CA, v37;
	v38 =	vsel vm6, $0x3D0, v38;
	v39 =	vsel vm6, $0x3D2, v39  }
0x75: {  	v40 =	vsel vm6, $0x3D8, v40;
	v41 =	vsel vm6, $0x3DA, v41;
	v16 =	vunpack.c.0.s8.s32 v16  }
0x76: {  	v17 =	vunpack.c.0.s8.s32 v17;
	v23 =	vsel vm7, $0x1D3, v23;
	v24 =	vsel vm7, $0x1D9, v24  }
0x77: {  	v25 =	vsel vm7, $0x1DB, v25;
	v26 =	vsel vm7, $0x2C1, v26;
	v27 =	vsel vm7, $0x2C3, v27  }
0x78: {  	v28 =	vsel vm7, $0x2C9, v28;
	v29 =	vsel vm7, $0x2CB, v29;
	v30 =	vsel vm7, $0x2D1, v30  }
0x79: {  	v31 =	vsel vm7, $0x2D3, v31;
	v32 =	vsel vm7, $0x2D9, v32;
	v33 =	vsel vm7, $0x2DB, v33  }
0x7a: {  	v34 =	vsel vm7, $0x3C1, v34;
	v35 =	vsel vm7, $0x3C3, v35;
	v36 =	vsel vm7, $0x3C9, v36  }
0x7b: {  	v37 =	vsel vm7, $0x3CB, v37;
	v38 =	vsel vm7, $0x3D1, v38;
	v39 =	vsel vm7, $0x3D3, v39  }
0x7c: {  	v40 =	vsel vm7, $0x3D9, v40;
	v41 =	vsel vm7, $0x3DB, v41;
	v14 =	vsel vm1, v15, v14  }
0x7d: {  	v15 =	vunpack.c.0.s8.s32 v18;
	v18 =	vunpack.c.0.s8.s32 v19;
	v12 =	vand.u32 $0xFF, v12  }
0x7e: {  	v19 =	vimm.s32 $0xB9B89998;
	v23 =	vsel vm8, $0x1F2, v23;
	v24 =	vsel vm8, $0x1F8, v24  }
0x7f: {  	v25 =	vsel vm8, $0x1FA, v25;
	v26 =	vsel vm8, $0x2E0, v26;
	v27 =	vsel vm8, $0x2E2, v27  }
0x80: {  	v28 =	vsel vm8, $0x2E8, v28;
	v29 =	vsel vm8, $0x2EA, v29;
	v30 =	vsel vm8, $0x2F0, v30  }
0x81: {  	v31 =	vsel vm8, $0x2F2, v31;
	v32 =	vsel vm8, $0x2F8, v32;
	v33 =	vsel vm8, $0x2FA, v33  }
0x82: {  	v34 =	vsel vm8, $0x3E0, v34;
	v35 =	vsel vm8, $0x3E2, v35;
	v36 =	vsel vm8, $0x3E8, v36  }
0x83: {  	v37 =	vsel vm8, $0x3EA, v37;
	v38 =	vsel vm8, $0x3F0, v38;
	v39 =	vsel vm8, $0x3F2, v39  }
0x84: {  	v40 =	vsel vm8, $0x3F8, v40;
	v41 =	vsel vm8, $0x3FA, v41;
	v13 =	vcombine.low v14, v13  }
0x85: {  	v14 =	vsel vm1, v17, v16;
	v16 =	vimm.s32 $0xB3B29392;
	v15 =	vsel vm1, v18, v15  }
0x86: {  	v17 =	vimm.s32 $0xF3F2D3D2;
	v18 =	vimm.s32 $0x73725352;
	v14 =	vcombine.low v15, v14  }
0x87: {  	v15 =	vunpack.c.0.s8.s32 v16;
	v16 =	vunpack.c.0.s8.s32 v17;
	v17 =	vimm.s32 $0x33321312  }
0x88: {  	v19 =	vunpack.c.0.s8.s32 v19;
	v18 =	vunpack.c.0.s8.s32 v18;
	v17 =	vunpack.c.0.s8.s32 v17  }
0x89: {  	v13 =	vand.u32 $0xFF, v13;
	v14 =	vand.u32 $0xFF, v14;
	v15 =	vsel vm1, v16, v15  }
0x8a: {  	v16 =	vsel vm1, v18, v17;
	v17 =	vsel vm1, v20, v19;
	v18 =	vsel vm1, v22, v21  }
0x8b: {  	v19 =	vimm.s32 $0x3B3A1B1A;
	v20 =	vimm.s32 $0x1E1;
	v21 =	vimm.s32 $0x7B7A5B5A  }
0x8c: {  	v22 =	vimm.s32 $0x1F1;
	v15 =	vcombine.low v16, v15;
	v16 =	vcombine.low v18, v17  }
0x8d: {  	v17 =	vimm.s32 $0xBBBA9B9A;
	v18 =	vimm.s32 $0xFBFADBDA;
	v19 =	vunpack.c.0.s8.s32 v19  }
0x8e: {  	v20 =	vsel vm0, $0x100, v20;
	v21 =	vunpack.c.0.s8.s32 v21;
	v22 =	vsel vm0, $0x110, v22  }
0x8f: {  	v17 =	vunpack.c.0.s8.s32 v17;
	v18 =	vunpack.c.0.s8.s32 v18;
	v20 =	vsel vm14, $0x101, v20  }
0x90: {  	v22 =	vsel vm14, $0x111, v22;
	v19 =	vsel vm1, v21, v19;
	v15 =	vand.u32 $0xFF, v15  }
0x91: {  	v16 =	vand.u32 $0xFF, v16;
	v21 =	vimm.s32 $0x1EB;
	v22 =	vsel vm13, $0x130, v22  }
0x92: {  	v17 =	vsel vm1, v18, v17;
	v18 =	vsel vm13, $0x120, v20;
	v20 =	vimm.s32 $0x1E9  }
0x93: {  	v21 =	vsel vm0, $0x10A, v21;
	v22 =	vsel vm12, $0x131, v22;
	v18 =	vsel vm12, $0x121, v18  }
0x94: {  	v17 =	vcombine.low v19, v17;
	v19 =	vimm.s32 $0x1E3;
	v20 =	vsel vm0, $0x108, v20  }
0x95: {  	v21 =	vsel vm14, $0x10B, v21;
	v22 =	vsel vm11, $0x150, v22;
	v18 =	vsel vm11, $0x140, v18  }
0x96: {  	v19 =	vsel vm0, $0x102, v19;
	v20 =	vsel vm14, $0x109, v20;
	v21 =	vsel vm13, $0x12A, v21  }
0x97: {  	v22 =	vsel vm10, $0x151, v22;
	v18 =	vsel vm10, $0x141, v18;
	v17 =	vand.u32 $0xFF, v17  }
0x98: {  	v19 =	vsel vm14, $0x103, v19;
	v20 =	vsel vm13, $0x128, v20;
	v21 =	vsel vm12, $0x12B, v21  }
0x99: {  	v22 =	vsel vm9, $0x170, v22;
	v18 =	vsel vm9, $0x160, v18;
	v19 =	vsel vm13, $0x122, v19  }
0x9a: {  	s0 =	rddreg [dreg:$0x0];
	v20 =	vsel vm12, $0x129, v20;
	v21 =	vsel vm11, $0x14A, v21;
	v22 =	vsel vm15, $0x171, v22  }
0x9b: {  	s2 =	simm.s32 $0x0;
	s23 =	srdreg.scid;
	s5 =	stileid.u32;
	v18 =	vsel vm15, $0x161, v18;
	v19 =	vsel vm12, $0x123, v19;
	v20 =	vsel vm11, $0x148, v20  }
0x9c: {  	s13 =	simm.s32 $0x400;
	s14 =	simm.s32 $0x800;
	s15 =	simm.s32 $0xC00;
	v21 =	vsel vm10, $0x14B, v21;
	v22 =	vsel vm2, $0x190, v22;
	v18 =	vsel vm2, $0x180, v18  }
0x9d: {  	s16 =	simm.s32 $0x80;
	s9 =	simm.s32 $0x7C00;
	s12 =	simm.s32 $0x1880;
	v19 =	vsel vm11, $0x142, v19;
	v20 =	vsel vm10, $0x149, v20;
	v21 =	vsel vm9, $0x16A, v21  }
0x9e: {  	s11 =	simm.s32 $0x8000;
	s17 =	simm.s32 $0x1900;
	s18 =	simm.s32 $0x8400;
	v22 =	vsel vm3, $0x191, v22;
	v18 =	vsel vm3, $0x181, v18;
	v19 =	vsel vm10, $0x143, v19  }
0x9f: {  	s19 =	simm.s32 $0x1980;
	s20 =	simm.s32 $0x8800;
	s21 =	simm.s32 $0x1A00;
	v20 =	vsel vm9, $0x168, v20;
	v21 =	vsel vm15, $0x16B, v21;
	v22 =	vsel vm4, $0x1B0, v22  }
0xa0: {  	s22 =	simm.s32 $0x8C00;
	s28 =	simm.s32 $0x1B80;
	s29 =	simm.s32 $0x9800;
	v18 =	vsel vm4, $0x1A0, v18;
	v19 =	vsel vm9, $0x162, v19;
	v20 =	vsel vm15, $0x169, v20  }
0xa1: {  	s30 =	simm.s32 $0x1;
	[smem:$0x7FF] =	sst s2;
	s1 =	sadd.s32 $0x21400, s0;
	v21 =	vsel vm2, $0x18A, v21;
	v22 =	vsel vm5, $0x1B1, v22;
	v19 =	vsel vm15, $0x163, v19  }
0xa2: {  	s3 =	sadd.s32 $0x11400, s0;
	_ =	strace $0x8000004A;
	[dreg:$0x3] =	wrdreg s1;
	v18 =	vsel vm5, $0x1A1, v18;
	v20 =	vsel vm2, $0x188, v20;
	v21 =	vsel vm3, $0x18B, v21  }
0xa3: {  	s31 =	simm.s32 $0x9C00;
	s24 =	sadd.s32 $0x1400, s0;
	[dreg:$0x4] =	wrdreg s3;
	v22 =	vsel vm6, $0x1D0, v22;
	v19 =	vsel vm2, $0x182, v19;
	v20 =	vsel vm3, $0x189, v20  }
0xa4: {  	s7 =	sadd.s32 $0x31400, s0;
	s0 =	sadd.s32 $0x831400, s0;
	[dreg:$0x5] =	wrdreg s24;
	v18 =	vsel vm6, $0x1C0, v18;
	v21 =	vsel vm4, $0x1AA, v21;
	v22 =	vsel vm7, $0x1D1, v22  }
0xa5: {  	s5 =	sshll.u32 s5, $0xE;
	s1 =	sand.u32 $0x1, s23;
	[dreg:$0x6] =	wrdreg s0;
	v19 =	vsel vm3, $0x183, v19;
	v20 =	vsel vm4, $0x1A8, v20;
	v18 =	vsel vm7, $0x1C1, v18  }
0xa6: {  	s23 =	simm.s32 $0x1A80;
	s25 =	ssub.s32 $0x2, s1;
	s1 =	sshll.u32 s1, $0x12;
	v21 =	vsel vm5, $0x1AB, v21;
	v22 =	vsel vm8, $0x1F0, v22;
	v19 =	vsel vm4, $0x1A2, v19  }
0xa7: {  	s24 =	simm.s32 $0x9000;
	s4 =	sshrl.u32 s25, $0x1;
	s1 =	sor.u32 s5, s1;
	v20 =	vsel vm5, $0x1A9, v20;
	v18 =	vsel vm8, $0x1E0, v18;
	v19 =	vsel vm5, $0x1A3, v19  }
0xa8: {  	s5 =	simm.s32 $0x1800;
	s26 =	ssub.s32 s25, s4;
	[dreg:$0x7] =	wrdreg s1;
	v21 =	vsel vm6, $0x1CA, v21;
	v20 =	vsel vm6, $0x1C8, v20;
	v19 =	vsel vm6, $0x1C2, v19  }
0xa9: {  	s4 =	simm.s32 $0x2;
	s25 =	simm.s32 $0x1B00;
	s0 =	smax.u32 s26, $0x1;
	v21 =	vsel vm7, $0x1CB, v21;
	v20 =	vsel vm7, $0x1C9, v20;
	v19 =	vsel vm7, $0x1C3, v19  }
0xaa: {  	s1 =	simm.s32 $0x0;
	s26 =	simm.s32 $0x9400;
	[dreg:$0x8] =	wrdreg s0;
	v21 =	vsel vm8, $0x1EA, v21;
	v20 =	vsel vm8, $0x1E8, v20;
	v19 =	vsel vm8, $0x1E2, v19  }
.LBB2_1:
0xab: {  	[dreg:$0x9] =	wrdreg s1  }
0xac: {  	s0 =	rddreg [dreg:$0x6];
	s10 =	simm.s32 $0x11C00  }
0xad: {  	[tilespmem:s10], [sflag:$0x2] =	stream.linear.gather [hbm4b:s0+s2], $0x10, $0x38;
	[tilespmem:$0x11C10] =	vst v63  }
0xae: {  	_ =	swait.ge [sflag:s4], $0x10  }
0xaf: {  	[sflag:s4] =	ssyncset.done $0x0  }
0xb0: {  	s0 =	simm.s32 $0x0;
	[sflag:s4] =	ssyncadd.s32 $0xFFFFFFF0  }
.LBB2_2:
0xb1: {  	s3 =	sshll.u32 s0, $0xA;
	s1 =	rddreg [dreg:$0x7]  }
0xb2: {  	[dreg:$0xa] =	wrdreg s0;
	s0 =	sadd.s32 s1, s3  }
0xb3: {  	s6 =	rddreg [dreg:$0x3];
	s1 =	sshrl.u32 s0, $0x3  }
0xb4: {  	[dreg:$0xb] =	wrdreg s0;
	s0 =	simm.s32 $0x0;
	s3 =	sadd.s32 s6, s1  }
0xb5: {  	[tilespmem:s0], [sflag:$0x2] =	stream.linear.gather [hbm4b:s3+s0], $0x400, $0x38;
	[tilespmem:$0x11C10] =	vst v63  }
0xb6: {  	_ =	swait.ge [sflag:s4], $0x400  }
0xb7: {  	[sflag:s4] =	ssyncset.done $0x0;
	s8 =	rddreg [dreg:$0x4]  }
0xb8: {  	[sflag:s4] =	ssyncadd.s32 $0xFFFFFC00;
	s3 =	sadd.s32 s8, s1  }
0xb9: {  	[tilespmem:s13], [sflag:$0x2] =	stream.linear.gather [hbm4b:s3+s0], $0x400, $0x38;
	[tilespmem:$0x11C10] =	vst v63  }
0xba: {  	_ =	swait.ge [sflag:s4], $0x400  }
0xbb: {  	[sflag:s4] =	ssyncset.done $0x0;
	s10 =	rddreg [dreg:$0x5]  }
0xbc: {  	[sflag:s4] =	ssyncadd.s32 $0xFFFFFC00;
	s1 =	sadd.s32 s10, s1  }
0xbd: {  	[tilespmem:s14], [sflag:$0x2] =	stream.linear.gather [hbm4b:s1+s0], $0x400, $0x38;
	[tilespmem:$0x11C10] =	vst v63  }
0xbe: {  	_ =	swait.ge [sflag:s4], $0x400  }
0xbf: {  	[sflag:s4] =	ssyncset.done $0x0  }
0xc0: {  	[sflag:s4] =	ssyncadd.s32 $0xFFFFFC00  }
.LBB2_3:
0xc1: {  	v42 =	vmov s0;
	s1 =	simm.s32 $0x410  }
0xc2: {  	s3 =	simm.s32 $0x810;
	v43 =	vld [tilespmem:s1+$0xFFFFFFF0]  }
0xc3: {  	s6 =	simm.s32 $0x10;
	v44 =	vld [tilespmem:s3+$0xFFFFFFF0]  }
0xc4: {  	v45 =	vld [tilespmem:s6+$0xFFFFFFF0]  }
0xc5: {  	s4 =	simm.s32 $0x11C00  }
0xc6: {  	v42 =	vld.idx.msk [tilespmem:v42+s4+$0x0], $0xffff  }
0xc7: {  	v43 =	vadd.f32 $1.000000000e+00, v43  }
0xc8: {  	v44 =	vadd.f32 $1.000000000e+00, v44  }
0xc9: {  	v45 =	vadd.f32 $1.000000000e+00, v45;
	v43 =	vmul.f32 $5.000000000e-01, v43  }
0xca: {  	v44 =	vmul.f32 $5.000000000e-01, v44  }
0xcb: {  	v45 =	vmul.f32 $5.000000000e-01, v45;
	v43 =	vmul.f32 v43, v42  }
0xcc: {  	v44 =	vmul.f32 v44, v42  }
0xcd: {  	v45 =	vmul.f32 v45, v42;
	v43 =	vtrunc.f32 v43  }
0xce: {  	v44 =	vtrunc.f32 v44;
	v43 =	vcvt.f32.s32 v43  }
0xcf: {  	v45 =	vtrunc.f32 v45;
	v44 =	vcvt.f32.s32 v44  }
0xd0: {  	s10 =	simm.s32 $0x0;
	v45 =	vcvt.f32.s32 v45;
	v43 =	vmul.u32 $0x466F45D, v43  }
0xd1: {  	v46 =	vor.u32 s10, v0;
	v44 =	vmul.u32 $0x127409F, v44  }
0xd2: {  	v47 =	vor.u32 s10, v1;
	v45 =	vadd.s32 v45, v43  }
0xd3: {  	s8 =	sshll.u32 s0, $0x13;
	v63 =	vor.u32 s10, v2;
	v48 =	vor.u32 s10, v3;
	v44 =	vadd.s32 v44, v45  }
0xd4: {  	v43 =	vmov s8;
	v49 =	vand.u32 $0x7FFFF, v44;
	v50 =	vadd.s32 $0x7409F, v44  }
0xd5: {  	v51 =	vadd.s32 $0x6F45D, v44;
	v49 =	vor.u32 v43, v49;
	v50 =	vand.u32 $0x7FFFF, v50  }
0xd6: {  	v44 =	vadd.s32 $0x634FC, v44;
	v51 =	vand.u32 $0x7FFFF, v51;
	[tilespmem:v46+s15+$0x0] =	vst.idx.msk $0xffff, v49;
	v53 =	vor.u32 v43, v50  }
0xd7: {  	v44 =	vand.u32 $0x7FFFF, v44;
	v54 =	vor.u32 v43, v51;
	[tilespmem:v47+s15+$0x0] =	vst.idx.msk $0xffff, v53  }
0xd8: {  	v44 =	vor.u32 v43, v44;
	[tilespmem:v63+s15+$0x0] =	vst.idx.msk $0xffff, v54  }
0xd9: {  	[tilespmem:v48+s15+$0x0] =	vst.idx.msk $0xffff, v44  }
0xda: {  	v44 =	vld [tilespmem:s1+$0x0]  }
0xdb: {  	v45 =	vld [tilespmem:s3+$0x0]  }
0xdc: {  	v46 =	vld [tilespmem:s6+$0x0];
	_ =	sdelay $0x2  }
0xdd: {  	v44 =	vadd.f32 $1.000000000e+00, v44  }
0xde: {  	v45 =	vadd.f32 $1.000000000e+00, v45  }
0xdf: {  	v46 =	vadd.f32 $1.000000000e+00, v46;
	v44 =	vmul.f32 $5.000000000e-01, v44  }
0xe0: {  	v45 =	vmul.f32 $5.000000000e-01, v45  }
0xe1: {  	v46 =	vmul.f32 $5.000000000e-01, v46;
	v44 =	vmul.f32 v44, v42  }
0xe2: {  	v45 =	vmul.f32 v45, v42  }
0xe3: {  	v46 =	vmul.f32 v46, v42;
	v44 =	vtrunc.f32 v44  }
0xe4: {  	v45 =	vtrunc.f32 v45;
	v44 =	vcvt.f32.s32 v44  }
0xe5: {  	v46 =	vtrunc.f32 v46;
	v45 =	vcvt.f32.s32 v45  }
0xe6: {  	v46 =	vcvt.f32.s32 v46;
	v44 =	vmul.u32 $0x466F45D, v44  }
0xe7: {  	v45 =	vmul.u32 $0x127409F, v45  }
0xe8: {  	v44 =	vadd.s32 v46, v44  }
0xe9: {  	v55 =	vor.u32 s10, v4;
	v44 =	vadd.s32 v45, v44  }
0xea: {  	v56 =	vor.u32 s10, v5;
	v57 =	vor.u32 s10, v6;
	v58 =	vand.u32 $0x7FFFF, v44  }
0xeb: {  	v59 =	vadd.s32 $0x7409F, v44;
	v60 =	vadd.s32 $0x6F45D, v44;
	v44 =	vadd.s32 $0x634FC, v44  }
0xec: {  	v63 =	vand.u32 $0x7FFFF, v44;
	v44 =	vor.u32 s10, v7  }
0xed: {  	v48 =	vor.u32 v43, v58;
	v49 =	vand.u32 $0x7FFFF, v59  }
0xee: {  	v50 =	vand.u32 $0x7FFFF, v60;
	[tilespmem:v55+s15+$0x0] =	vst.idx.msk $0xffff, v48;
	v61 =	vor.u32 v43, v49  }
0xef: {  	v62 =	vor.u32 v43, v50;
	[tilespmem:v56+s15+$0x0] =	vst.idx.msk $0xffff, v61  }
0xf0: {  	s8 =	simm.s32 $0x1;
	v45 =	vor.u32 v43, v63;
	[tilespmem:v57+s15+$0x0] =	vst.idx.msk $0xffff, v62  }
.LBB2_4:
0xf1: {  	[tilespmem:v44+s15+$0x0] =	vst.idx.msk $0xffff, v45;
	s6 =	sadd.s32 $0x20, s6;
	s1 =	sadd.s32 $0x20, s1;
	s3 =	sadd.s32 $0x20, s3  }
0xf2: {  	p0 =	sne.s32 s8, $0x1F;
	s10 =	smov.u32 s8;
	s8 =	sadd.s32 $0x1, s8;
	v44 =	vld [tilespmem:s1+$0xFFFFFFF0]  }
0xf3: {  	v45 =	vld [tilespmem:s3+$0xFFFFFFF0]  }
0xf4: {  	v46 =	vld [tilespmem:s6+$0xFFFFFFF0];
	_ =	sdelay $0x2  }
0xf5: {  	v44 =	vadd.f32 $1.000000000e+00, v44  }
0xf6: {  	v45 =	vadd.f32 $1.000000000e+00, v45  }
0xf7: {  	v46 =	vadd.f32 $1.000000000e+00, v46;
	v44 =	vmul.f32 $5.000000000e-01, v44  }
0xf8: {  	v45 =	vmul.f32 $5.000000000e-01, v45  }
0xf9: {  	v46 =	vmul.f32 $5.000000000e-01, v46;
	v44 =	vmul.f32 v44, v42  }
0xfa: {  	v45 =	vmul.f32 v45, v42  }
0xfb: {  	v46 =	vmul.f32 v46, v42;
	v44 =	vtrunc.f32 v44  }
0xfc: {  	v44 =	vcvt.f32.s32 v44;
	v45 =	vtrunc.f32 v45  }
0xfd: {  	v46 =	vtrunc.f32 v46;
	v45 =	vcvt.f32.s32 v45  }
0xfe: {  	s10 =	sshll.u32 s10, $0x7;
	v46 =	vcvt.f32.s32 v46;
	v44 =	vmul.u32 $0x466F45D, v44  }
0xff: {  	v47 =	vor.u32 s10, v0;
	v45 =	vmul.u32 $0x127409F, v45  }
0x100: {  	v44 =	vadd.s32 v46, v44;
	v46 =	vor.u32 s10, v1  }
0x101: {  	v48 =	vor.u32 s10, v3;
	v44 =	vadd.s32 v45, v44;
	v45 =	vor.u32 s10, v2  }
0x102: {  	v49 =	vand.u32 $0x7FFFF, v44;
	v50 =	vadd.s32 $0x7409F, v44;
	v51 =	vadd.s32 $0x6F45D, v44  }
0x103: {  	v49 =	vor.u32 v43, v49;
	v50 =	vand.u32 $0x7FFFF, v50;
	v51 =	vand.u32 $0x7FFFF, v51  }
0x104: {  	v44 =	vadd.s32 $0x634FC, v44;
	[tilespmem:v47+s15+$0x0] =	vst.idx.msk $0xffff, v49;
	v47 =	vor.u32 v43, v50  }
0x105: {  	v44 =	vand.u32 $0x7FFFF, v44;
	[tilespmem:v46+s15+$0x0] =	vst.idx.msk $0xffff, v47;
	v46 =	vor.u32 v43, v51  }
0x106: {  	v44 =	vor.u32 v43, v44;
	[tilespmem:v45+s15+$0x0] =	vst.idx.msk $0xffff, v46  }
0x107: {  	[tilespmem:v48+s15+$0x0] =	vst.idx.msk $0xffff, v44  }
0x108: {  	v44 =	vld [tilespmem:s1+$0x0]  }
0x109: {  	v45 =	vld [tilespmem:s3+$0x0]  }
0x10a: {  	v46 =	vld [tilespmem:s6+$0x0];
	_ =	sdelay $0x2  }
0x10b: {  	v44 =	vadd.f32 $1.000000000e+00, v44  }
0x10c: {  	v45 =	vadd.f32 $1.000000000e+00, v45  }
0x10d: {  	v46 =	vadd.f32 $1.000000000e+00, v46;
	v44 =	vmul.f32 $5.000000000e-01, v44  }
0x10e: {  	v45 =	vmul.f32 $5.000000000e-01, v45  }
0x10f: {  	v46 =	vmul.f32 $5.000000000e-01, v46;
	v44 =	vmul.f32 v44, v42  }
0x110: {  	v45 =	vmul.f32 v45, v42  }
0x111: {  	v46 =	vmul.f32 v46, v42;
	v44 =	vtrunc.f32 v44  }
0x112: {  	v44 =	vcvt.f32.s32 v44;
	v45 =	vtrunc.f32 v45  }
0x113: {  	v46 =	vtrunc.f32 v46;
	v45 =	vcvt.f32.s32 v45  }
0x114: {  	v46 =	vcvt.f32.s32 v46;
	v44 =	vmul.u32 $0x466F45D, v44  }
0x115: {  	v47 =	vor.u32 s10, v4;
	v45 =	vmul.u32 $0x127409F, v45  }
0x116: {  	v44 =	vadd.s32 v46, v44;
	v46 =	vor.u32 s10, v5  }
0x117: {  	v48 =	vor.u32 s10, v6;
	v45 =	vadd.s32 v45, v44;
	v44 =	vor.u32 s10, v7  }
.Ltmp0:
0x118: {  	v49 =	vand.u32 $0x7FFFF, v45;
	v50 =	vadd.s32 $0x7409F, v45;
	v51 =	vadd.s32 $0x6F45D, v45;
	(pc) =	sbr.rel @p0 .LBB2_4-.Ltmp0, $4  }
0x119: {  	v49 =	vor.u32 v43, v49;
	v50 =	vand.u32 $0x7FFFF, v50;
	v51 =	vand.u32 $0x7FFFF, v51  }
0x11a: {  	v45 =	vadd.s32 $0x634FC, v45;
	[tilespmem:v47+s15+$0x0] =	vst.idx.msk $0xffff, v49;
	v47 =	vor.u32 v43, v50  }
0x11b: {  	v45 =	vand.u32 $0x7FFFF, v45;
	[tilespmem:v46+s15+$0x0] =	vst.idx.msk $0xffff, v47;
	v46 =	vor.u32 v43, v51  }
0x11c: {  	v45 =	vor.u32 v43, v45;
	[tilespmem:v48+s15+$0x0] =	vst.idx.msk $0xffff, v46  }
0x11d: {  	_ =	sdelay $0x3  }
0x11e: {  	[tilespmem:v44+s15+$0x0] =	vst.idx.msk $0xffff, v45;
	s6 =	simm.s32 $0x1C00  }
0x11f: {  	[tilespmem:s6], [sflag:$0x1] =	stream.indirect.gather [hbm4b:s7+s16], $0x8, s15, s16, $0xb8;
	[tilespmem:$0x11C10] =	vst v63  }
0x120: {  	s1 =	simm.s32 $0xC80;
	s3 =	simm.s32 $0x2000  }
0x121: {  	[tilespmem:s3], [sflag:$0x1] =	stream.indirect.gather [hbm4b:s7+s16], $0x8, s1, s16, $0xb8;
	[tilespmem:$0x11C10] =	vst v63  }
0x122: {  	s8 =	simm.s32 $0xD00;
	s10 =	simm.s32 $0x2400  }
0x123: {  	[tilespmem:s10], [sflag:$0x1] =	stream.indirect.gather [hbm4b:s7+s16], $0x8, s8, s16, $0xb8;
	[tilespmem:$0x11C10] =	vst v63  }
0x124: {  	s4 =	simm.s32 $0x2800;
	s3 =	simm.s32 $0xD80  }
0x125: {  	[tilespmem:s4], [sflag:$0x1] =	stream.indirect.gather [hbm4b:s7+s16], $0x8, s3, s16, $0xb8;
	[tilespmem:$0x11C10] =	vst v63  }
0x126: {  	s8 =	simm.s32 $0xE00;
	s10 =	simm.s32 $0x2C00  }
0x127: {  	[tilespmem:s10], [sflag:$0x1] =	stream.indirect.gather [hbm4b:s7+s16], $0x8, s8, s16, $0xb8;
	[tilespmem:$0x11C10] =	vst v63  }
0x128: {  	s3 =	simm.s32 $0xE80;
	s4 =	simm.s32 $0x3000  }
0x129: {  	[tilespmem:s4], [sflag:$0x1] =	stream.indirect.gather [hbm4b:s7+s16], $0x8, s3, s16, $0xb8;
	[tilespmem:$0x11C10] =	vst v63  }
0x12a: {  	s8 =	simm.s32 $0xF00;
	s10 =	simm.s32 $0x3400  }
0x12b: {  	[tilespmem:s10], [sflag:$0x1] =	stream.indirect.gather [hbm4b:s7+s16], $0x8, s8, s16, $0xb8;
	[tilespmem:$0x11C10] =	vst v63  }
0x12c: {  	s3 =	simm.s32 $0xF80;
	s4 =	simm.s32 $0x3800  }
0x12d: {  	[tilespmem:s4], [sflag:$0x1] =	stream.indirect.gather [hbm4b:s7+s16], $0x8, s3, s16, $0xb8;
	[tilespmem:$0x11C10] =	vst v63  }
0x12e: {  	s8 =	simm.s32 $0x1000;
	s10 =	simm.s32 $0x3C00  }
0x12f: {  	[tilespmem:s10], [sflag:$0x1] =	stream.indirect.gather [hbm4b:s7+s16], $0x8, s8, s16, $0xb8;
	[tilespmem:$0x11C10] =	vst v63  }
0x130: {  	s3 =	simm.s32 $0x1080;
	s4 =	simm.s32 $0x4000  }
0x131: {  	[tilespmem:s4], [sflag:$0x1] =	stream.indirect.gather [hbm4b:s7+s16], $0x8, s3, s16, $0xb8;
	[tilespmem:$0x11C10] =	vst v63  }
0x132: {  	s8 =	simm.s32 $0x1100;
	s10 =	simm.s32 $0x4400  }
0x133: {  	[tilespmem:s10], [sflag:$0x1] =	stream.indirect.gather [hbm4b:s7+s16], $0x8, s8, s16, $0xb8;
	[tilespmem:$0x11C10] =	vst v63  }
0x134: {  	s3 =	simm.s32 $0x1180;
	s4 =	simm.s32 $0x4800  }
0x135: {  	[tilespmem:s4], [sflag:$0x1] =	stream.indirect.gather [hbm4b:s7+s16], $0x8, s3, s16, $0xb8;
	[tilespmem:$0x11C10] =	vst v63  }
0x136: {  	s8 =	simm.s32 $0x1200;
	s10 =	simm.s32 $0x4C00  }
0x137: {  	[tilespmem:s10], [sflag:$0x1] =	stream.indirect.gather [hbm4b:s7+s16], $0x8, s8, s16, $0xb8;
	[tilespmem:$0x11C10] =	vst v63  }
0x138: {  	s3 =	simm.s32 $0x1280;
	s4 =	simm.s32 $0x5000  }
0x139: {  	[tilespmem:s4], [sflag:$0x1] =	stream.indirect.gather [hbm4b:s7+s16], $0x8, s3, s16, $0xb8;
	[tilespmem:$0x11C10] =	vst v63  }
0x13a: {  	s8 =	simm.s32 $0x1300;
	s10 =	simm.s32 $0x5400  }
0x13b: {  	[tilespmem:s10], [sflag:$0x1] =	stream.indirect.gather [hbm4b:s7+s16], $0x8, s8, s16, $0xb8;
	[tilespmem:$0x11C10] =	vst v63  }
0x13c: {  	s3 =	simm.s32 $0x1380;
	s4 =	simm.s32 $0x5800  }
0x13d: {  	[tilespmem:s4], [sflag:$0x1] =	stream.indirect.gather [hbm4b:s7+s16], $0x8, s3, s16, $0xb8;
	[tilespmem:$0x11C10] =	vst v63  }
0x13e: {  	s8 =	simm.s32 $0x1400;
	s10 =	simm.s32 $0x5C00  }
0x13f: {  	[tilespmem:s10], [sflag:$0x1] =	stream.indirect.gather [hbm4b:s7+s16], $0x8, s8, s16, $0xb8;
	[tilespmem:$0x11C10] =	vst v63  }
0x140: {  	s3 =	simm.s32 $0x1480;
	s4 =	simm.s32 $0x6000  }
0x141: {  	[tilespmem:s4], [sflag:$0x1] =	stream.indirect.gather [hbm4b:s7+s16], $0x8, s3, s16, $0xb8;
	[tilespmem:$0x11C10] =	vst v63  }
0x142: {  	s8 =	simm.s32 $0x1500;
	s10 =	simm.s32 $0x6400  }
0x143: {  	[tilespmem:s10], [sflag:$0x1] =	stream.indirect.gather [hbm4b:s7+s16], $0x8, s8, s16, $0xb8;
	[tilespmem:$0x11C10] =	vst v63  }
0x144: {  	s3 =	simm.s32 $0x1580;
	s4 =	simm.s32 $0x6800  }
0x145: {  	[tilespmem:s4], [sflag:$0x1] =	stream.indirect.gather [hbm4b:s7+s16], $0x8, s3, s16, $0xb8;
	[tilespmem:$0x11C10] =	vst v63  }
0x146: {  	s8 =	simm.s32 $0x1600;
	s10 =	simm.s32 $0x6C00  }
0x147: {  	[tilespmem:s10], [sflag:$0x1] =	stream.indirect.gather [hbm4b:s7+s16], $0x8, s8, s16, $0xb8;
	[tilespmem:$0x11C10] =	vst v63  }
0x148: {  	s3 =	simm.s32 $0x1680;
	s4 =	simm.s32 $0x7000  }
0x149: {  	[tilespmem:s4], [sflag:$0x1] =	stream.indirect.gather [hbm4b:s7+s16], $0x8, s3, s16, $0xb8;
	[tilespmem:$0x11C10] =	vst v63  }
0x14a: {  	s8 =	simm.s32 $0x1700;
	s10 =	simm.s32 $0x7400  }
0x14b: {  	[tilespmem:s10], [sflag:$0x1] =	stream.indirect.gather [hbm4b:s7+s16], $0x8, s8, s16, $0xb8;
	[tilespmem:$0x11C10] =	vst v63  }
0x14c: {  	s4 =	simm.s32 $0x1780;
	s8 =	simm.s32 $0x7800  }
0x14d: {  	[tilespmem:s8], [sflag:$0x1] =	stream.indirect.gather [hbm4b:s7+s16], $0x8, s4, s16, $0xb8;
	[tilespmem:$0x11C10] =	vst v63  }
0x14e: {  	_ = 	snop  }
0x14f: {  	[tilespmem:s9], [sflag:$0x1] =	stream.indirect.gather [hbm4b:s7+s16], $0x8, s5, s16, $0xb8;
	[tilespmem:$0x11C10] =	vst v63  }
0x150: {  	_ = 	snop  }
0x151: {  	[tilespmem:s11], [sflag:$0x1] =	stream.indirect.gather [hbm4b:s7+s16], $0x8, s12, s16, $0xb8;
	[tilespmem:$0x11C10] =	vst v63  }
0x152: {  	_ = 	snop  }
0x153: {  	[tilespmem:s18], [sflag:$0x1] =	stream.indirect.gather [hbm4b:s7+s16], $0x8, s17, s16, $0xb8;
	[tilespmem:$0x11C10] =	vst v63  }
0x154: {  	_ = 	snop  }
0x155: {  	[tilespmem:s20], [sflag:$0x1] =	stream.indirect.gather [hbm4b:s7+s16], $0x8, s19, s16, $0xb8;
	[tilespmem:$0x11C10] =	vst v63  }
0x156: {  	_ = 	snop  }
0x157: {  	[tilespmem:s22], [sflag:$0x1] =	stream.indirect.gather [hbm4b:s7+s16], $0x8, s21, s16, $0xb8;
	[tilespmem:$0x11C10] =	vst v63  }
0x158: {  	_ = 	snop  }
0x159: {  	[tilespmem:s24], [sflag:$0x1] =	stream.indirect.gather [hbm4b:s7+s16], $0x8, s23, s16, $0xb8;
	[tilespmem:$0x11C10] =	vst v63  }
0x15a: {  	_ = 	snop  }
0x15b: {  	[tilespmem:s26], [sflag:$0x1] =	stream.indirect.gather [hbm4b:s7+s16], $0x8, s25, s16, $0xb8;
	[tilespmem:$0x11C10] =	vst v63  }
0x15c: {  	_ = 	snop  }
0x15d: {  	[tilespmem:s29], [sflag:$0x1] =	stream.indirect.gather [hbm4b:s7+s16], $0x8, s28, s16, $0xb8;
	[tilespmem:$0x11C10] =	vst v63  }
0x15e: {  	_ =	swait.ge [sflag:s30], $0x400  }
0x15f: {  	[sflag:s30] =	ssyncset.done $0x0  }
0x160: {  	[sflag:s30] =	ssyncadd.s32 $0xFFFFFC00  }
0x161: {  	_ =	swait.ge [sflag:s30], $0x400  }
0x162: {  	[sflag:s30] =	ssyncset.done $0x0  }
0x163: {  	[sflag:s30] =	ssyncadd.s32 $0xFFFFFC00  }
0x164: {  	_ =	swait.ge [sflag:s30], $0x400  }
0x165: {  	[sflag:s30] =	ssyncset.done $0x0  }
0x166: {  	[sflag:s30] =	ssyncadd.s32 $0xFFFFFC00  }
0x167: {  	_ =	swait.ge [sflag:s30], $0x400  }
0x168: {  	[sflag:s30] =	ssyncset.done $0x0  }
0x169: {  	[sflag:s30] =	ssyncadd.s32 $0xFFFFFC00  }
0x16a: {  	_ =	swait.ge [sflag:s30], $0x400  }
0x16b: {  	[sflag:s30] =	ssyncset.done $0x0  }
0x16c: {  	[sflag:s30] =	ssyncadd.s32 $0xFFFFFC00  }
0x16d: {  	_ =	swait.ge [sflag:s30], $0x400  }
0x16e: {  	[sflag:s30] =	ssyncset.done $0x0  }
0x16f: {  	[sflag:s30] =	ssyncadd.s32 $0xFFFFFC00  }
0x170: {  	_ =	swait.ge [sflag:s30], $0x400  }
0x171: {  	[sflag:s30] =	ssyncset.done $0x0  }
0x172: {  	[sflag:s30] =	ssyncadd.s32 $0xFFFFFC00  }
0x173: {  	_ =	swait.ge [sflag:s30], $0x400  }
0x174: {  	[sflag:s30] =	ssyncset.done $0x0  }
0x175: {  	[sflag:s30] =	ssyncadd.s32 $0xFFFFFC00  }
0x176: {  	_ =	swait.ge [sflag:s30], $0x400  }
0x177: {  	[sflag:s30] =	ssyncset.done $0x0  }
0x178: {  	[sflag:s30] =	ssyncadd.s32 $0xFFFFFC00  }
0x179: {  	_ =	swait.ge [sflag:s30], $0x400  }
0x17a: {  	[sflag:s30] =	ssyncset.done $0x0  }
0x17b: {  	[sflag:s30] =	ssyncadd.s32 $0xFFFFFC00  }
0x17c: {  	_ =	swait.ge [sflag:s30], $0x400  }
0x17d: {  	[sflag:s30] =	ssyncset.done $0x0  }
0x17e: {  	[sflag:s30] =	ssyncadd.s32 $0xFFFFFC00  }
0x17f: {  	_ =	swait.ge [sflag:s30], $0x400  }
0x180: {  	[sflag:s30] =	ssyncset.done $0x0  }
0x181: {  	[sflag:s30] =	ssyncadd.s32 $0xFFFFFC00  }
0x182: {  	_ =	swait.ge [sflag:s30], $0x400  }
0x183: {  	[sflag:s30] =	ssyncset.done $0x0  }
0x184: {  	[sflag:s30] =	ssyncadd.s32 $0xFFFFFC00  }
0x185: {  	_ =	swait.ge [sflag:s30], $0x400  }
0x186: {  	[sflag:s30] =	ssyncset.done $0x0  }
0x187: {  	[sflag:s30] =	ssyncadd.s32 $0xFFFFFC00  }
0x188: {  	_ =	swait.ge [sflag:s30], $0x400  }
0x189: {  	[sflag:s30] =	ssyncset.done $0x0  }
0x18a: {  	[sflag:s30] =	ssyncadd.s32 $0xFFFFFC00  }
0x18b: {  	_ =	swait.ge [sflag:s30], $0x400  }
0x18c: {  	[sflag:s30] =	ssyncset.done $0x0  }
0x18d: {  	[sflag:s30] =	ssyncadd.s32 $0xFFFFFC00  }
0x18e: {  	_ =	swait.ge [sflag:s30], $0x400  }
0x18f: {  	[sflag:s30] =	ssyncset.done $0x0  }
0x190: {  	[sflag:s30] =	ssyncadd.s32 $0xFFFFFC00  }
0x191: {  	_ =	swait.ge [sflag:s30], $0x400  }
0x192: {  	[sflag:s30] =	ssyncset.done $0x0  }
0x193: {  	[sflag:s30] =	ssyncadd.s32 $0xFFFFFC00  }
0x194: {  	_ =	swait.ge [sflag:s30], $0x400  }
0x195: {  	[sflag:s30] =	ssyncset.done $0x0  }
0x196: {  	[sflag:s30] =	ssyncadd.s32 $0xFFFFFC00  }
0x197: {  	_ =	swait.ge [sflag:s30], $0x400  }
0x198: {  	[sflag:s30] =	ssyncset.done $0x0  }
0x199: {  	[sflag:s30] =	ssyncadd.s32 $0xFFFFFC00  }
0x19a: {  	_ =	swait.ge [sflag:s30], $0x400  }
0x19b: {  	[sflag:s30] =	ssyncset.done $0x0  }
0x19c: {  	[sflag:s30] =	ssyncadd.s32 $0xFFFFFC00  }
0x19d: {  	_ =	swait.ge [sflag:s30], $0x400  }
0x19e: {  	[sflag:s30] =	ssyncset.done $0x0  }
0x19f: {  	[sflag:s30] =	ssyncadd.s32 $0xFFFFFC00  }
0x1a0: {  	_ =	swait.ge [sflag:s30], $0x400  }
0x1a1: {  	[sflag:s30] =	ssyncset.done $0x0  }
0x1a2: {  	[sflag:s30] =	ssyncadd.s32 $0xFFFFFC00  }
0x1a3: {  	_ =	swait.ge [sflag:s30], $0x400  }
0x1a4: {  	[sflag:s30] =	ssyncset.done $0x0  }
0x1a5: {  	[sflag:s30] =	ssyncadd.s32 $0xFFFFFC00  }
0x1a6: {  	_ =	swait.ge [sflag:s30], $0x400  }
0x1a7: {  	[sflag:s30] =	ssyncset.done $0x0  }
0x1a8: {  	[sflag:s30] =	ssyncadd.s32 $0xFFFFFC00  }
0x1a9: {  	_ =	swait.ge [sflag:s30], $0x400  }
0x1aa: {  	[sflag:s30] =	ssyncset.done $0x0  }
0x1ab: {  	[sflag:s30] =	ssyncadd.s32 $0xFFFFFC00  }
0x1ac: {  	_ =	swait.ge [sflag:s30], $0x400  }
0x1ad: {  	[sflag:s30] =	ssyncset.done $0x0  }
0x1ae: {  	[sflag:s30] =	ssyncadd.s32 $0xFFFFFC00  }
0x1af: {  	_ =	swait.ge [sflag:s30], $0x400  }
0x1b0: {  	[sflag:s30] =	ssyncset.done $0x0  }
0x1b1: {  	[sflag:s30] =	ssyncadd.s32 $0xFFFFFC00  }
0x1b2: {  	_ =	swait.ge [sflag:s30], $0x400  }
0x1b3: {  	s10 =	simm.s32 $0x0;
	[sflag:s30] =	ssyncset.done $0x0  }
0x1b4: {  	v43 =	vmov s10;
	[sflag:s30] =	ssyncadd.s32 $0xFFFFFC00  }
0x1b5: {  	v43 =	vshrl.u32 v43, $0x3;
	_ =	swait.ge [sflag:s30], $0x400  }
0x1b6: {  	v43 =	vshll.u32 v43, v9;
	[sflag:s30] =	ssyncset.done $0x0  }
0x1b7: {  	v43 =	vbroadcast v43, $0x0;
	[sflag:s30] =	ssyncadd.s32 $0xFFFFFC00  }
0x1b8: {  	_ =	swait.ge [sflag:s30], $0x400  }
0x1b9: {  	v43 =	vor.u32 v10, v43;
	[sflag:s30] =	ssyncset.done $0x0  }
0x1ba: {  	[sflag:s30] =	ssyncadd.s32 $0xFFFFFC00  }
0x1bb: {  	_ =	swait.ge [sflag:s30], $0x400  }
0x1bc: {  	[sflag:s30] =	ssyncset.done $0x0  }
0x1bd: {  	[sflag:s30] =	ssyncadd.s32 $0xFFFFFC00  }
0x1be: {  	v60 =	vld.idx.msk [tilespmem:v43+s14+$0x0], $0xffff  }
0x1bf: {  	v61 =	vld.idx.msk [tilespmem:v43+s13+$0x0], $0xffff  }
0x1c0: {  	v43 =	vld.idx.msk [tilespmem:v43+s2+$0x0], $0xffff;
	_ =	sdelay $0x3  }
0x1c1: {  	v44 =	vadd.f32 $1.000000000e+00, v60  }
0x1c2: {  	v45 =	vadd.f32 $1.000000000e+00, v61;
	v43 =	vadd.f32 $1.000000000e+00, v43  }
0x1c3: {  	v44 =	vmul.f32 $5.000000000e-01, v44  }
0x1c4: {  	v45 =	vmul.f32 $5.000000000e-01, v45;
	v43 =	vmul.f32 $5.000000000e-01, v43  }
0x1c5: {  	v44 =	vmul.f32 v44, v42  }
0x1c6: {  	v45 =	vmul.f32 v45, v42;
	v43 =	vmul.f32 v43, v42  }
0x1c7: {  	v46 =	vtrunc.f32 v44  }
0x1c8: {  	v47 =	vtrunc.f32 v45;
	v48 =	vtrunc.f32 v43  }
0x1c9: {  	v46 =	vcvt.f32.s32 v46;
	v47 =	vcvt.f32.s32 v47  }
0x1ca: {  	v48 =	vcvt.f32.s32 v48  }
0x1cb: {  	v46 =	vcvt.s32.f32 v46;
	v47 =	vcvt.s32.f32 v47  }
0x1cc: {  	v62 =	vcvt.s32.f32 v48  }
0x1cd: {  	v44 =	vsub.f32 v44, v46;
	v45 =	vsub.f32 v45, v47  }
0x1ce: {  	v46 =	vsub.f32 v43, v62  }
0x1cf: {  	v63 =	vsub.f32 $1.000000000e+00, v44;
	v56 =	vsub.f32 $1.000000000e+00, v45  }
0x1d0: {  	v57 =	vld.idx.msk [tilespmem:v8+s6+$0x0], $0xffff  }
0x1d1: {  	v49 =	vsub.f32 $1.000000000e+00, v46;
	v50 =	vmul.f32 v63, v56  }
0x1d2: {  	v51 =	vld.idx.msk [tilespmem:v11+s6+$0x0], $0xffff  }
0x1d3: {  	v52 =	vmul.f32 v50, v49  }
0x1d4: {  	v53 =	vld.idx.msk [tilespmem:v12+s6+$0x0], $0xffff;
	v43 =	vmul.f32 v44, v56  }
0x1d5: {  	v50 =	vmul.f32 v50, v46;
	v48 =	vmul.f32 v52, v57  }
0x1d6: {  	v58 =	vld.idx.msk [tilespmem:v13+s6+$0x0], $0xffff  }
0x1d7: {  	v54 =	vmul.f32 v43, v49;
	v50 =	vmul.f32 v50, v51;
	v48 =	vadd.f32 $0.0e+00, v48  }
0x1d8: {  	v59 =	vld.idx.msk [tilespmem:v14+s6+$0x0], $0xffff;
	v47 =	vmul.f32 v63, v45  }
0x1d9: {  	v43 =	vmul.f32 v43, v46;
	v60 =	vmul.f32 v54, v53;
	v48 =	vadd.f32 v48, v50  }
0x1da: {  	v61 =	vld.idx.msk [tilespmem:v15+s6+$0x0], $0xffff  }
0x1db: {  	v63 =	vld.idx.msk [tilespmem:v16+s6+$0x0], $0xffff;
	v62 =	vmul.f32 v47, v49;
	v43 =	vmul.f32 v43, v58;
	v48 =	vadd.f32 v48, v60  }
0x1dc: {  	v44 =	vmul.f32 v44, v45  }
0x1dd: {  	s3 =	simm.s32 $0x8;
	v47 =	vmul.f32 v47, v46;
	v54 =	vmul.f32 v62, v59;
	v43 =	vadd.f32 v48, v43  }
0x1de: {  	v55 =	vld.idx.msk [tilespmem:v17+s6+$0x0], $0xffff;
	v56 =	vmov s3;
	v49 =	vmul.f32 v44, v49  }
0x1df: {  	v47 =	vmul.f32 v47, v61;
	v51 =	vshrl.u32 v56, $0x3;
	v48 =	vadd.f32 v43, v54  }
0x1e0: {  	s4 =	sshll.u32 s0, $0x1;
	v44 =	vmul.f32 v44, v46;
	v57 =	vshll.u32 v51, v9;
	v45 =	vmul.f32 v49, v63  }
0x1e1: {  	s8 =	simm.s32 $0x0;
	v46 =	vbroadcast v57, $0x0;
	v43 =	vor.u32 s4, v8;
	v47 =	vadd.f32 v48, v47  }
0x1e2: {  	v58 =	vor.u32 s8, v43  }
0x1e3: {  	v44 =	vmul.f32 v55, v44;
	v46 =	vor.u32 v10, v46;
	v45 =	vadd.f32 v47, v45;
	_ =	sdelay $0x1  }
0x1e4: {  	v44 =	vadd.f32 v45, v44;
	_ =	sdelay $0x1  }
0x1e5: {  	[tilespmem:v58+s31+$0x0] =	vst.idx.msk $0xffff, v44  }
0x1e6: {  	v44 =	vld.idx.msk [tilespmem:v46+s13+$0x0], $0xffff  }
0x1e7: {  	v59 =	vld.idx.msk [tilespmem:v46+s2+$0x0], $0xffff  }
0x1e8: {  	v46 =	vld.idx.msk [tilespmem:v46+s14+$0x0], $0xffff;
	_ =	sdelay $0x3  }
0x1e9: {  	v44 =	vadd.f32 $1.000000000e+00, v44  }
0x1ea: {  	v45 =	vadd.f32 $1.000000000e+00, v59;
	v46 =	vadd.f32 $1.000000000e+00, v46  }
0x1eb: {  	v44 =	vmul.f32 $5.000000000e-01, v44  }
0x1ec: {  	v45 =	vmul.f32 $5.000000000e-01, v45;
	v46 =	vmul.f32 $5.000000000e-01, v46  }
0x1ed: {  	v44 =	vmul.f32 v44, v42  }
0x1ee: {  	v45 =	vmul.f32 v45, v42;
	v46 =	vmul.f32 v46, v42  }
0x1ef: {  	v60 =	vtrunc.f32 v44  }
0x1f0: {  	v61 =	vtrunc.f32 v45;
	v62 =	vtrunc.f32 v46  }
0x1f1: {  	v47 =	vcvt.f32.s32 v60;
	v49 =	vcvt.f32.s32 v62  }
0x1f2: {  	v48 =	vcvt.f32.s32 v61  }
0x1f3: {  	v47 =	vcvt.s32.f32 v47;
	v49 =	vcvt.s32.f32 v49  }
0x1f4: {  	v48 =	vcvt.s32.f32 v48  }
0x1f5: {  	v44 =	vsub.f32 v44, v47;
	v46 =	vsub.f32 v46, v49  }
0x1f6: {  	v45 =	vsub.f32 v45, v48  }
0x1f7: {  	v47 =	vsub.f32 $1.000000000e+00, v44;
	v63 =	vsub.f32 $1.000000000e+00, v46  }
0x1f8: {  	v57 =	vld.idx.msk [tilespmem:v18+s6+$0x0], $0xffff  }
0x1f9: {  	v50 =	vsub.f32 $1.000000000e+00, v45;
	v58 =	vmul.f32 v63, v47  }
0x1fa: {  	v59 =	vld.idx.msk [tilespmem:v19+s6+$0x0], $0xffff  }
0x1fb: {  	v60 =	vmul.f32 v58, v50  }
0x1fc: {  	v61 =	vld.idx.msk [tilespmem:v20+s6+$0x0], $0xffff;
	v47 =	vmul.f32 v46, v47  }
0x1fd: {  	v51 =	vmul.f32 v58, v45;
	v49 =	vmul.f32 v60, v57  }
0x1fe: {  	v62 =	vld.idx.msk [tilespmem:v21+s6+$0x0], $0xffff  }
0x1ff: {  	v55 =	vmul.f32 v47, v50;
	v51 =	vmul.f32 v51, v59;
	v49 =	vadd.f32 $0.0e+00, v49  }
0x200: {  	v48 =	vmul.f32 v63, v44;
	v63 =	vld.idx.msk [tilespmem:v22+s6+$0x0], $0xffff  }
0x201: {  	v47 =	vmul.f32 v47, v45;
	v57 =	vmul.f32 v55, v61;
	v49 =	vadd.f32 v49, v51  }
0x202: {  	v58 =	vld.idx.msk [tilespmem:v23+s6+$0x0], $0xffff  }
0x203: {  	v59 =	vmul.f32 v48, v50;
	v47 =	vmul.f32 v47, v62;
	v49 =	vadd.f32 v49, v57  }
0x204: {  	v44 =	vmul.f32 v46, v44;
	v60 =	vld.idx.msk [tilespmem:v24+s6+$0x0], $0xffff  }
0x205: {  	s10 =	simm.s32 $0x10;
	v48 =	vmul.f32 v48, v45;
	v61 =	vmul.f32 v59, v63;
	v47 =	vadd.f32 v49, v47  }
0x206: {  	v50 =	vmul.f32 v44, v50;
	v62 =	vld.idx.msk [tilespmem:v25+s6+$0x0], $0xffff;
	v63 =	vmov s10  }
0x207: {  	v48 =	vmul.f32 v48, v58;
	v54 =	vshrl.u32 v63, $0x3;
	v47 =	vadd.f32 v47, v61  }
0x208: {  	v44 =	vmul.f32 v44, v45;
	v55 =	vshll.u32 v54, v9  }
0x209: {  	s3 =	simm.s32 $0x100;
	v46 =	vmul.f32 v50, v60;
	v45 =	vbroadcast v55, $0x0;
	v47 =	vadd.f32 v47, v48  }
0x20a: {  	v56 =	vor.u32 s3, v43  }
0x20b: {  	v44 =	vmul.f32 v62, v44;
	v45 =	vor.u32 v10, v45;
	v46 =	vadd.f32 v47, v46;
	_ =	sdelay $0x1  }
0x20c: {  	v44 =	vadd.f32 v46, v44;
	_ =	sdelay $0x1  }
0x20d: {  	[tilespmem:v56+s31+$0x0] =	vst.idx.msk $0xffff, v44  }
0x20e: {  	v44 =	vld.idx.msk [tilespmem:v45+s13+$0x0], $0xffff  }
0x20f: {  	v57 =	vld.idx.msk [tilespmem:v45+s14+$0x0], $0xffff  }
0x210: {  	v45 =	vld.idx.msk [tilespmem:v45+s2+$0x0], $0xffff;
	_ =	sdelay $0x3  }
0x211: {  	v44 =	vadd.f32 $1.000000000e+00, v44  }
0x212: {  	v46 =	vadd.f32 $1.000000000e+00, v57;
	v45 =	vadd.f32 $1.000000000e+00, v45  }
0x213: {  	v44 =	vmul.f32 $5.000000000e-01, v44  }
0x214: {  	v46 =	vmul.f32 $5.000000000e-01, v46;
	v45 =	vmul.f32 $5.000000000e-01, v45  }
0x215: {  	v44 =	vmul.f32 v44, v42  }
0x216: {  	v46 =	vmul.f32 v46, v42;
	v45 =	vmul.f32 v45, v42  }
0x217: {  	v58 =	vtrunc.f32 v44  }
0x218: {  	v59 =	vtrunc.f32 v46;
	v60 =	vtrunc.f32 v45  }
0x219: {  	v48 =	vcvt.f32.s32 v59;
	v47 =	vcvt.f32.s32 v58  }
0x21a: {  	v49 =	vcvt.f32.s32 v60  }
0x21b: {  	v48 =	vcvt.s32.f32 v48;
	v47 =	vcvt.s32.f32 v47  }
0x21c: {  	v61 =	vcvt.s32.f32 v49  }
0x21d: {  	v46 =	vsub.f32 v46, v48;
	v44 =	vsub.f32 v44, v47  }
0x21e: {  	v45 =	vsub.f32 v45, v61  }
0x21f: {  	v48 =	vsub.f32 $1.000000000e+00, v46;
	v62 =	vsub.f32 $1.000000000e+00, v44  }
0x220: {  	v63 =	vld.idx.msk [tilespmem:v26+s6+$0x0], $0xffff  }
0x221: {  	v50 =	vsub.f32 $1.000000000e+00, v45;
	v57 =	vmul.f32 v48, v62  }
0x222: {  	v58 =	vld.idx.msk [tilespmem:v27+s6+$0x0], $0xffff  }
0x223: {  	v59 =	vmul.f32 v57, v50  }
0x224: {  	v60 =	vld.idx.msk [tilespmem:v28+s6+$0x0], $0xffff;
	v47 =	vmul.f32 v46, v62  }
0x225: {  	v51 =	vmul.f32 v57, v45;
	v49 =	vmul.f32 v59, v63  }
0x226: {  	v61 =	vld.idx.msk [tilespmem:v29+s6+$0x0], $0xffff  }
0x227: {  	v62 =	vmul.f32 v47, v50;
	v51 =	vmul.f32 v51, v58;
	v49 =	vadd.f32 $0.0e+00, v49  }
0x228: {  	v48 =	vmul.f32 v48, v44;
	v63 =	vld.idx.msk [tilespmem:v30+s6+$0x0], $0xffff  }
0x229: {  	v47 =	vmul.f32 v47, v45;
	v57 =	vmul.f32 v62, v60;
	v49 =	vadd.f32 v49, v51  }
0x22a: {  	v58 =	vld.idx.msk [tilespmem:v31+s6+$0x0], $0xffff  }
0x22b: {  	v59 =	vmul.f32 v48, v50;
	v47 =	vmul.f32 v47, v61;
	v49 =	vadd.f32 v49, v57  }
0x22c: {  	v44 =	vmul.f32 v46, v44;
	v60 =	vld.idx.msk [tilespmem:v32+s6+$0x0], $0xffff  }
0x22d: {  	s4 =	simm.s32 $0x18;
	v48 =	vmul.f32 v48, v45;
	v61 =	vmul.f32 v59, v63;
	v47 =	vadd.f32 v49, v47  }
0x22e: {  	v50 =	vmul.f32 v44, v50;
	v62 =	vld.idx.msk [tilespmem:v33+s6+$0x0], $0xffff;
	v63 =	vmov s4  }
0x22f: {  	v48 =	vmul.f32 v48, v58;
	v52 =	vshrl.u32 v63, $0x3;
	v47 =	vadd.f32 v47, v61  }
0x230: {  	v44 =	vmul.f32 v44, v45;
	v53 =	vshll.u32 v52, v9  }
0x231: {  	s8 =	simm.s32 $0x200;
	v46 =	vmul.f32 v50, v60;
	v45 =	vbroadcast v53, $0x0;
	v47 =	vadd.f32 v47, v48  }
0x232: {  	v54 =	vor.u32 s8, v43  }
0x233: {  	v44 =	vmul.f32 v62, v44;
	v45 =	vor.u32 v10, v45;
	v46 =	vadd.f32 v47, v46;
	_ =	sdelay $0x1  }
0x234: {  	v44 =	vadd.f32 v46, v44;
	_ =	sdelay $0x1  }
0x235: {  	[tilespmem:v54+s31+$0x0] =	vst.idx.msk $0xffff, v44  }
0x236: {  	v44 =	vld.idx.msk [tilespmem:v45+s13+$0x0], $0xffff  }
0x237: {  	v55 =	vld.idx.msk [tilespmem:v45+s14+$0x0], $0xffff  }
0x238: {  	v45 =	vld.idx.msk [tilespmem:v45+s2+$0x0], $0xffff;
	_ =	sdelay $0x3  }
0x239: {  	v44 =	vadd.f32 $1.000000000e+00, v44  }
0x23a: {  	v46 =	vadd.f32 $1.000000000e+00, v55;
	v45 =	vadd.f32 $1.000000000e+00, v45  }
0x23b: {  	v44 =	vmul.f32 $5.000000000e-01, v44  }
0x23c: {  	v46 =	vmul.f32 $5.000000000e-01, v46;
	v45 =	vmul.f32 $5.000000000e-01, v45  }
0x23d: {  	v44 =	vmul.f32 v44, v42  }
0x23e: {  	v46 =	vmul.f32 v46, v42;
	v45 =	vmul.f32 v45, v42  }
0x23f: {  	v56 =	vtrunc.f32 v44  }
0x240: {  	v57 =	vtrunc.f32 v46;
	v58 =	vtrunc.f32 v45  }
0x241: {  	v47 =	vcvt.f32.s32 v56;
	v48 =	vcvt.f32.s32 v57  }
0x242: {  	v49 =	vcvt.f32.s32 v58  }
0x243: {  	v47 =	vcvt.s32.f32 v47;
	v48 =	vcvt.s32.f32 v48  }
0x244: {  	v49 =	vcvt.s32.f32 v49  }
0x245: {  	v44 =	vsub.f32 v44, v47;
	v46 =	vsub.f32 v46, v48  }
0x246: {  	v49 =	vsub.f32 v45, v49  }
0x247: {  	v59 =	vsub.f32 $1.000000000e+00, v44;
	v47 =	vsub.f32 $1.000000000e+00, v46  }
0x248: {  	v60 =	vld.idx.msk [tilespmem:v34+s6+$0x0], $0xffff  }
0x249: {  	v52 =	vsub.f32 $1.000000000e+00, v49;
	v61 =	vmul.f32 v47, v59  }
0x24a: {  	v51 =	vld.idx.msk [tilespmem:v35+s6+$0x0], $0xffff  }
0x24b: {  	v62 =	vmul.f32 v61, v52  }
0x24c: {  	v54 =	vld.idx.msk [tilespmem:v36+s6+$0x0], $0xffff;
	v45 =	vmul.f32 v46, v59  }
0x24d: {  	v63 =	vmul.f32 v61, v49;
	v60 =	vmul.f32 v62, v60  }
0x24e: {  	v56 =	vld.idx.msk [tilespmem:v37+s6+$0x0], $0xffff;
	v55 =	vmul.f32 v46, v44;
	v61 =	vmul.f32 v47, v44  }
0x24f: {  	s10 =	simm.s32 $0x20;
	v62 =	vmul.f32 v45, v52;
	v46 =	vmul.f32 v63, v51;
	v57 =	vadd.f32 $0.0e+00, v60  }
0x250: {  	v48 =	vmul.f32 v55, v49;
	v59 =	vmov s10;
	v44 =	vld.idx.msk [tilespmem:v38+s6+$0x0], $0xffff;
	v58 =	vmul.f32 v45, v49  }
0x251: {  	v47 =	vld.idx.msk [tilespmem:v40+s6+$0x0], $0xffff;
	v50 =	vmul.f32 v61, v52;
	v54 =	vmul.f32 v62, v54;
	v57 =	vadd.f32 v57, v46  }
0x252: {  	s1 =	simm.s32 $0x300;
	v45 =	vld.idx.msk [tilespmem:v39+s6+$0x0], $0xffff;
	v51 =	vmul.f32 v61, v49;
	v49 =	vmul.f32 v55, v52;
	v63 =	vshrl.u32 v59, $0x3  }
0x253: {  	s3 =	simm.s32 $0xB00;
	s8 =	simm.s32 $0x700;
	s10 =	simm.s32 $0x38;
	v52 =	vshll.u32 v63, v9;
	v46 =	vld.idx.msk [tilespmem:v41+s6+$0x0], $0xffff;
	v53 =	vadd.f32 v57, v54;
	v54 =	vmul.f32 v58, v56  }
.LBB2_6:
0x254: {  	p0 =	sne.s32 s3, $0x7F00  }
0x255: {  	v52 =	vbroadcast v52, $0x0;
	s6 =	sadd.s32 $0x400, s6;
	s4 =	smov.u32 s3;
	s3 =	sadd.s32 $0x400, s3  }
0x256: {  	v44 =	vmul.f32 v50, v44;
	v53 =	vadd.f32 v53, v54  }
0x257: {  	v50 =	vor.u32 v10, v52  }
0x258: {  	v45 =	vmul.f32 v51, v45;
	v44 =	vadd.f32 v53, v44;
	_ =	sdelay $0x1  }
0x259: {  	v44 =	vadd.f32 v44, v45;
	v45 =	vmul.f32 v49, v47  }
0x25a: {  	v47 =	vor.u32 s1, v43;
	s1 =	smov.u32 s8;
	s8 =	smov.u32 s4  }
0x25b: {  	v44 =	vadd.f32 v44, v45;
	v45 =	vmul.f32 v46, v48;
	_ =	sdelay $0x1  }
0x25c: {  	v44 =	vadd.f32 v44, v45;
	_ =	sdelay $0x1  }
0x25d: {  	[tilespmem:v47+s31+$0x0] =	vst.idx.msk $0xffff, v44  }
0x25e: {  	v44 =	vld.idx.msk [tilespmem:v50+s14+$0x0], $0xffff  }
0x25f: {  	v45 =	vld.idx.msk [tilespmem:v50+s13+$0x0], $0xffff  }
0x260: {  	v46 =	vld.idx.msk [tilespmem:v50+s2+$0x0], $0xffff;
	_ =	sdelay $0x3  }
0x261: {  	v44 =	vadd.f32 $1.000000000e+00, v44  }
0x262: {  	v45 =	vadd.f32 $1.000000000e+00, v45  }
0x263: {  	v46 =	vadd.f32 $1.000000000e+00, v46;
	v44 =	vmul.f32 $5.000000000e-01, v44  }
0x264: {  	v45 =	vmul.f32 $5.000000000e-01, v45  }
0x265: {  	v46 =	vmul.f32 $5.000000000e-01, v46;
	v44 =	vmul.f32 v44, v42  }
0x266: {  	v45 =	vmul.f32 v45, v42  }
0x267: {  	v46 =	vmul.f32 v46, v42;
	v47 =	vtrunc.f32 v44  }
0x268: {  	v48 =	vtrunc.f32 v45;
	v47 =	vcvt.f32.s32 v47  }
0x269: {  	v48 =	vcvt.f32.s32 v48  }
0x26a: {  	v49 =	vtrunc.f32 v46;
	v47 =	vcvt.s32.f32 v47  }
0x26b: {  	v49 =	vcvt.f32.s32 v49;
	v48 =	vcvt.s32.f32 v48  }
0x26c: {  	v44 =	vsub.f32 v44, v47  }
0x26d: {  	v47 =	vcvt.s32.f32 v49;
	v45 =	vsub.f32 v45, v48  }
0x26e: {  	v48 =	vsub.f32 $1.000000000e+00, v44  }
0x26f: {  	v46 =	vsub.f32 v46, v47;
	v47 =	vsub.f32 $1.000000000e+00, v45;
	v49 =	vmul.f32 v44, v45;
	v50 =	vld.idx.msk [tilespmem:v8+s6+$0x0], $0xffff  }
0x270: {  	v45 =	vmul.f32 v48, v45  }
0x271: {  	v51 =	vsub.f32 $1.000000000e+00, v46;
	v48 =	vmul.f32 v48, v47;
	v44 =	vmul.f32 v44, v47;
	v47 =	vld.idx.msk [tilespmem:v11+s6+$0x0], $0xffff  }
0x272: {  	v53 =	vmul.f32 v49, v46;
	v52 =	vmul.f32 v45, v46  }
0x273: {  	v54 =	vmul.f32 v48, v51;
	v48 =	vmul.f32 v48, v46;
	v55 =	vld.idx.msk [tilespmem:v12+s6+$0x0], $0xffff  }
0x274: {  	v56 =	vmul.f32 v44, v51;
	v44 =	vmul.f32 v44, v46  }
0x275: {  	v45 =	vmul.f32 v45, v51;
	v46 =	vmul.f32 v54, v50;
	v50 =	vld.idx.msk [tilespmem:v13+s6+$0x0], $0xffff  }
0x276: {  	v49 =	vmul.f32 v49, v51  }
0x277: {  	v46 =	vadd.f32 $0.0e+00, v46;
	v47 =	vmul.f32 v48, v47;
	v48 =	vld.idx.msk [tilespmem:v14+s6+$0x0], $0xffff;
	_ =	sdelay $0x1  }
0x278: {  	v46 =	vadd.f32 v46, v47;
	v47 =	vmul.f32 v56, v55;
	v51 =	vld.idx.msk [tilespmem:v15+s6+$0x0], $0xffff;
	_ =	sdelay $0x1  }
0x279: {  	v46 =	vadd.f32 v46, v47;
	v44 =	vmul.f32 v44, v50;
	v47 =	vld.idx.msk [tilespmem:v16+s6+$0x0], $0xffff;
	_ =	sdelay $0x1  }
0x27a: {  	s4 =	sadd.s32 $0xFFFFFFF0, s10;
	v44 =	vadd.f32 v46, v44;
	v45 =	vmul.f32 v45, v48;
	v46 =	vld.idx.msk [tilespmem:v17+s6+$0x0], $0xffff  }
0x27b: {  	v48 =	vmov s4  }
0x27c: {  	v48 =	vshrl.u32 v48, $0x3;
	v44 =	vadd.f32 v44, v45;
	v45 =	vmul.f32 v52, v51  }
0x27d: {  	v48 =	vshll.u32 v48, v9  }
0x27e: {  	s4 =	sadd.s32 $0xFFFFFD00, s1;
	v44 =	vadd.f32 v44, v45;
	v45 =	vmul.f32 v49, v47;
	v47 =	vbroadcast v48, $0x0  }
0x27f: {  	v48 =	vor.u32 s4, v43  }
0x280: {  	v44 =	vadd.f32 v44, v45;
	v45 =	vmul.f32 v46, v53;
	v46 =	vor.u32 v10, v47;
	_ =	sdelay $0x1  }
0x281: {  	v44 =	vadd.f32 v44, v45;
	_ =	sdelay $0x1  }
0x282: {  	[tilespmem:v48+s31+$0x0] =	vst.idx.msk $0xffff, v44  }
0x283: {  	v44 =	vld.idx.msk [tilespmem:v46+s13+$0x0], $0xffff  }
0x284: {  	v45 =	vld.idx.msk [tilespmem:v46+s2+$0x0], $0xffff  }
0x285: {  	v46 =	vld.idx.msk [tilespmem:v46+s14+$0x0], $0xffff;
	_ =	sdelay $0x3  }
0x286: {  	v44 =	vadd.f32 $1.000000000e+00, v44  }
0x287: {  	v45 =	vadd.f32 $1.000000000e+00, v45  }
0x288: {  	v44 =	vmul.f32 $5.000000000e-01, v44;
	v46 =	vadd.f32 $1.000000000e+00, v46  }
0x289: {  	v45 =	vmul.f32 $5.000000000e-01, v45  }
0x28a: {  	v44 =	vmul.f32 v44, v42;
	v46 =	vmul.f32 $5.000000000e-01, v46  }
0x28b: {  	v45 =	vmul.f32 v45, v42  }
0x28c: {  	v46 =	vmul.f32 v46, v42;
	v47 =	vtrunc.f32 v44  }
0x28d: {  	v48 =	vtrunc.f32 v45;
	v47 =	vcvt.f32.s32 v47  }
0x28e: {  	v48 =	vcvt.f32.s32 v48;
	v49 =	vtrunc.f32 v46  }
0x28f: {  	v47 =	vcvt.s32.f32 v47;
	v49 =	vcvt.f32.s32 v49  }
0x290: {  	v48 =	vcvt.s32.f32 v48  }
0x291: {  	v44 =	vsub.f32 v44, v47;
	v47 =	vcvt.s32.f32 v49  }
0x292: {  	v45 =	vsub.f32 v45, v48  }
0x293: {  	v46 =	vsub.f32 v46, v47;
	_ =	sdelay $0x1  }
0x294: {  	v47 =	vsub.f32 $1.000000000e+00, v44;
	v48 =	vsub.f32 $1.000000000e+00, v46;
	v49 =	vmul.f32 v46, v44;
	v50 =	vld.idx.msk [tilespmem:v18+s6+$0x0], $0xffff;
	_ =	sdelay $0x1  }
0x295: {  	v51 =	vsub.f32 $1.000000000e+00, v45;
	v46 =	vmul.f32 v46, v47;
	v52 =	vmul.f32 v48, v47;
	v47 =	vld.idx.msk [tilespmem:v19+s6+$0x0], $0xffff  }
0x296: {  	v44 =	vmul.f32 v48, v44;
	v48 =	vmul.f32 v49, v45  }
0x297: {  	v53 =	vmul.f32 v52, v51;
	v52 =	vmul.f32 v52, v45;
	v54 =	vld.idx.msk [tilespmem:v20+s6+$0x0], $0xffff  }
0x298: {  	v55 =	vmul.f32 v46, v51;
	v46 =	vmul.f32 v46, v45  }
0x299: {  	v56 =	vmul.f32 v44, v51;
	v50 =	vmul.f32 v53, v50;
	v53 =	vld.idx.msk [tilespmem:v21+s6+$0x0], $0xffff  }
0x29a: {  	v44 =	vmul.f32 v44, v45;
	v45 =	vmul.f32 v49, v51  }
0x29b: {  	v49 =	vadd.f32 $0.0e+00, v50;
	v47 =	vmul.f32 v52, v47;
	v50 =	vld.idx.msk [tilespmem:v22+s6+$0x0], $0xffff;
	_ =	sdelay $0x1  }
0x29c: {  	v47 =	vadd.f32 v49, v47;
	v49 =	vmul.f32 v55, v54;
	v51 =	vld.idx.msk [tilespmem:v23+s6+$0x0], $0xffff;
	_ =	sdelay $0x1  }
0x29d: {  	v47 =	vadd.f32 v47, v49;
	v46 =	vmul.f32 v46, v53;
	v49 =	vld.idx.msk [tilespmem:v24+s6+$0x0], $0xffff;
	_ =	sdelay $0x1  }
0x29e: {  	s4 =	sadd.s32 $0xFFFFFFF8, s10;
	v46 =	vadd.f32 v47, v46;
	v47 =	vmul.f32 v56, v50;
	v50 =	vld.idx.msk [tilespmem:v25+s6+$0x0], $0xffff  }
0x29f: {  	v52 =	vmov s4  }
0x2a0: {  	v46 =	vadd.f32 v46, v47;
	v44 =	vmul.f32 v44, v51;
	v47 =	vshrl.u32 v52, $0x3  }
0x2a1: {  	v47 =	vshll.u32 v47, v9  }
0x2a2: {  	s4 =	sadd.s32 $0xFFFFFE00, s1;
	v44 =	vadd.f32 v46, v44;
	v45 =	vmul.f32 v45, v49;
	v46 =	vbroadcast v47, $0x0  }
0x2a3: {  	v47 =	vor.u32 s4, v43  }
0x2a4: {  	v44 =	vadd.f32 v44, v45;
	v45 =	vmul.f32 v50, v48;
	v46 =	vor.u32 v10, v46;
	_ =	sdelay $0x1  }
0x2a5: {  	v44 =	vadd.f32 v44, v45;
	_ =	sdelay $0x1  }
0x2a6: {  	[tilespmem:v47+s31+$0x0] =	vst.idx.msk $0xffff, v44  }
0x2a7: {  	v44 =	vld.idx.msk [tilespmem:v46+s13+$0x0], $0xffff  }
0x2a8: {  	v45 =	vld.idx.msk [tilespmem:v46+s14+$0x0], $0xffff;
	_ =	sdelay $0x1  }
0x2a9: {  	v46 =	vld.idx.msk [tilespmem:v46+s2+$0x0], $0xffff;
	_ =	sdelay $0x2  }
0x2aa: {  	v44 =	vadd.f32 $1.000000000e+00, v44  }
0x2ab: {  	v45 =	vadd.f32 $1.000000000e+00, v45  }
0x2ac: {  	v44 =	vmul.f32 $5.000000000e-01, v44  }
0x2ad: {  	v46 =	vadd.f32 $1.000000000e+00, v46;
	v45 =	vmul.f32 $5.000000000e-01, v45  }
0x2ae: {  	v44 =	vmul.f32 v44, v42  }
0x2af: {  	v46 =	vmul.f32 $5.000000000e-01, v46;
	v45 =	vmul.f32 v45, v42  }
0x2b0: {  	v47 =	vtrunc.f32 v44  }
0x2b1: {  	v47 =	vcvt.f32.s32 v47;
	v48 =	vtrunc.f32 v45  }
0x2b2: {  	v46 =	vmul.f32 v46, v42;
	v48 =	vcvt.f32.s32 v48  }
0x2b3: {  	v47 =	vcvt.s32.f32 v47  }
0x2b4: {  	v49 =	vtrunc.f32 v46;
	v48 =	vcvt.s32.f32 v48  }
0x2b5: {  	v49 =	vcvt.f32.s32 v49;
	v44 =	vsub.f32 v44, v47  }
0x2b6: {  	v45 =	vsub.f32 v45, v48  }
0x2b7: {  	v47 =	vcvt.s32.f32 v49  }
0x2b8: {  	v48 =	vsub.f32 $1.000000000e+00, v45;
	v49 =	vmul.f32 v45, v44  }
0x2b9: {  	v46 =	vsub.f32 v46, v47;
	v47 =	vsub.f32 $1.000000000e+00, v44;
	v50 =	vld.idx.msk [tilespmem:v26+s6+$0x0], $0xffff  }
0x2ba: {  	v44 =	vmul.f32 v48, v44  }
0x2bb: {  	v51 =	vsub.f32 $1.000000000e+00, v46;
	v48 =	vmul.f32 v48, v47;
	v45 =	vmul.f32 v45, v47;
	v47 =	vld.idx.msk [tilespmem:v27+s6+$0x0], $0xffff  }
0x2bc: {  	v53 =	vmul.f32 v49, v46;
	v52 =	vmul.f32 v44, v46  }
0x2bd: {  	v54 =	vmul.f32 v48, v51;
	v48 =	vmul.f32 v48, v46;
	v55 =	vld.idx.msk [tilespmem:v28+s6+$0x0], $0xffff  }
0x2be: {  	v56 =	vmul.f32 v45, v51;
	v45 =	vmul.f32 v45, v46  }
0x2bf: {  	v44 =	vmul.f32 v44, v51;
	v46 =	vmul.f32 v54, v50;
	v50 =	vld.idx.msk [tilespmem:v29+s6+$0x0], $0xffff  }
0x2c0: {  	v49 =	vmul.f32 v49, v51  }
0x2c1: {  	v46 =	vadd.f32 $0.0e+00, v46;
	v47 =	vmul.f32 v48, v47;
	v48 =	vld.idx.msk [tilespmem:v30+s6+$0x0], $0xffff;
	_ =	sdelay $0x1  }
0x2c2: {  	v46 =	vadd.f32 v46, v47;
	v47 =	vmul.f32 v56, v55;
	v51 =	vld.idx.msk [tilespmem:v31+s6+$0x0], $0xffff;
	_ =	sdelay $0x1  }
0x2c3: {  	v46 =	vadd.f32 v46, v47;
	v45 =	vmul.f32 v45, v50;
	v47 =	vld.idx.msk [tilespmem:v32+s6+$0x0], $0xffff;
	_ =	sdelay $0x1  }
0x2c4: {  	v45 =	vadd.f32 v46, v45;
	v44 =	vmul.f32 v44, v48;
	v46 =	vld.idx.msk [tilespmem:v33+s6+$0x0], $0xffff  }
0x2c5: {  	v48 =	vmov s10  }
0x2c6: {  	v48 =	vshrl.u32 v48, $0x3;
	v44 =	vadd.f32 v45, v44;
	v45 =	vmul.f32 v52, v51  }
0x2c7: {  	v48 =	vshll.u32 v48, v9  }
0x2c8: {  	s4 =	sadd.s32 $0xFFFFFF00, s1;
	v44 =	vadd.f32 v44, v45;
	v45 =	vmul.f32 v49, v47;
	v47 =	vbroadcast v48, $0x0  }
0x2c9: {  	v48 =	vor.u32 s4, v43  }
0x2ca: {  	v44 =	vadd.f32 v44, v45;
	v45 =	vmul.f32 v46, v53;
	v46 =	vor.u32 v10, v47;
	_ =	sdelay $0x1  }
0x2cb: {  	v44 =	vadd.f32 v44, v45;
	_ =	sdelay $0x1  }
0x2cc: {  	[tilespmem:v48+s31+$0x0] =	vst.idx.msk $0xffff, v44  }
0x2cd: {  	v44 =	vld.idx.msk [tilespmem:v46+s13+$0x0], $0xffff  }
0x2ce: {  	v45 =	vld.idx.msk [tilespmem:v46+s14+$0x0], $0xffff  }
0x2cf: {  	v46 =	vld.idx.msk [tilespmem:v46+s2+$0x0], $0xffff  }
0x2d0: {  	v49 =	vld.idx.msk [tilespmem:v34+s6+$0x0], $0xffff  }
0x2d1: {  	v52 =	vld.idx.msk [tilespmem:v35+s6+$0x0], $0xffff  }
0x2d2: {  	v53 =	vld.idx.msk [tilespmem:v36+s6+$0x0], $0xffff  }
0x2d3: {  	v47 =	vadd.f32 $1.000000000e+00, v44;
	v54 =	vld.idx.msk [tilespmem:v37+s6+$0x0], $0xffff  }
0x2d4: {  	v48 =	vadd.f32 $1.000000000e+00, v45;
	v44 =	vld.idx.msk [tilespmem:v38+s6+$0x0], $0xffff  }
0x2d5: {  	v46 =	vadd.f32 $1.000000000e+00, v46;
	v50 =	vmul.f32 $5.000000000e-01, v47;
	v45 =	vld.idx.msk [tilespmem:v39+s6+$0x0], $0xffff  }
0x2d6: {  	v48 =	vmul.f32 $5.000000000e-01, v48;
	v47 =	vld.idx.msk [tilespmem:v40+s6+$0x0], $0xffff  }
0x2d7: {  	v51 =	vmul.f32 $5.000000000e-01, v46;
	v50 =	vmul.f32 v50, v42;
	v46 =	vld.idx.msk [tilespmem:v41+s6+$0x0], $0xffff  }
0x2d8: {  	v48 =	vmul.f32 v48, v42  }
0x2d9: {  	v51 =	vmul.f32 v51, v42;
	v55 =	vtrunc.f32 v50  }
0x2da: {  	v55 =	vcvt.f32.s32 v55;
	v56 =	vtrunc.f32 v48  }
0x2db: {  	v57 =	vtrunc.f32 v51;
	v56 =	vcvt.f32.s32 v56  }
0x2dc: {  	v57 =	vcvt.f32.s32 v57;
	v55 =	vcvt.s32.f32 v55  }
0x2dd: {  	v56 =	vcvt.s32.f32 v56  }
0x2de: {  	v57 =	vcvt.s32.f32 v57;
	v50 =	vsub.f32 v50, v55  }
0x2df: {  	v48 =	vsub.f32 v48, v56  }
0x2e0: {  	v51 =	vsub.f32 v51, v57  }
0x2e1: {  	v55 =	vsub.f32 $1.000000000e+00, v50;
	v56 =	vsub.f32 $1.000000000e+00, v48;
	v57 =	vmul.f32 v48, v50;
	_ =	sdelay $0x1  }
0x2e2: {  	v58 =	vsub.f32 $1.000000000e+00, v51;
	v59 =	vmul.f32 v56, v55;
	v55 =	vmul.f32 v48, v55  }
0x2e3: {  	v56 =	vmul.f32 v56, v50;
	v48 =	vmul.f32 v57, v51  }
0x2e4: {  	v50 =	vmul.f32 v59, v58;
	v59 =	vmul.f32 v59, v51  }
0x2e5: {  	v60 =	vmul.f32 v55, v58;
	v55 =	vmul.f32 v55, v51  }
0x2e6: {  	v61 =	vmul.f32 v50, v49;
	v50 =	vmul.f32 v56, v58  }
0x2e7: {  	v51 =	vmul.f32 v56, v51;
	v49 =	vmul.f32 v57, v58  }
.Ltmp1:
0x2e8: {  	s10 =	sadd.s32 $0x20, s10;
	v52 =	vmul.f32 v59, v52;
	v56 =	vadd.f32 $0.0e+00, v61;
	(pc) =	sbr.rel @p0 .LBB2_6-.Ltmp1, $4  }
0x2e9: {  	s4 =	sadd.s32 $0xFFFFFFE8, s10  }
0x2ea: {  	v57 =	vmov s4;
	v53 =	vmul.f32 v60, v53;
	v56 =	vadd.f32 v56, v52  }
0x2eb: {  	v52 =	vshrl.u32 v57, $0x3  }
0x2ec: {  	v54 =	vmul.f32 v55, v54;
	v52 =	vshll.u32 v52, v9;
	v53 =	vadd.f32 v56, v53  }
0x2ed: {  	_ = 	snop  }
0x2ee: {  	v44 =	vmul.f32 v50, v44;
	v53 =	vadd.f32 v53, v54;
	_ =	sdelay $0x1  }
0x2ef: {  	v45 =	vmul.f32 v51, v45;
	v44 =	vadd.f32 v53, v44;
	_ =	sdelay $0x1  }
0x2f0: {  	v52 =	vbroadcast v52, $0x0;
	v53 =	vmul.f32 v49, v47;
	v44 =	vadd.f32 v44, v45  }
0x2f1: {  	v54 =	vor.u32 s1, v43  }
0x2f2: {  	v56 =	vmul.f32 v46, v48;
	v55 =	vor.u32 v10, v52;
	v44 =	vadd.f32 v44, v53;
	_ =	sdelay $0x1  }
0x2f3: {  	v44 =	vadd.f32 v44, v56;
	_ =	sdelay $0x1  }
0x2f4: {  	[tilespmem:v54+s31+$0x0] =	vst.idx.msk $0xffff, v44  }
0x2f5: {  	v44 =	vld.idx.msk [tilespmem:v55+s14+$0x0], $0xffff  }
0x2f6: {  	v57 =	vld.idx.msk [tilespmem:v55+s13+$0x0], $0xffff  }
0x2f7: {  	v58 =	vld.idx.msk [tilespmem:v55+s2+$0x0], $0xffff;
	_ =	sdelay $0x3  }
0x2f8: {  	v44 =	vadd.f32 $1.000000000e+00, v44  }
0x2f9: {  	v45 =	vadd.f32 $1.000000000e+00, v57;
	v46 =	vadd.f32 $1.000000000e+00, v58  }
0x2fa: {  	v44 =	vmul.f32 $5.000000000e-01, v44  }
0x2fb: {  	v45 =	vmul.f32 $5.000000000e-01, v45;
	v46 =	vmul.f32 $5.000000000e-01, v46  }
0x2fc: {  	v44 =	vmul.f32 v44, v42  }
0x2fd: {  	v45 =	vmul.f32 v45, v42;
	v46 =	vmul.f32 v46, v42  }
0x2fe: {  	v59 =	vtrunc.f32 v44  }
0x2ff: {  	v60 =	vtrunc.f32 v45;
	v61 =	vtrunc.f32 v46  }
0x300: {  	v47 =	vcvt.f32.s32 v59;
	v48 =	vcvt.f32.s32 v60  }
0x301: {  	v49 =	vcvt.f32.s32 v61  }
0x302: {  	v47 =	vcvt.s32.f32 v47;
	v48 =	vcvt.s32.f32 v48  }
0x303: {  	v62 =	vcvt.s32.f32 v49  }
0x304: {  	v44 =	vsub.f32 v44, v47;
	v45 =	vsub.f32 v45, v48  }
0x305: {  	v46 =	vsub.f32 v46, v62  }
0x306: {  	s1 =	sadd.s32 $0x400, s6;
	v63 =	vsub.f32 $1.000000000e+00, v44;
	v56 =	vsub.f32 $1.000000000e+00, v45  }
0x307: {  	v57 =	vld.idx.msk [tilespmem:v8+s1+$0x0], $0xffff  }
0x308: {  	v50 =	vsub.f32 $1.000000000e+00, v46;
	v58 =	vmul.f32 v63, v56  }
0x309: {  	v59 =	vld.idx.msk [tilespmem:v11+s1+$0x0], $0xffff  }
0x30a: {  	v60 =	vmul.f32 v58, v50  }
0x30b: {  	v61 =	vld.idx.msk [tilespmem:v12+s1+$0x0], $0xffff;
	v47 =	vmul.f32 v44, v56  }
0x30c: {  	v51 =	vmul.f32 v58, v46;
	v49 =	vmul.f32 v60, v57  }
0x30d: {  	v62 =	vld.idx.msk [tilespmem:v13+s1+$0x0], $0xffff  }
0x30e: {  	v55 =	vmul.f32 v47, v50;
	v51 =	vmul.f32 v51, v59;
	v49 =	vadd.f32 $0.0e+00, v49  }
0x30f: {  	v48 =	vmul.f32 v63, v45;
	v63 =	vld.idx.msk [tilespmem:v14+s1+$0x0], $0xffff  }
0x310: {  	v47 =	vmul.f32 v47, v46;
	v57 =	vmul.f32 v55, v61;
	v49 =	vadd.f32 v49, v51  }
0x311: {  	v58 =	vld.idx.msk [tilespmem:v15+s1+$0x0], $0xffff  }
0x312: {  	v59 =	vmul.f32 v48, v50;
	v47 =	vmul.f32 v47, v62;
	v49 =	vadd.f32 v49, v57  }
0x313: {  	v44 =	vmul.f32 v44, v45;
	v60 =	vld.idx.msk [tilespmem:v16+s1+$0x0], $0xffff  }
0x314: {  	s3 =	sadd.s32 $0xFFFFFFF0, s10;
	v48 =	vmul.f32 v48, v46;
	v61 =	vmul.f32 v59, v63;
	v47 =	vadd.f32 v49, v47  }
0x315: {  	v50 =	vmul.f32 v44, v50;
	v62 =	vld.idx.msk [tilespmem:v17+s1+$0x0], $0xffff;
	v63 =	vmov s3  }
0x316: {  	v48 =	vmul.f32 v48, v58;
	v56 =	vshrl.u32 v63, $0x3;
	v47 =	vadd.f32 v47, v61  }
0x317: {  	v44 =	vmul.f32 v44, v46;
	v57 =	vshll.u32 v56, v9  }
0x318: {  	s6 =	sadd.s32 $0xFFFFFD00, s8;
	v45 =	vmul.f32 v50, v60;
	v46 =	vbroadcast v57, $0x0;
	v47 =	vadd.f32 v47, v48  }
0x319: {  	v58 =	vor.u32 s6, v43  }
0x31a: {  	v44 =	vmul.f32 v62, v44;
	v46 =	vor.u32 v10, v46;
	v45 =	vadd.f32 v47, v45;
	_ =	sdelay $0x1  }
0x31b: {  	v44 =	vadd.f32 v45, v44;
	_ =	sdelay $0x1  }
0x31c: {  	[tilespmem:v58+s31+$0x0] =	vst.idx.msk $0xffff, v44  }
0x31d: {  	v44 =	vld.idx.msk [tilespmem:v46+s13+$0x0], $0xffff  }
0x31e: {  	v59 =	vld.idx.msk [tilespmem:v46+s2+$0x0], $0xffff  }
0x31f: {  	v46 =	vld.idx.msk [tilespmem:v46+s14+$0x0], $0xffff;
	_ =	sdelay $0x3  }
0x320: {  	v44 =	vadd.f32 $1.000000000e+00, v44  }
0x321: {  	v45 =	vadd.f32 $1.000000000e+00, v59;
	v46 =	vadd.f32 $1.000000000e+00, v46  }
0x322: {  	v44 =	vmul.f32 $5.000000000e-01, v44  }
0x323: {  	v45 =	vmul.f32 $5.000000000e-01, v45;
	v46 =	vmul.f32 $5.000000000e-01, v46  }
0x324: {  	v44 =	vmul.f32 v44, v42  }
0x325: {  	v45 =	vmul.f32 v45, v42;
	v46 =	vmul.f32 v46, v42  }
0x326: {  	v60 =	vtrunc.f32 v44  }
0x327: {  	v61 =	vtrunc.f32 v45;
	v62 =	vtrunc.f32 v46  }
0x328: {  	v47 =	vcvt.f32.s32 v60;
	v49 =	vcvt.f32.s32 v62  }
0x329: {  	v48 =	vcvt.f32.s32 v61  }
0x32a: {  	v47 =	vcvt.s32.f32 v47;
	v49 =	vcvt.s32.f32 v49  }
0x32b: {  	v48 =	vcvt.s32.f32 v48  }
0x32c: {  	v44 =	vsub.f32 v44, v47;
	v46 =	vsub.f32 v46, v49  }
0x32d: {  	v45 =	vsub.f32 v45, v48  }
0x32e: {  	v47 =	vsub.f32 $1.000000000e+00, v44;
	v48 =	vsub.f32 $1.000000000e+00, v46  }
0x32f: {  	v63 =	vld.idx.msk [tilespmem:v18+s1+$0x0], $0xffff  }
0x330: {  	v50 =	vsub.f32 $1.000000000e+00, v45;
	v57 =	vmul.f32 v48, v47  }
0x331: {  	v58 =	vld.idx.msk [tilespmem:v19+s1+$0x0], $0xffff  }
0x332: {  	v59 =	vmul.f32 v57, v50  }
0x333: {  	v60 =	vld.idx.msk [tilespmem:v20+s1+$0x0], $0xffff;
	v47 =	vmul.f32 v46, v47  }
0x334: {  	v51 =	vmul.f32 v57, v45;
	v49 =	vmul.f32 v59, v63  }
0x335: {  	v61 =	vld.idx.msk [tilespmem:v21+s1+$0x0], $0xffff  }
0x336: {  	v62 =	vmul.f32 v47, v50;
	v51 =	vmul.f32 v51, v58;
	v49 =	vadd.f32 $0.0e+00, v49  }
0x337: {  	v48 =	vmul.f32 v48, v44;
	v63 =	vld.idx.msk [tilespmem:v22+s1+$0x0], $0xffff  }
0x338: {  	v47 =	vmul.f32 v47, v45;
	v57 =	vmul.f32 v62, v60;
	v49 =	vadd.f32 v49, v51  }
0x339: {  	v58 =	vld.idx.msk [tilespmem:v23+s1+$0x0], $0xffff  }
0x33a: {  	v59 =	vmul.f32 v48, v50;
	v47 =	vmul.f32 v47, v61;
	v49 =	vadd.f32 v49, v57  }
0x33b: {  	v44 =	vmul.f32 v46, v44;
	v60 =	vld.idx.msk [tilespmem:v24+s1+$0x0], $0xffff  }
0x33c: {  	s4 =	sadd.s32 $0xFFFFFFF8, s10;
	v48 =	vmul.f32 v48, v45;
	v61 =	vmul.f32 v59, v63;
	v47 =	vadd.f32 v49, v47  }
0x33d: {  	v50 =	vmul.f32 v44, v50;
	v62 =	vld.idx.msk [tilespmem:v25+s1+$0x0], $0xffff;
	v63 =	vmov s4  }
0x33e: {  	v48 =	vmul.f32 v48, v58;
	v54 =	vshrl.u32 v63, $0x3;
	v47 =	vadd.f32 v47, v61  }
0x33f: {  	v44 =	vmul.f32 v44, v45;
	v55 =	vshll.u32 v54, v9  }
0x340: {  	s6 =	sadd.s32 $0xFFFFFE00, s8;
	v46 =	vmul.f32 v50, v60;
	v45 =	vbroadcast v55, $0x0;
	v47 =	vadd.f32 v47, v48  }
0x341: {  	v56 =	vor.u32 s6, v43  }
0x342: {  	v44 =	vmul.f32 v62, v44;
	v45 =	vor.u32 v10, v45;
	v46 =	vadd.f32 v47, v46;
	_ =	sdelay $0x1  }
0x343: {  	v44 =	vadd.f32 v46, v44;
	_ =	sdelay $0x1  }
0x344: {  	[tilespmem:v56+s31+$0x0] =	vst.idx.msk $0xffff, v44  }
0x345: {  	v44 =	vld.idx.msk [tilespmem:v45+s13+$0x0], $0xffff  }
0x346: {  	v57 =	vld.idx.msk [tilespmem:v45+s14+$0x0], $0xffff  }
0x347: {  	v45 =	vld.idx.msk [tilespmem:v45+s2+$0x0], $0xffff;
	_ =	sdelay $0x3  }
0x348: {  	v44 =	vadd.f32 $1.000000000e+00, v44  }
0x349: {  	v46 =	vadd.f32 $1.000000000e+00, v57;
	v45 =	vadd.f32 $1.000000000e+00, v45  }
0x34a: {  	v44 =	vmul.f32 $5.000000000e-01, v44  }
0x34b: {  	v46 =	vmul.f32 $5.000000000e-01, v46;
	v45 =	vmul.f32 $5.000000000e-01, v45  }
0x34c: {  	v44 =	vmul.f32 v44, v42  }
0x34d: {  	v46 =	vmul.f32 v46, v42;
	v45 =	vmul.f32 v45, v42  }
0x34e: {  	v58 =	vtrunc.f32 v44  }
0x34f: {  	v59 =	vtrunc.f32 v46;
	v60 =	vtrunc.f32 v45  }
0x350: {  	v48 =	vcvt.f32.s32 v59;
	v47 =	vcvt.f32.s32 v58  }
0x351: {  	v49 =	vcvt.f32.s32 v60  }
0x352: {  	v48 =	vcvt.s32.f32 v48;
	v47 =	vcvt.s32.f32 v47  }
0x353: {  	v61 =	vcvt.s32.f32 v49  }
0x354: {  	v46 =	vsub.f32 v46, v48;
	v44 =	vsub.f32 v44, v47  }
0x355: {  	v45 =	vsub.f32 v45, v61  }
0x356: {  	v48 =	vsub.f32 $1.000000000e+00, v46;
	v62 =	vsub.f32 $1.000000000e+00, v44  }
0x357: {  	v63 =	vld.idx.msk [tilespmem:v26+s1+$0x0], $0xffff  }
0x358: {  	v50 =	vsub.f32 $1.000000000e+00, v45;
	v57 =	vmul.f32 v48, v62  }
0x359: {  	v58 =	vld.idx.msk [tilespmem:v27+s1+$0x0], $0xffff  }
0x35a: {  	v59 =	vmul.f32 v57, v50  }
0x35b: {  	v60 =	vld.idx.msk [tilespmem:v28+s1+$0x0], $0xffff;
	v47 =	vmul.f32 v46, v62  }
0x35c: {  	v51 =	vmul.f32 v57, v45;
	v49 =	vmul.f32 v59, v63  }
0x35d: {  	v61 =	vld.idx.msk [tilespmem:v29+s1+$0x0], $0xffff  }
0x35e: {  	v62 =	vmul.f32 v47, v50;
	v51 =	vmul.f32 v51, v58;
	v49 =	vadd.f32 $0.0e+00, v49  }
0x35f: {  	v48 =	vmul.f32 v48, v44;
	v63 =	vld.idx.msk [tilespmem:v30+s1+$0x0], $0xffff  }
0x360: {  	v47 =	vmul.f32 v47, v45;
	v57 =	vmul.f32 v62, v60;
	v49 =	vadd.f32 v49, v51  }
0x361: {  	v58 =	vld.idx.msk [tilespmem:v31+s1+$0x0], $0xffff  }
0x362: {  	v59 =	vmul.f32 v48, v50;
	v47 =	vmul.f32 v47, v61;
	v49 =	vadd.f32 v49, v57  }
0x363: {  	v44 =	vmul.f32 v46, v44;
	v60 =	vld.idx.msk [tilespmem:v32+s1+$0x0], $0xffff  }
0x364: {  	v48 =	vmul.f32 v48, v45;
	v61 =	vmul.f32 v59, v63;
	v47 =	vadd.f32 v49, v47  }
0x365: {  	v50 =	vmul.f32 v44, v50;
	v62 =	vld.idx.msk [tilespmem:v33+s1+$0x0], $0xffff;
	v63 =	vmov s10  }
0x366: {  	v48 =	vmul.f32 v48, v58;
	v52 =	vshrl.u32 v63, $0x3;
	v47 =	vadd.f32 v47, v61  }
0x367: {  	v44 =	vmul.f32 v44, v45;
	v53 =	vshll.u32 v52, v9  }
0x368: {  	v46 =	vmul.f32 v50, v60;
	s10 =	sadd.s32 $0xFFFFFF00, s8;
	v45 =	vbroadcast v53, $0x0;
	v47 =	vadd.f32 v47, v48  }
0x369: {  	v54 =	vor.u32 s10, v43  }
0x36a: {  	v44 =	vmul.f32 v62, v44;
	v45 =	vor.u32 v10, v45;
	v46 =	vadd.f32 v47, v46;
	_ =	sdelay $0x1  }
0x36b: {  	v44 =	vadd.f32 v46, v44;
	_ =	sdelay $0x1  }
0x36c: {  	[tilespmem:v54+s31+$0x0] =	vst.idx.msk $0xffff, v44  }
0x36d: {  	v44 =	vld.idx.msk [tilespmem:v45+s13+$0x0], $0xffff  }
0x36e: {  	v55 =	vld.idx.msk [tilespmem:v45+s14+$0x0], $0xffff  }
0x36f: {  	v45 =	vld.idx.msk [tilespmem:v45+s2+$0x0], $0xffff;
	_ =	sdelay $0x3  }
0x370: {  	v44 =	vadd.f32 $1.000000000e+00, v44  }
0x371: {  	v46 =	vadd.f32 $1.000000000e+00, v55;
	v45 =	vadd.f32 $1.000000000e+00, v45  }
0x372: {  	v44 =	vmul.f32 $5.000000000e-01, v44  }
0x373: {  	v46 =	vmul.f32 $5.000000000e-01, v46;
	v45 =	vmul.f32 $5.000000000e-01, v45  }
0x374: {  	v44 =	vmul.f32 v44, v42  }
0x375: {  	v46 =	vmul.f32 v46, v42;
	v56 =	vmul.f32 v45, v42  }
0x376: {  	v57 =	vtrunc.f32 v44  }
0x377: {  	v58 =	vtrunc.f32 v46;
	v59 =	vtrunc.f32 v56  }
0x378: {  	v45 =	vcvt.f32.s32 v57;
	v47 =	vcvt.f32.s32 v58  }
0x379: {  	v48 =	vcvt.f32.s32 v59  }
0x37a: {  	v45 =	vcvt.s32.f32 v45;
	v47 =	vcvt.s32.f32 v47  }
0x37b: {  	v48 =	vcvt.s32.f32 v48  }
0x37c: {  	v44 =	vsub.f32 v44, v45;
	v45 =	vsub.f32 v46, v47  }
0x37d: {  	v42 =	vsub.f32 v56, v48  }
0x37e: {  	v60 =	vsub.f32 $1.000000000e+00, v44;
	v47 =	vsub.f32 $1.000000000e+00, v45  }
0x37f: {  	v61 =	vld.idx.msk [tilespmem:v34+s1+$0x0], $0xffff  }
0x380: {  	v49 =	vsub.f32 $1.000000000e+00, v42;
	v62 =	vmul.f32 v47, v60  }
0x381: {  	v63 =	vld.idx.msk [tilespmem:v35+s1+$0x0], $0xffff  }
0x382: {  	v56 =	vmul.f32 v62, v49  }
0x383: {  	v57 =	vld.idx.msk [tilespmem:v36+s1+$0x0], $0xffff;
	v46 =	vmul.f32 v45, v60  }
0x384: {  	v50 =	vmul.f32 v62, v42;
	v48 =	vmul.f32 v56, v61  }
0x385: {  	v58 =	vld.idx.msk [tilespmem:v37+s1+$0x0], $0xffff  }
0x386: {  	v59 =	vmul.f32 v46, v49;
	v50 =	vmul.f32 v50, v63;
	v48 =	vadd.f32 $0.0e+00, v48  }
0x387: {  	v60 =	vld.idx.msk [tilespmem:v38+s1+$0x0], $0xffff;
	v47 =	vmul.f32 v47, v44  }
0x388: {  	v46 =	vmul.f32 v46, v42;
	v61 =	vmul.f32 v59, v57;
	v48 =	vadd.f32 v48, v50  }
0x389: {  	v62 =	vld.idx.msk [tilespmem:v39+s1+$0x0], $0xffff  }
0x38a: {  	v63 =	vmul.f32 v47, v49;
	v46 =	vmul.f32 v46, v58;
	v48 =	vadd.f32 v48, v61  }
0x38b: {  	v44 =	vmul.f32 v45, v44;
	v57 =	vld.idx.msk [tilespmem:v40+s1+$0x0], $0xffff  }
0x38c: {  	v58 =	vmul.f32 v47, v42;
	v59 =	vmul.f32 v63, v60;
	v46 =	vadd.f32 v48, v46  }
0x38d: {  	v60 =	vld.idx.msk [tilespmem:v41+s1+$0x0], $0xffff  }
0x38e: {  	v49 =	vmul.f32 v44, v49;
	v45 =	vmul.f32 v58, v62;
	v46 =	vadd.f32 v46, v59;
	_ =	sdelay $0x1  }
0x38f: {  	s0 =	sadd.s32 $0x1, s0;
	v42 =	vmul.f32 v44, v42;
	v62 =	vmul.f32 v49, v57;
	v61 =	vadd.f32 v46, v45  }
0x390: {  	p0 =	sne.s32 s0, $0x10;
	v63 =	vor.u32 s8, v43  }
.Ltmp2:
0x391: {  	v42 =	vmul.f32 v60, v42;
	v44 =	vadd.f32 v61, v62;
	(pc) =	sbr.rel @p0 .LBB2_3-.Ltmp2, $3  }
0x392: {  	_ = 	snop  }
0x393: {  	v42 =	vadd.f32 v44, v42;
	_ =	sdelay $0x1  }
0x394: {  	[tilespmem:v63+s31+$0x0] =	vst.idx.msk $0xffff, v42  }
0x395: {  	s0 =	rddreg [dreg:$0xb]  }
0x396: {  	s1 =	rddreg [dreg:$0x1];
	s0 =	sshll.u32 s0, $0x2  }
0x397: {  	s4 =	simm.s32 $0x2;
	s0 =	sadd.s32 s1, s0  }
0x398: {  	[hbm4b:s0+s2] =	stream.linear.scatter [tilespmem:s31], [sflag:$0x2], $0x8000, $0x38;
	[tilespmem:$0x11C10] =	vst v63  }
0x399: {  	_ =	swait.ge [sflag:s4], $0x8000  }
0x39a: {  	s10 =	rddreg [dreg:$0xa]  }
0x39b: {  	s0 =	sadd.s32 $0x1, s10  }
0x39c: {  	p0 =	sne.s32 s0, $0x10  }
.Ltmp3:
0x39d: {  	_ = 	snop;
	(pc) =	sbr.rel @p0 .LBB2_2-.Ltmp3, $3  }
0x39e: {  	_ =	sdelay $0x1  }
0x39f: {  	[sflag:s4] =	ssyncset.done $0x0  }
0x3a0: {  	[sflag:s4] =	ssyncadd.s32 $0xFFFF8000  }
0x3a1: {  	s1 =	rddreg [dreg:$0x9]  }
0x3a2: {  	s0 =	rddreg [dreg:$0x8];
	s1 =	sadd.s32 $0x1, s1  }
0x3a3: {  	p0 =	sne.s32 s1, s0  }
.Ltmp4:
0x3a4: {  	_ = 	snop;
	(pc) =	sbr.rel @p0 .LBB2_1-.Ltmp4, $1  }
0x3a5: {  	_ =	sdelay $0x3  }
0x3a6: {  	_ =	sfence.sel $0x180000  }
0x3a7: {  	[bflag:$0x0] =	sbarrier.arrive $0xFFFF  }
0x3a8: {  	_ =	strace $0x9000004A  }
0x3a9: {  	s0 =	stileid.u32;
	[bflag:$0x2] =	sbarrier.arrive $0xFFFF  }
0x3aa: {  	p0 =	sne.s32 s0, $0x0;
	s0 =	rddreg [dreg:$0x2]  }
0x3ab: {  	s0 =	sadd.s32 @!p0 $0x100000, s0  }
0x3ac: {  	[sflag:s0] =	ssyncadd.tile.s32 @!p0 $0x1;
	_ =	shalt  }
.Lfunc_end2:
_tile_overlayer_lowered:
.L_overlay_start_2:
0x3ad: {  	(tag) =	ssettag $0x2  }
0x3ae: {  	s0 =	rddreg [dreg:$0x0];
	s2 =	stileid.u32  }
0x3af: {  	s1 =	rddreg [dreg:$0x1];
	p0 =	sne.s32 s2, $0x0  }
0x3b0: {  	s3 =	rddreg [dreg:$0x2];
	[bflag:$0x3] =	sbarrier.arrive $0xFFFF;
	s2 =	simm.s32 @!p0 $0x1C02  }
0x3b1: {  	[timem:s3], [sflag:s2] =	dma.local @!p0 [hbm:s0], s1  }
0x3b2: {  	s0 =	simm.s32 @!p0 $0x2  }
0x3b3: {  	_ =	swait.ge @!p0 [sflag:s0], s1  }
0x3b4: {  	s1 =	ssub.s32 @!p0 $0x0, s1;
	[sflag:s0] =	ssyncset.done @!p0 $0x0  }
0x3b5: {  	[sflag:s0] =	ssyncadd.s32 @!p0 s1  }
0x3b6: {  	[bflag:$0x3] =	sbarrier.arrive $0xFFFF  }
0x3b7: {  	_ =	shalt  }

// kernel: sparse-core-data-format-call.1.cloned.1.call-start
scs
called_computation.1_lowered:
.L_overlay_start_0:
0x0: {  	s1 =	sld [smem:$0x3FD9]  }
0x1: {  	s2 =	sld [smem:$0x3FFE];
	_ =	sdelay $0x1  }
0x2: {  	s3 =	srdreg.scid  }
0x3: {  	s0 =	sand.u32 $0x1, s3  }
0x4: {  	s17 =	sshll.u32 s0, $0xA;
	s1 =	sadd.s32 s2, s1  }
0x5: {  	s1 =	sadd.s32 s1, s17  }
0x6: {  	[smem:$0x3FC6] =	sst s1  }
0x7: {  	_ = 	snop  }
0x8: {  	(tm) =	ssettm $0x1  }
0x9: {  	s18 =	sld [smem:$0x3FFB];
	_ =	sdelay $0x3  }
0xa: {  	_ =	strace s18  }
0xb: {  	s1 =	sld [smem:$0x3FFC];
	_ =	sdelay $0x3  }
0xc: {  	_ =	strace s1  }
0xd: {  	s1 =	sld [smem:$0x3FFD];
	_ =	sdelay $0x3  }
0xe: {  	_ =	strace s1  }
0xf: {  	_ =	strace $0x8FFFFFFF  }
0x10: {  	s19 =	sld [smem:$0x3FDB];
	_ =	sdelay $0x1  }
0x11: {  	s20 =	simm.s32 $_scs_section_size  }
0x12: {  	s4 =	simm.s32 $_size__tile_overlayer_lowered;
	s5 =	simm.s32 $_tile_overlayer_lowered  }
0x13: {  	s23 =	simm.s32 $0x1BFF;
	s22 =	sshll.u32 s5, $0x1;
	s1 =	sadd.s32 s20, s19  }
0x14: {  	s6 =	simm.s32 $0x0;
	s21 =	sshll.u32 s4, $0x1;
	s4 =	sadd.s32 s22, s1  }
0x15: {  	[timem:s6], [sflag:s23] =	dma.local [hbm:s4], s21  }
0x16: {  	_ =	swait.ge [sflag:s23], s21  }
0x17: {  	s2 =	ssub.s32 $0x0, s21;
	[sflag:s23] =	ssyncset.done $0x0  }
0x18: {  	[sflag:s23] =	ssyncadd.s32 s2;
	_ =	sdelay $0x1  }
0x19: {  	s24 =	simm.s32 $0x1B8B  }
0x1a: {  	_ =	swait.ge [sflag:s24], $0x1  }
0x1b: {  	[sflag:s24] =	ssyncset.done $0x0  }
0x1c: {  	s26 =	simm.s32 $0x1B8E;
	s25 =	sld [smem:$0x3FFE];
	[sflag:s24] =	ssyncadd.s32 $0xFFFFFFFF  }
0x1d: {  	s27 =	simm.s32 $execute0_lowered;
	[smem:$0x3FD2] =	sst s26  }
0x1e: {  	s4 =	sshll.u32 s27, $0x1;
	_ =	strace $0x80000046;
	[dreg:$0x1] =	wrdreg $0xFFFFFFFF  }
0x1f: {  	s28 =	simm.s32 $_size_execute0_lowered;
	s1 =	sadd.s32 s1, s4;
	[dreg:$0x0] =	wrdreg $0x0  }
0x20: {  	s4 =	sshll.u32 s28, $0x1;
	[dreg:$0x2] =	wrdreg s1  }
0x21: {  	[dreg:$0x3] =	wrdreg s4  }
0x22: {  	[dreg:$0x4] =	wrdreg $0xC0  }
0x23: {  	_ =	task [dreg:s6], $0x5FFFF  }
0x24: {  	[dreg:$0x1] =	wrdreg $0xFFFFFFFF  }
0x25: {  	[dreg:$0x0] =	wrdreg $0x60  }
0x26: {  	[dreg:$0x2] =	wrdreg s25  }
0x27: {  	[dreg:$0x3] =	wrdreg $0x9  }
0x28: {  	_ =	task.clear_ibuf [dreg:s6], $0x4FFFF;
	_ =	strace $0x90000046  }
0x29: {  	s29 =	simm.s32 $0x9;
	_ =	strace $0x80000048  }
0x2a: {  	_ =	swait.ge [sflag:s29], $0x1  }
0x2b: {  	[sflag:s29] =	ssyncadd.s32 $0xFFFFFFFF  }
0x2c: {  	_ =	strace $0x90000048  }
0x2d: {  	_ =	sfence  }
0x2e: {  	s30 =	sld [smem:$0x0];
	_ =	sdelay $0x2  }
0x2f: {  	s31 =	sshll.u32 s3, $0xD;
	s3 =	sshrl.u32 s3, $0x2  }
0x30: {  	s2 =	sand.u32 $0x4000, s31;
	s1 =	sadd.s32 s3, s30  }
0x31: {  	s0 =	sor.u32 s2, s0;
	s1 =	sshll.u32 s1, $0x11  }
0x32: {  	s0 =	sor.u32 s1, s0  }
0x33: {  	s0 =	sadd.s32 $0x8F2B, s0  }
0x34: {  	[sflag:s0] =	ssyncadd.remote.s32 $0x1  }
0x35: {  	_ =	sfence.sel $0xFFFF  }
0x36: {  	[dreg:$0x0] =	wrdreg $0xFFFFFFFF;
	(pc) =	sbr.abs _section_cstart, $3  }
0x37: {  	[dreg:$0x1] =	wrdreg $0xFFFFFFFF  }
0x38: {  	_ =	task.clear_ibuf [dreg:s6], $0x2FFFF;
	_ =	strace $0x9FFFFFFF  }
0x39: {  	(tm) =	ssettm $0x7FFFFFFF  }
tec
execute0_lowered:
.L_overlay_start_1:
0x0: {  	(tag) =	ssettag $0x1  }
0x1: {  	s3 =	rddreg [dreg:$0x0];
	s1 =	srdreg.scid  }
0x2: {  	s0 =	rddreg [dreg:$0x1];
	_ =	strace $0x80000047;
	s4 =	simm.s32 $0x1  }
0x3: {  	s7 =	simm.s32 $0x2;
	s15 =	simm.s32 $0x0;
	p0 =	por $0x0, $0x0  }
0x4: {  	s13 =	simm.s32 $0x0;
	s14 =	simm.s32 $0x0;
	s1 =	sshll.u32 s1, $0xB  }
0x5: {  	s10 =	simm.s32 $0x0;
	s11 =	stileid.u32;
	s1 =	sand.u32 $0x800, s1  }
.Ltmp0:
0x6: {  	s2 =	sadd.s32 $0x201400, s3;
	s6 =	ssub.s32 $0x80000, s1;
	(pc) =	sbr.rel .LBB1_1-.Ltmp0, $4  }
0x7: {  	s12 =	simm.s32 $0x0;
	s5 =	sadd.s32 $0xA01400, s3;
	s31 =	sshrl.u32 s6, $0xB  }
0x8: {  	[sflag:s4] =	ssyncpa.u1 $0x0;
	s6 =	sshrl.u32 s6, $0xC;
	s8 =	sand.u32 $0x1, s31  }
0x9: {  	s3 =	stileid.u32;
	[sflag:s7] =	ssyncpa.u1 $0x0;
	s6 =	sadd.s32 s6, s8  }
0xa: {  	s9 =	smov.u32 s1;
	s8 =	simm.s32 $0x80;
	s7 =	sadd.s32 $0x1, s6  }
.LBB1_7:
0xb: {  	s16 =	sadd.s32 $0x1000, s9  }
0xc: {  	s13 =	sadd.s32 $0x8, s10;
	s17 =	smov.u32 s10;
	p2 =	sgt.s32 s16, $0x7FFFF  }
0xd: {  	s17 =	smov.u32 @p2 s13  }
0xe: {  	s19 =	smov.u32 s11;
	s13 =	sadd.s32 $0x10, s11;
	p3 =	sgt.s32 s17, $0x7  }
0xf: {  	s19 =	smov.u32 @p3 s13  }
0x10: {  	s16 =	smov.u32 @p2 s1;
	p2 =	sgt.s32 s19, $0xF  }
0x11: {  	p1 =	slt.u32 s12, $0x2;
	s19 =	smov.u32 @p2 s3;
	p2 =	sne.s32 s12, s7  }
.Ltmp1:
0x12: {  	s18 =	simm.s32 @!p1 $0x2;
	(pc) =	sbr.rel @!p2 .LBB1_8-.Ltmp1, $4  }
0x13: {  	s15 =	smov.u32 s9;
	s14 =	smov.u32 s11;
	_ =	swait.ge @!p1 [sflag:s18], $0x4000  }
0x14: {  	p0 =	por !p0, !p0;
	[sflag:s18] =	ssyncset.done @!p1 $0x0;
	s9 =	smov.u32 s16  }
0x15: {  	s17 =	simm.s32 @p3 $0x0;
	s13 =	smov.u32 s10;
	[sflag:s18] =	ssyncadd.s32 @!p1 $0xFFFFC000  }
0x16: {  	s10 =	smov.u32 s17;
	s12 =	sadd.s32 $0x1, s12;
	s11 =	smov.u32 s19  }
.LBB1_1:
0x17: {  	p1 =	sge.u32 s12, s6  }
0x18: {  	s31 =	sadd.s32 $0xFFFFFFFF, s12;
	s16 =	sxor.u32 @!p1 $0xFFFFFFFF, s12;
	s17 =	sshll.u32 @!p1 s10, $0x7  }
0x19: {  	s18 =	sand.u32 @!p1 $0x78, s9;
	s19 =	sshll.u32 @!p1 s9, $0x3;
	s17 =	sand.u32 @!p1 $0x380, s17  }
0x1a: {  	s19 =	sand.u32 @!p1 $0x7FC00, s19;
	s17 =	sor.u32 @!p1 s17, s18;
	s18 =	sshll.u32 @!p1 s11, $0x13  }
0x1b: {  	s17 =	sor.u32 @!p1 s19, s17;
	s19 =	sand.u32 @!p1 $0x70000, s9;
	s18 =	sadd.s32 @!p1 s2, s18  }
0x1c: {  	s16 =	sshll.u32 @!p1 s16, $0xE;
	s17 =	sshrl.u32 @!p1 s17, $0x3;
	s18 =	sadd.s32 @!p1 s19, s18  }
0x1d: {  	s16 =	sand.u32 @!p1 $0x4000, s16;
	s17 =	sadd.s32 @!p1 s17, s18;
	s18 =	sand.u32 @!p1 $0x7, s9  }
0x1e: {  	[tilespmem:s16], [sflag:$0x1] =	stream.linear.gather @!p1 [hbm4b:s17+s18], $0x4000, $0x38;
	[tilespmem:$0x11000] =	vst v63  }
0x1f: {  	p1 =	sge.u32 s31, s6  }
.Ltmp2:
0x20: {  	_ = 	snop;
	(pc) =	sbr.rel @p1 .LBB1_7-.Ltmp2, $1  }
0x21: {  	_ =	sdelay $0x3  }
0x22: {  	s16 =	simm.s32 $0x1;
	s18 =	sand.u32 $0x1, s12  }
0x23: {  	_ =	swait.ge [sflag:s4], $0x4000;
	s16 =	simm.s32 @!p0 $0x0;
	s19 =	smul.u32 $0x12000, s18  }
0x24: {  	[sflag:s4] =	ssyncset.done $0x0;
	s17 =	smul.u32 $0x12000, s16  }
0x25: {  	s16 =	sshll.u32 s16, $0xE;
	[sflag:s4] =	ssyncadd.s32 $0xFFFFC000  }
0x26: {  	s18 =	sor.u32 $0x800, s16;
	s31 =	sshrl.u32 s19, $0x2;
	s17 =	sshrl.u32 s17, $0x2  }
0x27: {  	s19 =	simm.s32 $0x0;
	s16 =	sor.u32 $0x8000, s31;
	s17 =	sadd.s32 $0x9170, s17  }
.LBB1_3:
0x28: {  	v0 =	vld [tilespmem:s18+$0x470]  }
0x29: {  	v1 =	vld [tilespmem:s18+$0xFFFFF810]  }
0x2a: {  	v2 =	vld [tilespmem:s18+$0xFFFFF820]  }
0x2b: {  	v3 =	vld [tilespmem:s18+$0xFFFFF830]  }
0x2c: {  	v4 =	vld [tilespmem:s18+$0xFFFFF840]  }
0x2d: {  	v5 =	vld [tilespmem:s18+$0xFFFFF850];
	[tilespmem:s17+$0x0 ss:$0x9] =	vst.msk $0xffff, v0  }
0x2e: {  	[tilespmem:s17+$0xFFFFEF20 ss:$0x9] =	vst.msk $0xffff, v1;
	v0 =	vld [tilespmem:s18+$0xFFFFF860]  }
0x2f: {  	[tilespmem:s17+$0xFFFFEFB0 ss:$0x9] =	vst.msk $0xffff, v2;
	v1 =	vld [tilespmem:s18+$0xFFFFF870]  }
0x30: {  	[tilespmem:s17+$0xFFFFF040 ss:$0x9] =	vst.msk $0xffff, v3;
	v2 =	vld [tilespmem:s18+$0xFFFFFC00]  }
0x31: {  	[tilespmem:s17+$0xFFFFF0D0 ss:$0x9] =	vst.msk $0xffff, v4;
	v3 =	vld [tilespmem:s18+$0xFFFFFC10]  }
0x32: {  	[tilespmem:s17+$0xFFFFF160 ss:$0x9] =	vst.msk $0xffff, v5;
	v4 =	vld [tilespmem:s18+$0xFFFFFC20]  }
0x33: {  	v5 =	vld [tilespmem:s18+$0x420];
	[tilespmem:s17+$0xFFFFF1F0 ss:$0x9] =	vst.msk $0xffff, v0  }
0x34: {  	v0 =	vld [tilespmem:s18+$0xFFFFFC30];
	[tilespmem:s17+$0xFFFFF280 ss:$0x9] =	vst.msk $0xffff, v1  }
0x35: {  	v1 =	vld [tilespmem:s18+$0xFFFFFC40];
	[tilespmem:s17+$0xFFFFF310 ss:$0x9] =	vst.msk $0xffff, v2  }
0x36: {  	[tilespmem:s17+$0xFFFFF3A0 ss:$0x9] =	vst.msk $0xffff, v3;
	v3 =	vld [tilespmem:s18+$0xFFFFFC60]  }
0x37: {  	[tilespmem:s17+$0xFFFFF430 ss:$0x9] =	vst.msk $0xffff, v4;
	v4 =	vld [tilespmem:s18+$0xFFFFFC70]  }
0x38: {  	v2 =	vld [tilespmem:s18+$0xFFFFFC50];
	[tilespmem:s17+$0xFFFFFD30 ss:$0x9] =	vst.msk $0xffff, v5  }
0x39: {  	[tilespmem:s17+$0xFFFFF4C0 ss:$0x9] =	vst.msk $0xffff, v0;
	v0 =	vld [tilespmem:s18+$0x0]  }
0x3a: {  	[tilespmem:s17+$0xFFFFF550 ss:$0x9] =	vst.msk $0xffff, v1;
	v1 =	vld [tilespmem:s18+$0x10]  }
0x3b: {  	[tilespmem:s17+$0xFFFFF670 ss:$0x9] =	vst.msk $0xffff, v3;
	v3 =	vld [tilespmem:s18+$0x30]  }
0x3c: {  	[tilespmem:s17+$0xFFFFF700 ss:$0x9] =	vst.msk $0xffff, v4;
	v4 =	vld [tilespmem:s18+$0x40]  }
0x3d: {  	[tilespmem:s17+$0xFFFFF5E0 ss:$0x9] =	vst.msk $0xffff, v2;
	v2 =	vld [tilespmem:s18+$0x20]  }
0x3e: {  	[tilespmem:s17+$0xFFFFF790 ss:$0x9] =	vst.msk $0xffff, v0;
	v0 =	vld [tilespmem:s18+$0x50]  }
0x3f: {  	[tilespmem:s17+$0xFFFFF820 ss:$0x9] =	vst.msk $0xffff, v1;
	v1 =	vld [tilespmem:s18+$0x60]  }
0x40: {  	[tilespmem:s17+$0xFFFFF940 ss:$0x9] =	vst.msk $0xffff, v3;
	v3 =	vld [tilespmem:s18+$0x400]  }
0x41: {  	[tilespmem:s17+$0xFFFFF9D0 ss:$0x9] =	vst.msk $0xffff, v4;
	v4 =	vld [tilespmem:s18+$0x410]  }
0x42: {  	[tilespmem:s17+$0xFFFFF8B0 ss:$0x9] =	vst.msk $0xffff, v2;
	v2 =	vld [tilespmem:s18+$0x70]  }
0x43: {  	[tilespmem:s17+$0xFFFFFA60 ss:$0x9] =	vst.msk $0xffff, v0;
	v0 =	vld [tilespmem:s18+$0x430]  }
0x44: {  	[tilespmem:s17+$0xFFFFFAF0 ss:$0x9] =	vst.msk $0xffff, v1;
	v1 =	vld [tilespmem:s18+$0x440]  }
0x45: {  	[tilespmem:s17+$0xFFFFFC10 ss:$0x9] =	vst.msk $0xffff, v3;
	v3 =	vld [tilespmem:s18+$0x450]  }
0x46: {  	[tilespmem:s17+$0xFFFFFCA0 ss:$0x9] =	vst.msk $0xffff, v4;
	v4 =	vld [tilespmem:s18+$0x460]  }
0x47: {  	s21 =	simm.s32 $0x0;
	s22 =	sadd.s32 $0x1000, s18;
	s20 =	smov.u32 s17;
	[tilespmem:s17+$0xFFFFFB80 ss:$0x9] =	vst.msk $0xffff, v2;
	v2 =	vld [tilespmem:s18+$0xFFFFF800]  }
.LBB1_4:
0x48: {  	v5 =	vld [tilespmem:s22+$0x470];
	s21 =	sadd.s32 $0x200, s21;
	[tilespmem:s20+$0xFFFFFDC0 ss:$0x9] =	vst.msk $0xffff, v0  }
0x49: {  	v0 =	vld [tilespmem:s22+$0xFFFFF810];
	p1 =	slt.u32 s21, $0x600;
	[tilespmem:s20+$0xFFFFFE50 ss:$0x9] =	vst.msk $0xffff, v1  }
0x4a: {  	v1 =	vld [tilespmem:s22+$0xFFFFF820];
	[tilespmem:s20+$0xFFFFFEE0 ss:$0x9] =	vst.msk $0xffff, v3  }
0x4b: {  	v3 =	vld [tilespmem:s22+$0xFFFFF830];
	[tilespmem:s20+$0xFFFFFF70 ss:$0x9] =	vst.msk $0xffff, v4  }
0x4c: {  	v4 =	vld [tilespmem:s22+$0xFFFFF840];
	[tilespmem:s20+$0xFFFFEE90 ss:$0x9] =	vst.msk $0xffff, v2;
	s20 =	sadd.s32 $0x1200, s20  }
0x4d: {  	v2 =	vld [tilespmem:s22+$0xFFFFF850];
	[tilespmem:s20+$0x0 ss:$0x9] =	vst.msk $0xffff, v5  }
0x4e: {  	[tilespmem:s20+$0xFFFFEF20 ss:$0x9] =	vst.msk $0xffff, v0;
	v0 =	vld [tilespmem:s22+$0xFFFFF860]  }
0x4f: {  	[tilespmem:s20+$0xFFFFEFB0 ss:$0x9] =	vst.msk $0xffff, v1;
	v1 =	vld [tilespmem:s22+$0xFFFFF870]  }
0x50: {  	[tilespmem:s20+$0xFFFFF040 ss:$0x9] =	vst.msk $0xffff, v3;
	v3 =	vld [tilespmem:s22+$0xFFFFFC00]  }
0x51: {  	[tilespmem:s20+$0xFFFFF0D0 ss:$0x9] =	vst.msk $0xffff, v4;
	v4 =	vld [tilespmem:s22+$0xFFFFFC10]  }
0x52: {  	[tilespmem:s20+$0xFFFFF160 ss:$0x9] =	vst.msk $0xffff, v2;
	v2 =	vld [tilespmem:s22+$0xFFFFFC20]  }
0x53: {  	[tilespmem:s20+$0xFFFFF1F0 ss:$0x9] =	vst.msk $0xffff, v0;
	v0 =	vld [tilespmem:s22+$0xFFFFFC30]  }
0x54: {  	[tilespmem:s20+$0xFFFFF280 ss:$0x9] =	vst.msk $0xffff, v1;
	v1 =	vld [tilespmem:s22+$0xFFFFFC40]  }
0x55: {  	[tilespmem:s20+$0xFFFFF310 ss:$0x9] =	vst.msk $0xffff, v3;
	v3 =	vld [tilespmem:s22+$0xFFFFFC50]  }
0x56: {  	[tilespmem:s20+$0xFFFFF3A0 ss:$0x9] =	vst.msk $0xffff, v4;
	v4 =	vld [tilespmem:s22+$0xFFFFFC60]  }
0x57: {  	[tilespmem:s20+$0xFFFFF430 ss:$0x9] =	vst.msk $0xffff, v2;
	v2 =	vld [tilespmem:s22+$0xFFFFFC70]  }
0x58: {  	[tilespmem:s20+$0xFFFFF4C0 ss:$0x9] =	vst.msk $0xffff, v0;
	v0 =	vld [tilespmem:s22+$0x0]  }
0x59: {  	[tilespmem:s20+$0xFFFFF550 ss:$0x9] =	vst.msk $0xffff, v1;
	v1 =	vld [tilespmem:s22+$0x10]  }
0x5a: {  	[tilespmem:s20+$0xFFFFF5E0 ss:$0x9] =	vst.msk $0xffff, v3;
	v3 =	vld [tilespmem:s22+$0x20]  }
0x5b: {  	[tilespmem:s20+$0xFFFFF670 ss:$0x9] =	vst.msk $0xffff, v4;
	v4 =	vld [tilespmem:s22+$0x30]  }
0x5c: {  	[tilespmem:s20+$0xFFFFF700 ss:$0x9] =	vst.msk $0xffff, v2;
	v2 =	vld [tilespmem:s22+$0x40]  }
0x5d: {  	[tilespmem:s20+$0xFFFFF790 ss:$0x9] =	vst.msk $0xffff, v0;
	v0 =	vld [tilespmem:s22+$0x50]  }
0x5e: {  	[tilespmem:s20+$0xFFFFF820 ss:$0x9] =	vst.msk $0xffff, v1;
	v1 =	vld [tilespmem:s22+$0x60]  }
0x5f: {  	[tilespmem:s20+$0xFFFFF8B0 ss:$0x9] =	vst.msk $0xffff, v3;
	v3 =	vld [tilespmem:s22+$0x70]  }
0x60: {  	[tilespmem:s20+$0xFFFFF940 ss:$0x9] =	vst.msk $0xffff, v4;
	v4 =	vld [tilespmem:s22+$0x400]  }
0x61: {  	[tilespmem:s20+$0xFFFFF9D0 ss:$0x9] =	vst.msk $0xffff, v2;
	v2 =	vld [tilespmem:s22+$0x410]  }
0x62: {  	[tilespmem:s20+$0xFFFFFA60 ss:$0x9] =	vst.msk $0xffff, v0;
	v5 =	vld [tilespmem:s22+$0x420]  }
.Ltmp3:
0x63: {  	[tilespmem:s20+$0xFFFFFAF0 ss:$0x9] =	vst.msk $0xffff, v1;
	v0 =	vld [tilespmem:s22+$0x430];
	(pc) =	sbr.rel @p1 .LBB1_4-.Ltmp3, $4  }
0x64: {  	[tilespmem:s20+$0xFFFFFB80 ss:$0x9] =	vst.msk $0xffff, v3;
	v1 =	vld [tilespmem:s22+$0x440]  }
0x65: {  	[tilespmem:s20+$0xFFFFFC10 ss:$0x9] =	vst.msk $0xffff, v4;
	v3 =	vld [tilespmem:s22+$0x450]  }
0x66: {  	[tilespmem:s20+$0xFFFFFCA0 ss:$0x9] =	vst.msk $0xffff, v2;
	v4 =	vld [tilespmem:s22+$0x460]  }
0x67: {  	v2 =	vld [tilespmem:s22+$0xFFFFF800];
	[tilespmem:s20+$0xFFFFFD30 ss:$0x9] =	vst.msk $0xffff, v5;
	s22 =	sadd.s32 $0x1000, s22  }
0x68: {  	s19 =	sadd.s32 $0x1, s19  }
0x69: {  	p1 =	sne.s32 s19, $0x8  }
.Ltmp4:
0x6a: {  	[tilespmem:s20+$0xFFFFFDC0 ss:$0x9] =	vst.msk $0xffff, v0;
	(pc) =	sbr.rel @p1 .LBB1_3-.Ltmp4, $4  }
0x6b: {  	[tilespmem:s20+$0xFFFFFE50 ss:$0x9] =	vst.msk $0xffff, v1  }
0x6c: {  	[tilespmem:s20+$0xFFFFFEE0 ss:$0x9] =	vst.msk $0xffff, v3  }
0x6d: {  	[tilespmem:s20+$0xFFFFFF70 ss:$0x9] =	vst.msk $0xffff, v4  }
0x6e: {  	s17 =	sadd.s32 $0x1, s17;
	s18 =	sadd.s32 $0x80, s18;
	[tilespmem:s20+$0xFFFFEE90 ss:$0x9] =	vst.msk $0xffff, v2  }
0x6f: {  	s15 =	sshll.u32 s15, $0x7;
	s17 =	sshll.u32 s13, $0x3  }
0x70: {  	s14 =	sshll.u32 s14, $0x17;
	s18 =	sand.u32 $0x3FFFC00, s15;
	s17 =	sand.u32 $0x3FFFC00, s17  }
0x71: {  	s30 =	sshrl.u32 s13, $0x3;
	s15 =	sand.u32 $0x380, s15;
	s17 =	sadd.s32 s17, s18  }
.Ltmp5:
0x72: {  	s31 =	sand.u32 $0x7, s13;
	s15 =	sor.u32 s15, s17;
	(pc) =	sbr.rel .LBB1_7-.Ltmp5, $4  }
0x73: {  	s14 =	sadd.s32 s5, s14;
	s17 =	sand.u32 $0xF, s30;
	s15 =	sshrl.u32 s15, $0x3  }
0x74: {  	s13 =	sshll.u32 s31, $0x12;
	s14 =	sadd.s32 s17, s14;
	s15 =	sand.u32 $0x7FFFF0, s15  }
0x75: {  	s13 =	sor.u32 $0x8, s13;
	s14 =	sadd.s32 s15, s14  }
0x76: {  	[hbm4b:s14+s13] =	stream.strided.scatter [tilespmem:s16], [sflag:$0x2], $0x4000, s8, s13, $0x0;
	[tilespmem:$0x11000] =	vst v63  }
.LBB1_8:
0x77: {  	_ =	sfence.sel $0x180000  }
0x78: {  	s1 =	simm.s32 $0x1;
	[bflag:$0x0] =	sbarrier.arrive $0xFFFF  }
0x79: {  	s31 =	simm.s32 $0x2;
	[sflag:s1] =	ssyncpa.u1 $0x1  }
0x7a: {  	[sflag:s31] =	ssyncpa.u1 $0x1  }
0x7b: {  	p0 =	sne.s32 s3, $0x0;
	_ =	strace $0x90000047  }
0x7c: {  	s0 =	sadd.s32 @!p0 $0x100000, s0;
	[bflag:$0x2] =	sbarrier.arrive $0xFFFF  }
0x7d: {  	[sflag:s0] =	ssyncadd.tile.s32 @!p0 $0x1;
	_ =	shalt  }
.Lfunc_end1:
_tile_overlayer_lowered:
.L_overlay_start_2:
0x7e: {  	(tag) =	ssettag $0x2  }
0x7f: {  	s0 =	rddreg [dreg:$0x0];
	s2 =	stileid.u32  }
0x80: {  	s1 =	rddreg [dreg:$0x1];
	p0 =	sne.s32 s2, $0x0  }
0x81: {  	s3 =	rddreg [dreg:$0x2];
	[bflag:$0x3] =	sbarrier.arrive $0xFFFF;
	s2 =	simm.s32 @!p0 $0x1C01  }
0x82: {  	[timem:s3], [sflag:s2] =	dma.local @!p0 [hbm:s0], s1  }
0x83: {  	s0 =	simm.s32 @!p0 $0x1  }
0x84: {  	_ =	swait.ge @!p0 [sflag:s0], s1  }
0x85: {  	s1 =	ssub.s32 @!p0 $0x0, s1;
	[sflag:s0] =	ssyncset.done @!p0 $0x0  }
0x86: {  	[sflag:s0] =	ssyncadd.s32 @!p0 s1  }
0x87: {  	[bflag:$0x3] =	sbarrier.arrive $0xFFFF  }
0x88: {  	_ =	shalt  }

// kernel: sparse-core-data-format-call.cloned.1.call-start
scs
called_computation_lowered:
.L_overlay_start_0:
0x0: {  	s2 =	sld [smem:$0x3FD9]  }
0x1: {  	s3 =	sld [smem:$0x3FFE];
	_ =	sdelay $0x1  }
0x2: {  	s1 =	srdreg.scid  }
0x3: {  	s0 =	sand.u32 $0x1, s1  }
0x4: {  	s18 =	sshll.u32 s0, $0xA;
	s2 =	sadd.s32 s3, s2  }
0x5: {  	s2 =	sadd.s32 s2, s18  }
0x6: {  	[smem:$0x3FC6] =	sst s2  }
0x7: {  	_ = 	snop  }
0x8: {  	s2 =	sld [smem:$0x3FD0];
	(tm) =	ssettm $0x1  }
0x9: {  	s19 =	sld [smem:$0x3FFB];
	_ =	sdelay $0x3  }
0xa: {  	_ =	strace s19  }
0xb: {  	s3 =	sld [smem:$0x3FFC];
	_ =	sdelay $0x3  }
0xc: {  	_ =	strace s3  }
0xd: {  	s3 =	sld [smem:$0x3FFD];
	_ =	sdelay $0x3  }
0xe: {  	_ =	strace s3  }
0xf: {  	_ =	strace $0x8FFFFFFF  }
0x10: {  	s20 =	sld [smem:$0x3FDB];
	_ =	sdelay $0x1  }
0x11: {  	s4 =	simm.s32 $_scs_section_size  }
0x12: {  	s5 =	simm.s32 $_size__tile_overlayer_lowered;
	s6 =	simm.s32 $_tile_overlayer_lowered  }
0x13: {  	s23 =	simm.s32 $0x1BFF;
	s22 =	sshll.u32 s6, $0x1;
	s3 =	sadd.s32 s4, s20  }
0x14: {  	s7 =	simm.s32 $0x0;
	s21 =	sshll.u32 s5, $0x1;
	s5 =	sadd.s32 s22, s3  }
0x15: {  	[timem:s7], [sflag:s23] =	dma.local [hbm:s5], s21  }
0x16: {  	_ =	swait.ge [sflag:s23], s21  }
0x17: {  	s4 =	ssub.s32 $0x0, s21;
	[sflag:s23] =	ssyncset.done $0x0  }
0x18: {  	[sflag:s23] =	ssyncadd.s32 s4;
	_ =	sdelay $0x1  }
0x19: {  	s24 =	simm.s32 $0x1B8B  }
0x1a: {  	_ =	swait.ge [sflag:s24], $0x1  }
0x1b: {  	[sflag:s24] =	ssyncset.done $0x0  }
0x1c: {  	s26 =	simm.s32 $0x1B8E;
	s25 =	sld [smem:$0x3FFE];
	[sflag:s24] =	ssyncadd.s32 $0xFFFFFFFF  }
0x1d: {  	s27 =	simm.s32 $execute0_lowered;
	[smem:$0x3FD2] =	sst s26  }
0x1e: {  	s5 =	sshll.u32 s27, $0x1;
	_ =	strace $0x8000004C;
	[dreg:$0x1] =	wrdreg $0xFFFFFFFF  }
0x1f: {  	s28 =	simm.s32 $_size_execute0_lowered;
	s3 =	sadd.s32 s3, s5;
	[dreg:$0x0] =	wrdreg $0x0  }
0x20: {  	s5 =	sshll.u32 s28, $0x1;
	[dreg:$0x2] =	wrdreg s3  }
0x21: {  	[dreg:$0x3] =	wrdreg s5  }
0x22: {  	[dreg:$0x4] =	wrdreg $0xC0  }
0x23: {  	_ =	task [dreg:s7], $0x5FFFF  }
0x24: {  	[dreg:$0x1] =	wrdreg $0xFFFFFFFF  }
0x25: {  	[dreg:$0x0] =	wrdreg $0x60  }
0x26: {  	[dreg:$0x2] =	wrdreg s25  }
0x27: {  	[dreg:$0x3] =	wrdreg s2  }
0x28: {  	[dreg:$0x4] =	wrdreg $0x9  }
0x29: {  	_ =	task.clear_ibuf [dreg:s7], $0x5FFFF;
	_ =	strace $0x9000004C  }
0x2a: {  	s29 =	simm.s32 $0x9;
	_ =	strace $0x8000004E  }
0x2b: {  	_ =	swait.ge [sflag:s29], $0x1  }
0x2c: {  	[sflag:s29] =	ssyncadd.s32 $0xFFFFFFFF  }
0x2d: {  	_ =	strace $0x9000004E  }
0x2e: {  	_ =	sfence  }
0x2f: {  	s30 =	sld [smem:$0x0];
	_ =	sdelay $0x2  }
0x30: {  	s31 =	sshll.u32 s1, $0xD;
	s1 =	sshrl.u32 s1, $0x2  }
0x31: {  	s3 =	sand.u32 $0x4000, s31;
	s1 =	sadd.s32 s1, s30  }
0x32: {  	s0 =	sor.u32 s3, s0;
	s1 =	sshll.u32 s1, $0x11  }
0x33: {  	s0 =	sor.u32 s1, s0  }
0x34: {  	s0 =	sadd.s32 $0x8F2B, s0  }
0x35: {  	[sflag:s0] =	ssyncadd.remote.s32 $0x1  }
0x36: {  	_ =	sfence.sel $0xFFFF  }
0x37: {  	[dreg:$0x0] =	wrdreg $0xFFFFFFFF;
	(pc) =	sbr.abs _section_cstart, $3  }
0x38: {  	[dreg:$0x1] =	wrdreg $0xFFFFFFFF  }
0x39: {  	_ =	task.clear_ibuf [dreg:s7], $0x2FFFF;
	_ =	strace $0x9FFFFFFF  }
0x3a: {  	(tm) =	ssettm $0x7FFFFFFF  }
0x3b: {  	_ =	shalt  }
tec
execute0_lowered:
.L_overlay_start_1:
0x0: {  	(tag) =	ssettag $0x1  }
0x1: {  	s0 =	srdreg.scid  }
0x2: {  	s1 =	sshll.u32 s0, $0x4  }
0x3: {  	s4 =	rddreg [dreg:$0x0];
	s0 =	stileid.u32;
	s1 =	sand.u32 $0x10, s1  }
0x4: {  	s2 =	rddreg [dreg:$0x1];
	s7 =	simm.s32 $0x1;
	s1 =	sor.u32 s0, s1  }
0x5: {  	s8 =	simm.s32 $0x2;
	s11 =	simm.s32 $0x0;
	s3 =	sshll.u32 s1, $0x2  }
0x6: {  	s10 =	simm.s32 $0x0;
	s4 =	sadd.s32 $0x1400, s4;
	s6 =	ssub.s32 $0x1000, s3  }
.Ltmp0:
0x7: {  	s1 =	rddreg [dreg:$0x2];
	s5 =	sand.u32 $0x7C, s6;
	(pc) =	sbr.rel .LBB1_1-.Ltmp0, $4  }
0x8: {  	_ =	strace $0x8000004D;
	s9 =	smov.u32 s3;
	p0 =	sne.s32 s5, $0x0  }
0x9: {  	s6 =	sshrl.u32 s6, $0x7;
	s5 =	simm.s32 $0x1;
	s7 =	simm.s32 @!p0 $0x0  }
0xa: {  	[sflag:s5] =	ssyncpa.u1 $0x0;
	p0 =	por $0x0, $0x0;
	s6 =	sadd.s32 s7, s6  }
0xb: {  	[sflag:s8] =	ssyncpa.u1 $0x0;
	s8 =	simm.s32 $0x0;
	s7 =	sadd.s32 $0x1, s6  }
.LBB1_7:
0xc: {  	s13 =	sadd.s32 $0x80, s9  }
0xd: {  	p2 =	sgt.s32 s13, $0xFFF  }
0xe: {  	s13 =	smov.u32 @p2 s3;
	p2 =	sne.s32 s10, s7  }
.Ltmp1:
0xf: {  	p1 =	slt.u32 s10, $0x2;
	(pc) =	sbr.rel @!p2 .LBB1_8-.Ltmp1, $4  }
0x10: {  	s12 =	simm.s32 @!p1 $0x2  }
0x11: {  	s14 =	sadd.s32 $0x1, s10;
	_ =	swait.ge @!p1 [sflag:s12], $0x4000  }
0x12: {  	s11 =	smov.u32 s9;
	p0 =	por !p0, !p0;
	[sflag:s12] =	ssyncset.done @!p1 $0x0  }
0x13: {  	s10 =	smov.u32 s14;
	s9 =	smov.u32 s13;
	[sflag:s12] =	ssyncadd.s32 @!p1 $0xFFFFC000  }
.LBB1_1:
0x14: {  	p1 =	sge.u32 s10, s6  }
0x15: {  	s31 =	sadd.s32 $0xFFFFFFFF, s10;
	s12 =	sxor.u32 @!p1 $0xFFFFFFFF, s10  }
0x16: {  	s13 =	sshll.u32 @!p1 s9, $0xB;
	s14 =	simm.s32 @!p1 $0x20;
	s12 =	sshll.u32 @!p1 s12, $0xE  }
0x17: {  	s15 =	simm.s32 @!p1 $0x80;
	s13 =	sadd.s32 @!p1 s4, s13;
	s12 =	sand.u32 @!p1 $0x4000, s12  }
0x18: {  	[tilespmem:s12], [sflag:$0x1] =	stream.strided.gather @!p1 [hbm4b:s13+s14], $0x4000, s15, s14, $0x38;
	[tilespmem:$0x10100] =	vst v63  }
0x19: {  	p1 =	sge.u32 s31, s6  }
.Ltmp2:
0x1a: {  	_ = 	snop;
	(pc) =	sbr.rel @p1 .LBB1_7-.Ltmp2, $1  }
0x1b: {  	_ =	sdelay $0x3  }
0x1c: {  	s13 =	simm.s32 $0x1;
	s14 =	sand.u32 $0x1, s10  }
0x1d: {  	s13 =	simm.s32 @!p0 $0x0;
	s14 =	smul.u32 $0x10200, s14  }
0x1e: {  	_ =	swait.ge [sflag:s5], $0x4000;
	s12 =	smul.u32 $0x10200, s13  }
0x1f: {  	s15 =	simm.s32 $0x0;
	[sflag:s5] =	ssyncset.done $0x0;
	s13 =	sshll.u32 s13, $0xE  }
0x20: {  	[sflag:s5] =	ssyncadd.s32 $0xFFFFC000;
	s14 =	sshrl.u32 s14, $0x2;
	s12 =	sshrl.u32 s12, $0x2  }
0x21: {  	s13 =	sor.u32 $0x10, s13;
	s14 =	sor.u32 $0x8000, s14;
	s12 =	sor.u32 $0x8000, s12  }
.LBB1_3:
0x22: {  	v1 =	vld [tilespmem:s13+$0x0]  }
0x23: {  	v0 =	vld [tilespmem:s13+$0xFFFFFFF0];
	_ =	sdelay $0x2  }
0x24: {  	s18 =	sadd.s32 $0x0, s12  }
0x25: {  	s16 =	simm.s32 $0x4;
	s17 =	sadd.s32 $0x20, s13;
	[tilespmem:s18+$0x810 ss:$0x81] =	vst.msk $0xffff, v1  }
.LBB1_4:
0x26: {  	v1 =	vld [tilespmem:s17+$0x0];
	p1 =	sne.s32 s16, $0x1FC;
	[tilespmem:s18+$0x0 ss:$0x81] =	vst.msk $0xffff, v0;
	s18 =	smov.u32 s16;
	s16 =	sadd.s32 $0x4, s16  }
.Ltmp3:
0x27: {  	v0 =	vld [tilespmem:s17+$0xFFFFFFF0];
	(pc) =	sbr.rel @p1 .LBB1_4-.Ltmp3, $4  }
0x28: {  	_ = 	snop  }
0x29: {  	s18 =	sshra.s32 s18, $0x2  }
0x2a: {  	s18 =	sadd.s32 s18, s12  }
0x2b: {  	s17 =	sadd.s32 $0x20, s17;
	[tilespmem:s18+$0x810 ss:$0x81] =	vst.msk $0xffff, v1  }
0x2c: {  	s15 =	sadd.s32 $0x1, s15  }
0x2d: {  	p1 =	sne.s32 s15, $0x4  }
.Ltmp4:
0x2e: {  	_ = 	snop;
	(pc) =	sbr.rel @p1 .LBB1_3-.Ltmp4, $2  }
0x2f: {  	_ =	sdelay $0x2  }
0x30: {  	[tilespmem:s18+$0x0 ss:$0x81] =	vst.msk $0xffff, v0;
	s12 =	sadd.s32 $0x1020, s12;
	s13 =	sadd.s32 $0x1000, s13  }
.Ltmp5:
0x31: {  	(pc) =	sbr.rel .LBB1_7-.Ltmp5, $4  }
0x32: {  	_ = 	snop  }
0x33: {  	s11 =	sshll.u32 s11, $0x9  }
0x34: {  	s11 =	sadd.s32 s2, s11  }
0x35: {  	[hbm4b:s11+s8] =	stream.linear.scatter [tilespmem:s14], [sflag:$0x2], $0x4000, $0x20;
	[tilespmem:$0x10100] =	vst v63  }
.LBB1_8:
0x36: {  	_ =	sfence.sel $0x180000  }
0x37: {  	s2 =	simm.s32 $0x1;
	[bflag:$0x0] =	sbarrier.arrive $0xFFFF  }
0x38: {  	s31 =	simm.s32 $0x2;
	[sflag:s2] =	ssyncpa.u1 $0x1  }
0x39: {  	[sflag:s31] =	ssyncpa.u1 $0x1  }
0x3a: {  	p0 =	sne.s32 s0, $0x0;
	_ =	strace $0x9000004D  }
0x3b: {  	s0 =	sadd.s32 @!p0 $0x100000, s1;
	[bflag:$0x2] =	sbarrier.arrive $0xFFFF  }
0x3c: {  	[sflag:s0] =	ssyncadd.tile.s32 @!p0 $0x1;
	_ =	shalt  }
.Lfunc_end1:
_tile_overlayer_lowered:
.L_overlay_start_2:
0x3d: {  	(tag) =	ssettag $0x2  }
0x3e: {  	s0 =	rddreg [dreg:$0x0];
	s2 =	stileid.u32  }
0x3f: {  	s1 =	rddreg [dreg:$0x1];
	p0 =	sne.s32 s2, $0x0  }
0x40: {  	s3 =	rddreg [dreg:$0x2];
	[bflag:$0x3] =	sbarrier.arrive $0xFFFF;
	s2 =	simm.s32 @!p0 $0x1C01  }
0x41: {  	[timem:s3], [sflag:s2] =	dma.local @!p0 [hbm:s0], s1  }
0x42: {  	s0 =	simm.s32 @!p0 $0x1  }
0x43: {  	_ =	swait.ge @!p0 [sflag:s0], s1  }
0x44: {  	s1 =	ssub.s32 @!p0 $0x0, s1;
	[sflag:s0] =	ssyncset.done @!p0 $0x0  }
0x45: {  	[sflag:s0] =	ssyncadd.s32 @!p0 s1  }
0x46: {  	[bflag:$0x3] =	sbarrier.arrive $0xFFFF  }
0x47: {  	_ =	shalt  }

</sc_bundles>
